<compile_context>
chip_gen: v7x
topology: tpu7x:2x2x1
jax: 0.10.2.dev20260603
libtpu: 0.0.44.dev20260713+nightly
codegen_flags: <defaults>
</compile_context>

<pallas_src>
import functools

import jax
import jax.numpy as jnp
from jax import lax
from jax.experimental import pallas as pl
from jax.experimental.pallas import tpu as pltpu
from jax.experimental.pallas import tpu_sc as plsc

B1 = 32
B2 = 8
N = 8192
K_SC = 24
LANES = 16
NSUB = 16
NW = 32
RPW = K_SC * B2 // NW
CHAINS = 4
GROUP = CHAINS * LANES
STEPS = N // GROUP


def _dyn_gather(v, idx):
  return lax.gather(
      v, idx[:, None],
      lax.GatherDimensionNumbers(
          offset_dims=(), collapsed_slice_dims=(0,), start_index_map=(0,)),
      (1,), mode=lax.GatherScatterMode.PROMISE_IN_BOUNDS)


def _lex_merge(v, i, v2, i2):
  take = (v2 < v) | ((v2 == v) & (i2 < i))
  return jnp.where(take, v2, v), jnp.where(take, i2, i)


def _sc_kernel(x_hbm, out_hbm, buf, res_v, shared, sem):
  cid = lax.axis_index("c")
  sid = lax.axis_index("s")
  wid = cid * NSUB + sid
  f0 = wid * RPW
  iota = lax.iota(jnp.int32, LANES)

  for q in range(RPW):
    f = f0 + q
    pltpu.make_async_copy(x_hbm.at[f // B2, f % B2], buf.at[q], sem).start()

  res = jnp.zeros((LANES,), jnp.int32)
  for q in range(RPW):
    f = f0 + q
    pltpu.make_async_copy(x_hbm.at[f // B2, f % B2], buf.at[q], sem).wait()

    def body(i, carry):
      minvs, minis = carry
      step = jnp.full((LANES,), i, jnp.int32)
      new_v, new_i = [], []
      for j in range(CHAINS):
        v = buf[q, pl.ds(i * GROUP + j * LANES, LANES)]
        m = v < minvs[j]
        new_v.append(jnp.minimum(v, minvs[j]))
        new_i.append(jnp.where(m, step, minis[j]))
      return tuple(new_v), tuple(new_i)

    init = (tuple(jnp.full((LANES,), jnp.inf, jnp.float32)
                  for _ in range(CHAINS)),
            tuple(jnp.zeros((LANES,), jnp.int32) for _ in range(CHAINS)))
    minvs, minis = lax.fori_loop(0, STEPS, body, init, unroll=4)

    mvs = list(minvs)
    mis = [minis[j] * GROUP + (j * LANES) + iota for j in range(CHAINS)]
    width = CHAINS
    while width > 1:
      half = width // 2
      for j in range(half):
        mvs[j], mis[j] = _lex_merge(mvs[j], mis[j],
                                    mvs[j + half], mis[j + half])
      width = half
    mv, mi = mvs[0], mis[0]

    for d in (8, 4, 2, 1):
      perm = (iota + d) & (LANES - 1)
      mv, mi = _lex_merge(mv, mi, _dyn_gather(mv, perm),
                          _dyn_gather(mi, perm))

    res = jnp.where(iota == q, mi, res)

  res_v[...] = res
  pltpu.sync_copy(res_v.at[pl.ds(0, RPW)], shared.at[sid])
  plsc.subcore_barrier()

  @pl.when(sid == 0)
  def _():
    pltpu.sync_copy(shared, out_hbm.at[pl.ds(cid * NSUB, NSUB)])


def _tc_kernel(x_ref, o_ref):
  for b in range(2):
    data = x_ref[b]
    mn = jnp.min(data, axis=1, keepdims=True)
    ii = lax.broadcasted_iota(jnp.int32, (B2, N), 1)
    cand = jnp.where(data == mn, ii, N)
    o_ref[b, 0, :] = jnp.min(cand, axis=1)


@jax.jit
def kernel(x):
  mesh = plsc.VectorSubcoreMesh(core_axis_name="c", subcore_axis_name="s")
  sc_run = functools.partial(
      pl.kernel,
      mesh=mesh,
      out_type=jax.ShapeDtypeStruct((NW, RPW), jnp.int32),
      scratch_types=[
          pltpu.VMEM((RPW, N), jnp.float32),
          pltpu.VMEM((LANES,), jnp.int32),
          pltpu.VMEM_SHARED((NSUB, RPW), jnp.int32),
          pltpu.SemaphoreType.DMA,
      ],
  )(_sc_kernel)
  sc_out = sc_run(x)

  tc_out = pl.pallas_call(
      _tc_kernel,
      grid=((B1 - K_SC) // 2,),
      in_specs=[pl.BlockSpec((2, B2, N), lambda i: (i + K_SC // 2, 0, 0))],
      out_specs=pl.BlockSpec((2, 1, B2), lambda i: (i, 0, 0)),
      out_shape=jax.ShapeDtypeStruct((B1 - K_SC, 1, B2), jnp.int32),
  )(x)

  return jnp.concatenate(
      [sc_out.reshape(K_SC, B2), tc_out.reshape(B1 - K_SC, B2)], axis=0)

# --- scband reference (transcript-rebuilt; emitter-appended) ---
"""Pipeline reference for scband-model-new-31001073942879 (READ-ONLY COPY).

The authoritative reference and input builder live on the scoring server;
editing this copy changes nothing except your own understanding.
"""

import jax, jax.numpy as jnp
import numpy as np

def setup_inputs(seed: int = 0) -> dict:
    key = jax.random.key(seed)
    x = jax.random.normal(key, (32, 8, 8192), dtype=jnp.float32)
    return {"x": x}

def reference(x):
    # Faithful translation of ModelNew.forward: argmin along dim=2
    return jnp.argmin(x, axis=2)

if __name__ == "__main__":
    import jax
    _d = setup_inputs()
    print(jax.jit(kernel)(*tuple(_d.values())))

</pallas_src>

<mosaic_0001>
#map = affine_map<(d0, d1) -> (0, 0, 0)>
#map1 = affine_map<(d0, d1) -> (0, 0)>
module attributes {stable_mosaic.version = 14 : i64} {
  func.func @_sc_kernel(%arg0: i32, %arg1: i32, %arg2: memref<32x8x8192xf32, #tpu.memory_space<hbm>>, %arg3: memref<32x6xi32, #tpu.memory_space<hbm>>, %arg4: memref<6x8192xf32, #tpu.memory_space<vmem>>, %arg5: memref<16xi32, #tpu.memory_space<vmem>>, %arg6: memref<16x6xi32, #tpu.memory_space<vmem_shared>>, %arg7: memref<!tpu.dma_semaphore, #tpu.memory_space<semaphore_mem>>) attributes {dimension_semantics = [#tpu.dimension_semantics<core_parallel>, #tpu.dimension_semantics<subcore_parallel>], iteration_bounds = array<i64: 2, 16>, scalar_prefetch = 0 : i64, scratch_operands = 4 : i64, tpu.core_type = #tpu.core_type<sc_vector_subcore>, window_params = [{transform_indices = #map}, {transform_indices = #map1}]} {
    %mul3A = arith.constant 16 : i32
    %mul3A_0 = arith.muli %arg0, %mul3A : i32
    %add3A = arith.addi %mul3A_0, %arg1 : i32
    %mul3A_1 = arith.constant 6 : i32
    %mul3A_2 = arith.muli %add3A, %mul3A_1 : i32
    %iota3A = tpu.iota {dimensions = array<i32: 0>} : vector<16xi32>
    %add3A_3 = arith.constant 0 : i32
    %add3A_4 = arith.addi %mul3A_2, %add3A_3 : i32
    %jit3A = arith.constant 8 : i32
    %div3A = arith.divsi %add3A_4, %jit3A : i32
    %sign3A = arith.constant 0 : i32
    %sign3A_5 = arith.cmpi sgt, %add3A_4, %sign3A : i32
    %sign3A_6 = arith.extui %sign3A_5 : i1 to i32
    %sign3A_7 = arith.constant 0 : i32
    %sign3A_8 = arith.cmpi slt, %add3A_4, %sign3A_7 : i32
    %sign3A_9 = arith.extui %sign3A_8 : i1 to i32
    %sign3A_10 = arith.subi %sign3A_6, %sign3A_9 : i32
    %sign3A_11 = arith.constant 0 : i32
    %sign3A_12 = arith.cmpi sgt, %jit3A, %sign3A_11 : i32
    %sign3A_13 = arith.extui %sign3A_12 : i1 to i32
    %sign3A_14 = arith.constant 0 : i32
    %sign3A_15 = arith.cmpi slt, %jit3A, %sign3A_14 : i32
    %sign3A_16 = arith.extui %sign3A_15 : i1 to i32
    %sign3A_17 = arith.subi %sign3A_13, %sign3A_16 : i32
    %ne3A = arith.cmpi ne, %sign3A_10, %sign3A_17 : i32
    %rem3A = arith.remsi %add3A_4, %jit3A : i32
    %ne3A_18 = arith.constant 0 : i32
    %ne3A_19 = arith.cmpi ne, %rem3A, %ne3A_18 : i32
    %and3A = arith.andi %ne3A, %ne3A_19 : i1
    %sub3A = arith.constant 1 : i32
    %sub3A_20 = arith.subi %div3A, %sub3A : i32
    %select_n3A = arith.select %and3A, %sub3A_20, %div3A : i32
    %jit3A_21 = arith.constant 8 : i32
    %eq3A = arith.constant 0 : i32
    %eq3A_22 = arith.cmpi eq, %jit3A_21, %eq3A : i32
    %jit3A_23 = arith.constant 1 : i32
    %select_n3A_24 = arith.select %eq3A_22, %jit3A_23, %jit3A_21 : i32
    %rem3A_25 = arith.remsi %add3A_4, %select_n3A_24 : i32
    %ne3A_26 = arith.constant 0 : i32
    %ne3A_27 = arith.cmpi ne, %rem3A_25, %ne3A_26 : i32
    %lt3A = arith.constant 0 : i32
    %lt3A_28 = arith.cmpi slt, %rem3A_25, %lt3A : i32
    %lt3A_29 = arith.constant 0 : i32
    %lt3A_30 = arith.cmpi slt, %select_n3A_24, %lt3A_29 : i32
    %ne3A_31 = arith.xori %lt3A_28, %lt3A_30 : i1
    %and3A_32 = arith.andi %ne3A_31, %ne3A_27 : i1
    %add3A_33 = arith.addi %rem3A_25, %select_n3A_24 : i32
    %select_n3A_34 = arith.select %and3A_32, %add3A_33, %rem3A_25 : i32
    %dma_start3A = arith.constant 0 : i32
    %dma_start3A_35 = arith.constant 0 : i32
    %dma_start3A_36 = tpu.memref_slice %arg4[%dma_start3A, %dma_start3A_35] : memref<6x8192xf32, #tpu.memory_space<vmem>> -> memref<1x8192xf32, #tpu.memory_space<vmem>>
    %dma_start3A_37 = tpu.memref_squeeze %dma_start3A_36 : memref<1x8192xf32, #tpu.memory_space<vmem>> -> memref<8192xf32, #tpu.memory_space<vmem>>
    %dma_start3A_38 = arith.constant 0 : i32
    %dma_start3A_39 = tpu.memref_slice %arg2[%select_n3A, %select_n3A_34, %dma_start3A_38] : memref<32x8x8192xf32, #tpu.memory_space<hbm>> -> memref<1x1x8192xf32, #tpu.memory_space<hbm>>
    %dma_start3A_40 = tpu.memref_squeeze %dma_start3A_39 : memref<1x1x8192xf32, #tpu.memory_space<hbm>> -> memref<8192xf32, #tpu.memory_space<hbm>>
    %dma_start3A_41 = arith.constant 0 : i32
    %dma_start3A_42 = tpu.memref_slice %arg4[%dma_start3A, %dma_start3A_41] : memref<6x8192xf32, #tpu.memory_space<vmem>> -> memref<1x8192xf32, #tpu.memory_space<vmem>>
    %dma_start3A_43 = tpu.memref_squeeze %dma_start3A_42 : memref<1x8192xf32, #tpu.memory_space<vmem>> -> memref<8192xf32, #tpu.memory_space<vmem>>
    %dma_start3A_44 = arith.constant 0 : i32
    %dma_start3A_45 = tpu.memref_slice %arg2[%select_n3A, %select_n3A_34, %dma_start3A_44] : memref<32x8x8192xf32, #tpu.memory_space<hbm>> -> memref<1x1x8192xf32, #tpu.memory_space<hbm>>
    %dma_start3A_46 = tpu.memref_squeeze %dma_start3A_45 : memref<1x1x8192xf32, #tpu.memory_space<hbm>> -> memref<8192xf32, #tpu.memory_space<hbm>>
    tpu.enqueue_dma source(%dma_start3A_46 : memref<8192xf32, #tpu.memory_space<hbm>>) target(%dma_start3A_43 : memref<8192xf32, #tpu.memory_space<vmem>>) target_semaphore(%arg7 : memref<!tpu.dma_semaphore, #tpu.memory_space<semaphore_mem>>)
    %add3A_47 = arith.constant 1 : i32
    %add3A_48 = arith.addi %mul3A_2, %add3A_47 : i32
    %jit3A_49 = arith.constant 8 : i32
    %div3A_50 = arith.divsi %add3A_48, %jit3A_49 : i32
    %sign3A_51 = arith.constant 0 : i32
    %sign3A_52 = arith.cmpi sgt, %add3A_48, %sign3A_51 : i32
    %sign3A_53 = arith.extui %sign3A_52 : i1 to i32
    %sign3A_54 = arith.constant 0 : i32
    %sign3A_55 = arith.cmpi slt, %add3A_48, %sign3A_54 : i32
    %sign3A_56 = arith.extui %sign3A_55 : i1 to i32
    %sign3A_57 = arith.subi %sign3A_53, %sign3A_56 : i32
    %sign3A_58 = arith.constant 0 : i32
    %sign3A_59 = arith.cmpi sgt, %jit3A_49, %sign3A_58 : i32
    %sign3A_60 = arith.extui %sign3A_59 : i1 to i32
    %sign3A_61 = arith.constant 0 : i32
    %sign3A_62 = arith.cmpi slt, %jit3A_49, %sign3A_61 : i32
    %sign3A_63 = arith.extui %sign3A_62 : i1 to i32
    %sign3A_64 = arith.subi %sign3A_60, %sign3A_63 : i32
    %ne3A_65 = arith.cmpi ne, %sign3A_57, %sign3A_64 : i32
    %rem3A_66 = arith.remsi %add3A_48, %jit3A_49 : i32
    %ne3A_67 = arith.constant 0 : i32
    %ne3A_68 = arith.cmpi ne, %rem3A_66, %ne3A_67 : i32
    %and3A_69 = arith.andi %ne3A_65, %ne3A_68 : i1
    %sub3A_70 = arith.constant 1 : i32
    %sub3A_71 = arith.subi %div3A_50, %sub3A_70 : i32
    %select_n3A_72 = arith.select %and3A_69, %sub3A_71, %div3A_50 : i32
    %jit3A_73 = arith.constant 8 : i32
    %eq3A_74 = arith.constant 0 : i32
    %eq3A_75 = arith.cmpi eq, %jit3A_73, %eq3A_74 : i32
    %jit3A_76 = arith.constant 1 : i32
    %select_n3A_77 = arith.select %eq3A_75, %jit3A_76, %jit3A_73 : i32
    %rem3A_78 = arith.remsi %add3A_48, %select_n3A_77 : i32
    %ne3A_79 = arith.constant 0 : i32
    %ne3A_80 = arith.cmpi ne, %rem3A_78, %ne3A_79 : i32
    %lt3A_81 = arith.constant 0 : i32
    %lt3A_82 = arith.cmpi slt, %rem3A_78, %lt3A_81 : i32
    %lt3A_83 = arith.constant 0 : i32
    %lt3A_84 = arith.cmpi slt, %select_n3A_77, %lt3A_83 : i32
    %ne3A_85 = arith.xori %lt3A_82, %lt3A_84 : i1
    %and3A_86 = arith.andi %ne3A_85, %ne3A_80 : i1
    %add3A_87 = arith.addi %rem3A_78, %select_n3A_77 : i32
    %select_n3A_88 = arith.select %and3A_86, %add3A_87, %rem3A_78 : i32
    %dma_start3A_89 = arith.constant 1 : i32
    %dma_start3A_90 = arith.constant 0 : i32
    %dma_start3A_91 = tpu.memref_slice %arg4[%dma_start3A_89, %dma_start3A_90] : memref<6x8192xf32, #tpu.memory_space<vmem>> -> memref<1x8192xf32, #tpu.memory_space<vmem>>
    %dma_start3A_92 = tpu.memref_squeeze %dma_start3A_91 : memref<1x8192xf32, #tpu.memory_space<vmem>> -> memref<8192xf32, #tpu.memory_space<vmem>>
    %dma_start3A_93 = arith.constant 0 : i32
    %dma_start3A_94 = tpu.memref_slice %arg2[%select_n3A_72, %select_n3A_88, %dma_start3A_93] : memref<32x8x8192xf32, #tpu.memory_space<hbm>> -> memref<1x1x8192xf32, #tpu.memory_space<hbm>>
    %dma_start3A_95 = tpu.memref_squeeze %dma_start3A_94 : memref<1x1x8192xf32, #tpu.memory_space<hbm>> -> memref<8192xf32, #tpu.memory_space<hbm>>
    %dma_start3A_96 = arith.constant 0 : i32
    %dma_start3A_97 = tpu.memref_slice %arg4[%dma_start3A_89, %dma_start3A_96] : memref<6x8192xf32, #tpu.memory_space<vmem>> -> memref<1x8192xf32, #tpu.memory_space<vmem>>
    %dma_start3A_98 = tpu.memref_squeeze %dma_start3A_97 : memref<1x8192xf32, #tpu.memory_space<vmem>> -> memref<8192xf32, #tpu.memory_space<vmem>>
    %dma_start3A_99 = arith.constant 0 : i32
    %dma_start3A_100 = tpu.memref_slice %arg2[%select_n3A_72, %select_n3A_88, %dma_start3A_99] : memref<32x8x8192xf32, #tpu.memory_space<hbm>> -> memref<1x1x8192xf32, #tpu.memory_space<hbm>>
    %dma_start3A_101 = tpu.memref_squeeze %dma_start3A_100 : memref<1x1x8192xf32, #tpu.memory_space<hbm>> -> memref<8192xf32, #tpu.memory_space<hbm>>
    tpu.enqueue_dma source(%dma_start3A_101 : memref<8192xf32, #tpu.memory_space<hbm>>) target(%dma_start3A_98 : memref<8192xf32, #tpu.memory_space<vmem>>) target_semaphore(%arg7 : memref<!tpu.dma_semaphore, #tpu.memory_space<semaphore_mem>>)
    %add3A_102 = arith.constant 2 : i32
    %add3A_103 = arith.addi %mul3A_2, %add3A_102 : i32
    %jit3A_104 = arith.constant 8 : i32
    %div3A_105 = arith.divsi %add3A_103, %jit3A_104 : i32
    %sign3A_106 = arith.constant 0 : i32
    %sign3A_107 = arith.cmpi sgt, %add3A_103, %sign3A_106 : i32
    %sign3A_108 = arith.extui %sign3A_107 : i1 to i32
    %sign3A_109 = arith.constant 0 : i32
    %sign3A_110 = arith.cmpi slt, %add3A_103, %sign3A_109 : i32
    %sign3A_111 = arith.extui %sign3A_110 : i1 to i32
    %sign3A_112 = arith.subi %sign3A_108, %sign3A_111 : i32
    %sign3A_113 = arith.constant 0 : i32
    %sign3A_114 = arith.cmpi sgt, %jit3A_104, %sign3A_113 : i32
    %sign3A_115 = arith.extui %sign3A_114 : i1 to i32
    %sign3A_116 = arith.constant 0 : i32
    %sign3A_117 = arith.cmpi slt, %jit3A_104, %sign3A_116 : i32
    %sign3A_118 = arith.extui %sign3A_117 : i1 to i32
    %sign3A_119 = arith.subi %sign3A_115, %sign3A_118 : i32
    %ne3A_120 = arith.cmpi ne, %sign3A_112, %sign3A_119 : i32
    %rem3A_121 = arith.remsi %add3A_103, %jit3A_104 : i32
    %ne3A_122 = arith.constant 0 : i32
    %ne3A_123 = arith.cmpi ne, %rem3A_121, %ne3A_122 : i32
    %and3A_124 = arith.andi %ne3A_120, %ne3A_123 : i1
    %sub3A_125 = arith.constant 1 : i32
    %sub3A_126 = arith.subi %div3A_105, %sub3A_125 : i32
    %select_n3A_127 = arith.select %and3A_124, %sub3A_126, %div3A_105 : i32
    %jit3A_128 = arith.constant 8 : i32
    %eq3A_129 = arith.constant 0 : i32
    %eq3A_130 = arith.cmpi eq, %jit3A_128, %eq3A_129 : i32
    %jit3A_131 = arith.constant 1 : i32
    %select_n3A_132 = arith.select %eq3A_130, %jit3A_131, %jit3A_128 : i32
    %rem3A_133 = arith.remsi %add3A_103, %select_n3A_132 : i32
    %ne3A_134 = arith.constant 0 : i32
    %ne3A_135 = arith.cmpi ne, %rem3A_133, %ne3A_134 : i32
    %lt3A_136 = arith.constant 0 : i32
    %lt3A_137 = arith.cmpi slt, %rem3A_133, %lt3A_136 : i32
    %lt3A_138 = arith.constant 0 : i32
    %lt3A_139 = arith.cmpi slt, %select_n3A_132, %lt3A_138 : i32
    %ne3A_140 = arith.xori %lt3A_137, %lt3A_139 : i1
    %and3A_141 = arith.andi %ne3A_140, %ne3A_135 : i1
    %add3A_142 = arith.addi %rem3A_133, %select_n3A_132 : i32
    %select_n3A_143 = arith.select %and3A_141, %add3A_142, %rem3A_133 : i32
    %dma_start3A_144 = arith.constant 2 : i32
    %dma_start3A_145 = arith.constant 0 : i32
    %dma_start3A_146 = tpu.memref_slice %arg4[%dma_start3A_144, %dma_start3A_145] : memref<6x8192xf32, #tpu.memory_space<vmem>> -> memref<1x8192xf32, #tpu.memory_space<vmem>>
    %dma_start3A_147 = tpu.memref_squeeze %dma_start3A_146 : memref<1x8192xf32, #tpu.memory_space<vmem>> -> memref<8192xf32, #tpu.memory_space<vmem>>
    %dma_start3A_148 = arith.constant 0 : i32
    %dma_start3A_149 = tpu.memref_slice %arg2[%select_n3A_127, %select_n3A_143, %dma_start3A_148] : memref<32x8x8192xf32, #tpu.memory_space<hbm>> -> memref<1x1x8192xf32, #tpu.memory_space<hbm>>
    %dma_start3A_150 = tpu.memref_squeeze %dma_start3A_149 : memref<1x1x8192xf32, #tpu.memory_space<hbm>> -> memref<8192xf32, #tpu.memory_space<hbm>>
    %dma_start3A_151 = arith.constant 0 : i32
    %dma_start3A_152 = tpu.memref_slice %arg4[%dma_start3A_144, %dma_start3A_151] : memref<6x8192xf32, #tpu.memory_space<vmem>> -> memref<1x8192xf32, #tpu.memory_space<vmem>>
    %dma_start3A_153 = tpu.memref_squeeze %dma_start3A_152 : memref<1x8192xf32, #tpu.memory_space<vmem>> -> memref<8192xf32, #tpu.memory_space<vmem>>
    %dma_start3A_154 = arith.constant 0 : i32
    %dma_start3A_155 = tpu.memref_slice %arg2[%select_n3A_127, %select_n3A_143, %dma_start3A_154] : memref<32x8x8192xf32, #tpu.memory_space<hbm>> -> memref<1x1x8192xf32, #tpu.memory_space<hbm>>
    %dma_start3A_156 = tpu.memref_squeeze %dma_start3A_155 : memref<1x1x8192xf32, #tpu.memory_space<hbm>> -> memref<8192xf32, #tpu.memory_space<hbm>>
    tpu.enqueue_dma source(%dma_start3A_156 : memref<8192xf32, #tpu.memory_space<hbm>>) target(%dma_start3A_153 : memref<8192xf32, #tpu.memory_space<vmem>>) target_semaphore(%arg7 : memref<!tpu.dma_semaphore, #tpu.memory_space<semaphore_mem>>)
    %add3A_157 = arith.constant 3 : i32
    %add3A_158 = arith.addi %mul3A_2, %add3A_157 : i32
    %jit3A_159 = arith.constant 8 : i32
    %div3A_160 = arith.divsi %add3A_158, %jit3A_159 : i32
    %sign3A_161 = arith.constant 0 : i32
    %sign3A_162 = arith.cmpi sgt, %add3A_158, %sign3A_161 : i32
    %sign3A_163 = arith.extui %sign3A_162 : i1 to i32
    %sign3A_164 = arith.constant 0 : i32
    %sign3A_165 = arith.cmpi slt, %add3A_158, %sign3A_164 : i32
    %sign3A_166 = arith.extui %sign3A_165 : i1 to i32
    %sign3A_167 = arith.subi %sign3A_163, %sign3A_166 : i32
    %sign3A_168 = arith.constant 0 : i32
    %sign3A_169 = arith.cmpi sgt, %jit3A_159, %sign3A_168 : i32
    %sign3A_170 = arith.extui %sign3A_169 : i1 to i32
    %sign3A_171 = arith.constant 0 : i32
    %sign3A_172 = arith.cmpi slt, %jit3A_159, %sign3A_171 : i32
    %sign3A_173 = arith.extui %sign3A_172 : i1 to i32
    %sign3A_174 = arith.subi %sign3A_170, %sign3A_173 : i32
    %ne3A_175 = arith.cmpi ne, %sign3A_167, %sign3A_174 : i32
    %rem3A_176 = arith.remsi %add3A_158, %jit3A_159 : i32
    %ne3A_177 = arith.constant 0 : i32
    %ne3A_178 = arith.cmpi ne, %rem3A_176, %ne3A_177 : i32
    %and3A_179 = arith.andi %ne3A_175, %ne3A_178 : i1
    %sub3A_180 = arith.constant 1 : i32
    %sub3A_181 = arith.subi %div3A_160, %sub3A_180 : i32
    %select_n3A_182 = arith.select %and3A_179, %sub3A_181, %div3A_160 : i32
    %jit3A_183 = arith.constant 8 : i32
    %eq3A_184 = arith.constant 0 : i32
    %eq3A_185 = arith.cmpi eq, %jit3A_183, %eq3A_184 : i32
    %jit3A_186 = arith.constant 1 : i32
    %select_n3A_187 = arith.select %eq3A_185, %jit3A_186, %jit3A_183 : i32
    %rem3A_188 = arith.remsi %add3A_158, %select_n3A_187 : i32
    %ne3A_189 = arith.constant 0 : i32
    %ne3A_190 = arith.cmpi ne, %rem3A_188, %ne3A_189 : i32
    %lt3A_191 = arith.constant 0 : i32
    %lt3A_192 = arith.cmpi slt, %rem3A_188, %lt3A_191 : i32
    %lt3A_193 = arith.constant 0 : i32
    %lt3A_194 = arith.cmpi slt, %select_n3A_187, %lt3A_193 : i32
    %ne3A_195 = arith.xori %lt3A_192, %lt3A_194 : i1
    %and3A_196 = arith.andi %ne3A_195, %ne3A_190 : i1
    %add3A_197 = arith.addi %rem3A_188, %select_n3A_187 : i32
    %select_n3A_198 = arith.select %and3A_196, %add3A_197, %rem3A_188 : i32
    %dma_start3A_199 = arith.constant 3 : i32
    %dma_start3A_200 = arith.constant 0 : i32
    %dma_start3A_201 = tpu.memref_slice %arg4[%dma_start3A_199, %dma_start3A_200] : memref<6x8192xf32, #tpu.memory_space<vmem>> -> memref<1x8192xf32, #tpu.memory_space<vmem>>
    %dma_start3A_202 = tpu.memref_squeeze %dma_start3A_201 : memref<1x8192xf32, #tpu.memory_space<vmem>> -> memref<8192xf32, #tpu.memory_space<vmem>>
    %dma_start3A_203 = arith.constant 0 : i32
    %dma_start3A_204 = tpu.memref_slice %arg2[%select_n3A_182, %select_n3A_198, %dma_start3A_203] : memref<32x8x8192xf32, #tpu.memory_space<hbm>> -> memref<1x1x8192xf32, #tpu.memory_space<hbm>>
    %dma_start3A_205 = tpu.memref_squeeze %dma_start3A_204 : memref<1x1x8192xf32, #tpu.memory_space<hbm>> -> memref<8192xf32, #tpu.memory_space<hbm>>
    %dma_start3A_206 = arith.constant 0 : i32
    %dma_start3A_207 = tpu.memref_slice %arg4[%dma_start3A_199, %dma_start3A_206] : memref<6x8192xf32, #tpu.memory_space<vmem>> -> memref<1x8192xf32, #tpu.memory_space<vmem>>
    %dma_start3A_208 = tpu.memref_squeeze %dma_start3A_207 : memref<1x8192xf32, #tpu.memory_space<vmem>> -> memref<8192xf32, #tpu.memory_space<vmem>>
    %dma_start3A_209 = arith.constant 0 : i32
    %dma_start3A_210 = tpu.memref_slice %arg2[%select_n3A_182, %select_n3A_198, %dma_start3A_209] : memref<32x8x8192xf32, #tpu.memory_space<hbm>> -> memref<1x1x8192xf32, #tpu.memory_space<hbm>>
    %dma_start3A_211 = tpu.memref_squeeze %dma_start3A_210 : memref<1x1x8192xf32, #tpu.memory_space<hbm>> -> memref<8192xf32, #tpu.memory_space<hbm>>
    tpu.enqueue_dma source(%dma_start3A_211 : memref<8192xf32, #tpu.memory_space<hbm>>) target(%dma_start3A_208 : memref<8192xf32, #tpu.memory_space<vmem>>) target_semaphore(%arg7 : memref<!tpu.dma_semaphore, #tpu.memory_space<semaphore_mem>>)
    %add3A_212 = arith.constant 4 : i32
    %add3A_213 = arith.addi %mul3A_2, %add3A_212 : i32
    %jit3A_214 = arith.constant 8 : i32
    %div3A_215 = arith.divsi %add3A_213, %jit3A_214 : i32
    %sign3A_216 = arith.constant 0 : i32
    %sign3A_217 = arith.cmpi sgt, %add3A_213, %sign3A_216 : i32
    %sign3A_218 = arith.extui %sign3A_217 : i1 to i32
    %sign3A_219 = arith.constant 0 : i32
    %sign3A_220 = arith.cmpi slt, %add3A_213, %sign3A_219 : i32
    %sign3A_221 = arith.extui %sign3A_220 : i1 to i32
    %sign3A_222 = arith.subi %sign3A_218, %sign3A_221 : i32
    %sign3A_223 = arith.constant 0 : i32
    %sign3A_224 = arith.cmpi sgt, %jit3A_214, %sign3A_223 : i32
    %sign3A_225 = arith.extui %sign3A_224 : i1 to i32
    %sign3A_226 = arith.constant 0 : i32
    %sign3A_227 = arith.cmpi slt, %jit3A_214, %sign3A_226 : i32
    %sign3A_228 = arith.extui %sign3A_227 : i1 to i32
    %sign3A_229 = arith.subi %sign3A_225, %sign3A_228 : i32
    %ne3A_230 = arith.cmpi ne, %sign3A_222, %sign3A_229 : i32
    %rem3A_231 = arith.remsi %add3A_213, %jit3A_214 : i32
    %ne3A_232 = arith.constant 0 : i32
    %ne3A_233 = arith.cmpi ne, %rem3A_231, %ne3A_232 : i32
    %and3A_234 = arith.andi %ne3A_230, %ne3A_233 : i1
    %sub3A_235 = arith.constant 1 : i32
    %sub3A_236 = arith.subi %div3A_215, %sub3A_235 : i32
    %select_n3A_237 = arith.select %and3A_234, %sub3A_236, %div3A_215 : i32
    %jit3A_238 = arith.constant 8 : i32
    %eq3A_239 = arith.constant 0 : i32
    %eq3A_240 = arith.cmpi eq, %jit3A_238, %eq3A_239 : i32
    %jit3A_241 = arith.constant 1 : i32
    %select_n3A_242 = arith.select %eq3A_240, %jit3A_241, %jit3A_238 : i32
    %rem3A_243 = arith.remsi %add3A_213, %select_n3A_242 : i32
    %ne3A_244 = arith.constant 0 : i32
    %ne3A_245 = arith.cmpi ne, %rem3A_243, %ne3A_244 : i32
    %lt3A_246 = arith.constant 0 : i32
    %lt3A_247 = arith.cmpi slt, %rem3A_243, %lt3A_246 : i32
    %lt3A_248 = arith.constant 0 : i32
    %lt3A_249 = arith.cmpi slt, %select_n3A_242, %lt3A_248 : i32
    %ne3A_250 = arith.xori %lt3A_247, %lt3A_249 : i1
    %and3A_251 = arith.andi %ne3A_250, %ne3A_245 : i1
    %add3A_252 = arith.addi %rem3A_243, %select_n3A_242 : i32
    %select_n3A_253 = arith.select %and3A_251, %add3A_252, %rem3A_243 : i32
    %dma_start3A_254 = arith.constant 4 : i32
    %dma_start3A_255 = arith.constant 0 : i32
    %dma_start3A_256 = tpu.memref_slice %arg4[%dma_start3A_254, %dma_start3A_255] : memref<6x8192xf32, #tpu.memory_space<vmem>> -> memref<1x8192xf32, #tpu.memory_space<vmem>>
    %dma_start3A_257 = tpu.memref_squeeze %dma_start3A_256 : memref<1x8192xf32, #tpu.memory_space<vmem>> -> memref<8192xf32, #tpu.memory_space<vmem>>
    %dma_start3A_258 = arith.constant 0 : i32
    %dma_start3A_259 = tpu.memref_slice %arg2[%select_n3A_237, %select_n3A_253, %dma_start3A_258] : memref<32x8x8192xf32, #tpu.memory_space<hbm>> -> memref<1x1x8192xf32, #tpu.memory_space<hbm>>
    %dma_start3A_260 = tpu.memref_squeeze %dma_start3A_259 : memref<1x1x8192xf32, #tpu.memory_space<hbm>> -> memref<8192xf32, #tpu.memory_space<hbm>>
    %dma_start3A_261 = arith.constant 0 : i32
    %dma_start3A_262 = tpu.memref_slice %arg4[%dma_start3A_254, %dma_start3A_261] : memref<6x8192xf32, #tpu.memory_space<vmem>> -> memref<1x8192xf32, #tpu.memory_space<vmem>>
    %dma_start3A_263 = tpu.memref_squeeze %dma_start3A_262 : memref<1x8192xf32, #tpu.memory_space<vmem>> -> memref<8192xf32, #tpu.memory_space<vmem>>
    %dma_start3A_264 = arith.constant 0 : i32
    %dma_start3A_265 = tpu.memref_slice %arg2[%select_n3A_237, %select_n3A_253, %dma_start3A_264] : memref<32x8x8192xf32, #tpu.memory_space<hbm>> -> memref<1x1x8192xf32, #tpu.memory_space<hbm>>
    %dma_start3A_266 = tpu.memref_squeeze %dma_start3A_265 : memref<1x1x8192xf32, #tpu.memory_space<hbm>> -> memref<8192xf32, #tpu.memory_space<hbm>>
    tpu.enqueue_dma source(%dma_start3A_266 : memref<8192xf32, #tpu.memory_space<hbm>>) target(%dma_start3A_263 : memref<8192xf32, #tpu.memory_space<vmem>>) target_semaphore(%arg7 : memref<!tpu.dma_semaphore, #tpu.memory_space<semaphore_mem>>)
    %add3A_267 = arith.constant 5 : i32
    %add3A_268 = arith.addi %mul3A_2, %add3A_267 : i32
    %jit3A_269 = arith.constant 8 : i32
    %div3A_270 = arith.divsi %add3A_268, %jit3A_269 : i32
    %sign3A_271 = arith.constant 0 : i32
    %sign3A_272 = arith.cmpi sgt, %add3A_268, %sign3A_271 : i32
    %sign3A_273 = arith.extui %sign3A_272 : i1 to i32
    %sign3A_274 = arith.constant 0 : i32
    %sign3A_275 = arith.cmpi slt, %add3A_268, %sign3A_274 : i32
    %sign3A_276 = arith.extui %sign3A_275 : i1 to i32
    %sign3A_277 = arith.subi %sign3A_273, %sign3A_276 : i32
    %sign3A_278 = arith.constant 0 : i32
    %sign3A_279 = arith.cmpi sgt, %jit3A_269, %sign3A_278 : i32
    %sign3A_280 = arith.extui %sign3A_279 : i1 to i32
    %sign3A_281 = arith.constant 0 : i32
    %sign3A_282 = arith.cmpi slt, %jit3A_269, %sign3A_281 : i32
    %sign3A_283 = arith.extui %sign3A_282 : i1 to i32
    %sign3A_284 = arith.subi %sign3A_280, %sign3A_283 : i32
    %ne3A_285 = arith.cmpi ne, %sign3A_277, %sign3A_284 : i32
    %rem3A_286 = arith.remsi %add3A_268, %jit3A_269 : i32
    %ne3A_287 = arith.constant 0 : i32
    %ne3A_288 = arith.cmpi ne, %rem3A_286, %ne3A_287 : i32
    %and3A_289 = arith.andi %ne3A_285, %ne3A_288 : i1
    %sub3A_290 = arith.constant 1 : i32
    %sub3A_291 = arith.subi %div3A_270, %sub3A_290 : i32
    %select_n3A_292 = arith.select %and3A_289, %sub3A_291, %div3A_270 : i32
    %jit3A_293 = arith.constant 8 : i32
    %eq3A_294 = arith.constant 0 : i32
    %eq3A_295 = arith.cmpi eq, %jit3A_293, %eq3A_294 : i32
    %jit3A_296 = arith.constant 1 : i32
    %select_n3A_297 = arith.select %eq3A_295, %jit3A_296, %jit3A_293 : i32
    %rem3A_298 = arith.remsi %add3A_268, %select_n3A_297 : i32
    %ne3A_299 = arith.constant 0 : i32
    %ne3A_300 = arith.cmpi ne, %rem3A_298, %ne3A_299 : i32
    %lt3A_301 = arith.constant 0 : i32
    %lt3A_302 = arith.cmpi slt, %rem3A_298, %lt3A_301 : i32
    %lt3A_303 = arith.constant 0 : i32
    %lt3A_304 = arith.cmpi slt, %select_n3A_297, %lt3A_303 : i32
    %ne3A_305 = arith.xori %lt3A_302, %lt3A_304 : i1
    %and3A_306 = arith.andi %ne3A_305, %ne3A_300 : i1
    %add3A_307 = arith.addi %rem3A_298, %select_n3A_297 : i32
    %select_n3A_308 = arith.select %and3A_306, %add3A_307, %rem3A_298 : i32
    %dma_start3A_309 = arith.constant 5 : i32
    %dma_start3A_310 = arith.constant 0 : i32
    %dma_start3A_311 = tpu.memref_slice %arg4[%dma_start3A_309, %dma_start3A_310] : memref<6x8192xf32, #tpu.memory_space<vmem>> -> memref<1x8192xf32, #tpu.memory_space<vmem>>
    %dma_start3A_312 = tpu.memref_squeeze %dma_start3A_311 : memref<1x8192xf32, #tpu.memory_space<vmem>> -> memref<8192xf32, #tpu.memory_space<vmem>>
    %dma_start3A_313 = arith.constant 0 : i32
    %dma_start3A_314 = tpu.memref_slice %arg2[%select_n3A_292, %select_n3A_308, %dma_start3A_313] : memref<32x8x8192xf32, #tpu.memory_space<hbm>> -> memref<1x1x8192xf32, #tpu.memory_space<hbm>>
    %dma_start3A_315 = tpu.memref_squeeze %dma_start3A_314 : memref<1x1x8192xf32, #tpu.memory_space<hbm>> -> memref<8192xf32, #tpu.memory_space<hbm>>
    %dma_start3A_316 = arith.constant 0 : i32
    %dma_start3A_317 = tpu.memref_slice %arg4[%dma_start3A_309, %dma_start3A_316] : memref<6x8192xf32, #tpu.memory_space<vmem>> -> memref<1x8192xf32, #tpu.memory_space<vmem>>
    %dma_start3A_318 = tpu.memref_squeeze %dma_start3A_317 : memref<1x8192xf32, #tpu.memory_space<vmem>> -> memref<8192xf32, #tpu.memory_space<vmem>>
    %dma_start3A_319 = arith.constant 0 : i32
    %dma_start3A_320 = tpu.memref_slice %arg2[%select_n3A_292, %select_n3A_308, %dma_start3A_319] : memref<32x8x8192xf32, #tpu.memory_space<hbm>> -> memref<1x1x8192xf32, #tpu.memory_space<hbm>>
    %dma_start3A_321 = tpu.memref_squeeze %dma_start3A_320 : memref<1x1x8192xf32, #tpu.memory_space<hbm>> -> memref<8192xf32, #tpu.memory_space<hbm>>
    tpu.enqueue_dma source(%dma_start3A_321 : memref<8192xf32, #tpu.memory_space<hbm>>) target(%dma_start3A_318 : memref<8192xf32, #tpu.memory_space<vmem>>) target_semaphore(%arg7 : memref<!tpu.dma_semaphore, #tpu.memory_space<semaphore_mem>>)
    %broadcast_in_dim3A = arith.constant 0 : i32
    %broadcast_in_dim3A_322 = vector.broadcast %broadcast_in_dim3A : i32 to vector<16xi32>
    %add3A_323 = arith.constant 0 : i32
    %add3A_324 = arith.addi %mul3A_2, %add3A_323 : i32
    %jit3A_325 = arith.constant 8 : i32
    %div3A_326 = arith.divsi %add3A_324, %jit3A_325 : i32
    %sign3A_327 = arith.constant 0 : i32
    %sign3A_328 = arith.cmpi sgt, %add3A_324, %sign3A_327 : i32
    %sign3A_329 = arith.extui %sign3A_328 : i1 to i32
    %sign3A_330 = arith.constant 0 : i32
    %sign3A_331 = arith.cmpi slt, %add3A_324, %sign3A_330 : i32
    %sign3A_332 = arith.extui %sign3A_331 : i1 to i32
    %sign3A_333 = arith.subi %sign3A_329, %sign3A_332 : i32
    %sign3A_334 = arith.constant 0 : i32
    %sign3A_335 = arith.cmpi sgt, %jit3A_325, %sign3A_334 : i32
    %sign3A_336 = arith.extui %sign3A_335 : i1 to i32
    %sign3A_337 = arith.constant 0 : i32
    %sign3A_338 = arith.cmpi slt, %jit3A_325, %sign3A_337 : i32
    %sign3A_339 = arith.extui %sign3A_338 : i1 to i32
    %sign3A_340 = arith.subi %sign3A_336, %sign3A_339 : i32
    %ne3A_341 = arith.cmpi ne, %sign3A_333, %sign3A_340 : i32
    %rem3A_342 = arith.remsi %add3A_324, %jit3A_325 : i32
    %ne3A_343 = arith.constant 0 : i32
    %ne3A_344 = arith.cmpi ne, %rem3A_342, %ne3A_343 : i32
    %and3A_345 = arith.andi %ne3A_341, %ne3A_344 : i1
    %sub3A_346 = arith.constant 1 : i32
    %sub3A_347 = arith.subi %div3A_326, %sub3A_346 : i32
    %select_n3A_348 = arith.select %and3A_345, %sub3A_347, %div3A_326 : i32
    %jit3A_349 = arith.constant 8 : i32
    %eq3A_350 = arith.constant 0 : i32
    %eq3A_351 = arith.cmpi eq, %jit3A_349, %eq3A_350 : i32
    %jit3A_352 = arith.constant 1 : i32
    %select_n3A_353 = arith.select %eq3A_351, %jit3A_352, %jit3A_349 : i32
    %rem3A_354 = arith.remsi %add3A_324, %select_n3A_353 : i32
    %ne3A_355 = arith.constant 0 : i32
    %ne3A_356 = arith.cmpi ne, %rem3A_354, %ne3A_355 : i32
    %lt3A_357 = arith.constant 0 : i32
    %lt3A_358 = arith.cmpi slt, %rem3A_354, %lt3A_357 : i32
    %lt3A_359 = arith.constant 0 : i32
    %lt3A_360 = arith.cmpi slt, %select_n3A_353, %lt3A_359 : i32
    %ne3A_361 = arith.xori %lt3A_358, %lt3A_360 : i1
    %and3A_362 = arith.andi %ne3A_361, %ne3A_356 : i1
    %add3A_363 = arith.addi %rem3A_354, %select_n3A_353 : i32
    %select_n3A_364 = arith.select %and3A_362, %add3A_363, %rem3A_354 : i32
    %dma_wait3A = arith.constant 0 : i32
    %dma_wait3A_365 = arith.constant 0 : i32
    %dma_wait3A_366 = tpu.memref_slice %arg4[%dma_wait3A, %dma_wait3A_365] : memref<6x8192xf32, #tpu.memory_space<vmem>> -> memref<1x8192xf32, #tpu.memory_space<vmem>>
    %dma_wait3A_367 = tpu.memref_squeeze %dma_wait3A_366 : memref<1x8192xf32, #tpu.memory_space<vmem>> -> memref<8192xf32, #tpu.memory_space<vmem>>
    %dma_wait3A_368 = arith.constant 0 : i32
    %dma_wait3A_369 = tpu.memref_slice %arg2[%select_n3A_348, %select_n3A_364, %dma_wait3A_368] : memref<32x8x8192xf32, #tpu.memory_space<hbm>> -> memref<1x1x8192xf32, #tpu.memory_space<hbm>>
    %dma_wait3A_370 = tpu.memref_squeeze %dma_wait3A_369 : memref<1x1x8192xf32, #tpu.memory_space<hbm>> -> memref<8192xf32, #tpu.memory_space<hbm>>
    %dma_wait3A_371 = arith.constant 0 : i32
    %dma_wait3A_372 = tpu.memref_slice %arg4[%dma_wait3A, %dma_wait3A_371] : memref<6x8192xf32, #tpu.memory_space<vmem>> -> memref<1x8192xf32, #tpu.memory_space<vmem>>
    %dma_wait3A_373 = tpu.memref_squeeze %dma_wait3A_372 : memref<1x8192xf32, #tpu.memory_space<vmem>> -> memref<8192xf32, #tpu.memory_space<vmem>>
    %dma_wait3A_374 = arith.constant 0 : i32
    %dma_wait3A_375 = tpu.memref_slice %arg2[%select_n3A_348, %select_n3A_364, %dma_wait3A_374] : memref<32x8x8192xf32, #tpu.memory_space<hbm>> -> memref<1x1x8192xf32, #tpu.memory_space<hbm>>
    %dma_wait3A_376 = tpu.memref_squeeze %dma_wait3A_375 : memref<1x1x8192xf32, #tpu.memory_space<hbm>> -> memref<8192xf32, #tpu.memory_space<hbm>>
    tpu.wait_dma2 semaphore(%arg7 : memref<!tpu.dma_semaphore, #tpu.memory_space<semaphore_mem>>) src(%dma_wait3A_376 : memref<8192xf32, #tpu.memory_space<hbm>>) dst(%dma_wait3A_373 : memref<8192xf32, #tpu.memory_space<vmem>>)
    %broadcast_in_dim3A_377 = arith.constant 0x7F800000 : f32
    %broadcast_in_dim3A_378 = vector.broadcast %broadcast_in_dim3A_377 : f32 to vector<16xf32>
    %broadcast_in_dim3A_379 = arith.constant 0x7F800000 : f32
    %broadcast_in_dim3A_380 = vector.broadcast %broadcast_in_dim3A_379 : f32 to vector<16xf32>
    %broadcast_in_dim3A_381 = arith.constant 0x7F800000 : f32
    %broadcast_in_dim3A_382 = vector.broadcast %broadcast_in_dim3A_381 : f32 to vector<16xf32>
    %broadcast_in_dim3A_383 = arith.constant 0x7F800000 : f32
    %broadcast_in_dim3A_384 = vector.broadcast %broadcast_in_dim3A_383 : f32 to vector<16xf32>
    %broadcast_in_dim3A_385 = arith.constant 0 : i32
    %broadcast_in_dim3A_386 = vector.broadcast %broadcast_in_dim3A_385 : i32 to vector<16xi32>
    %broadcast_in_dim3A_387 = arith.constant 0 : i32
    %broadcast_in_dim3A_388 = vector.broadcast %broadcast_in_dim3A_387 : i32 to vector<16xi32>
    %broadcast_in_dim3A_389 = arith.constant 0 : i32
    %broadcast_in_dim3A_390 = vector.broadcast %broadcast_in_dim3A_389 : i32 to vector<16xi32>
    %broadcast_in_dim3A_391 = arith.constant 0 : i32
    %broadcast_in_dim3A_392 = vector.broadcast %broadcast_in_dim3A_391 : i32 to vector<16xi32>
    %scan3A = arith.constant 0 : i32
    %scan3A_393 = arith.constant 128 : i32
    %scan3A_394 = arith.addi %scan3A, %scan3A_393 : i32
    %scan3A_395 = arith.constant 4 : i32
    %scan3A_396:8 = scf.for %scan3A_1561 = %scan3A to %scan3A_394 step %scan3A_395 iter_args(%scan3A_1562 = %broadcast_in_dim3A_378, %scan3A_1563 = %broadcast_in_dim3A_380, %scan3A_1564 = %broadcast_in_dim3A_382, %scan3A_1565 = %broadcast_in_dim3A_384, %scan3A_1566 = %broadcast_in_dim3A_386, %scan3A_1567 = %broadcast_in_dim3A_388, %scan3A_1568 = %broadcast_in_dim3A_390, %scan3A_1569 = %broadcast_in_dim3A_392) -> (vector<16xf32>, vector<16xf32>, vector<16xf32>, vector<16xf32>, vector<16xi32>, vector<16xi32>, vector<16xi32>, vector<16xi32>)  : i32 {
      %broadcast_in_dim3A_1570 = vector.broadcast %scan3A_1561 : i32 to vector<16xi32>
      %mul3A_1571 = arith.constant 64 : i32
      %mul3A_1572 = arith.muli %scan3A_1561, %mul3A_1571 : i32
      %add3A_1573 = arith.constant 0 : i32
      %add3A_1574 = arith.addi %mul3A_1572, %add3A_1573 : i32
      %get3A = arith.constant 0 : i32
      %get3A_1575 = arith.index_cast %get3A : i32 to index
      %get3A_1576 = arith.index_cast %add3A_1574 : i32 to index
      %get3A_1577 = tpu.vector_load %arg4[%get3A_1575, %get3A_1576] {strides = array<i32>} : memref<6x8192xf32, #tpu.memory_space<vmem>>, vector<1x16xf32>,
      %get3A_1578 = vector.shape_cast %get3A_1577 : vector<1x16xf32> to vector<16xf32>
      %lt3A_1579 = arith.cmpf olt, %get3A_1578, %scan3A_1562 : vector<16xf32>
      %min3A = arith.minimumf %get3A_1578, %scan3A_1562 : vector<16xf32>
      %select_n3A_1580 = arith.select %lt3A_1579, %broadcast_in_dim3A_1570, %scan3A_1566 : vector<16xi1>, vector<16xi32>
      %mul3A_1581 = arith.constant 64 : i32
      %mul3A_1582 = arith.muli %scan3A_1561, %mul3A_1581 : i32
      %add3A_1583 = arith.constant 16 : i32
      %add3A_1584 = arith.addi %mul3A_1582, %add3A_1583 : i32
      %get3A_1585 = arith.constant 0 : i32
      %get3A_1586 = arith.index_cast %get3A_1585 : i32 to index
      %get3A_1587 = arith.index_cast %add3A_1584 : i32 to index
      %get3A_1588 = tpu.vector_load %arg4[%get3A_1586, %get3A_1587] {strides = array<i32>} : memref<6x8192xf32, #tpu.memory_space<vmem>>, vector<1x16xf32>,
      %get3A_1589 = vector.shape_cast %get3A_1588 : vector<1x16xf32> to vector<16xf32>
      %lt3A_1590 = arith.cmpf olt, %get3A_1589, %scan3A_1563 : vector<16xf32>
      %min3A_1591 = arith.minimumf %get3A_1589, %scan3A_1563 : vector<16xf32>
      %select_n3A_1592 = arith.select %lt3A_1590, %broadcast_in_dim3A_1570, %scan3A_1567 : vector<16xi1>, vector<16xi32>
      %mul3A_1593 = arith.constant 64 : i32
      %mul3A_1594 = arith.muli %scan3A_1561, %mul3A_1593 : i32
      %add3A_1595 = arith.constant 32 : i32
      %add3A_1596 = arith.addi %mul3A_1594, %add3A_1595 : i32
      %get3A_1597 = arith.constant 0 : i32
      %get3A_1598 = arith.index_cast %get3A_1597 : i32 to index
      %get3A_1599 = arith.index_cast %add3A_1596 : i32 to index
      %get3A_1600 = tpu.vector_load %arg4[%get3A_1598, %get3A_1599] {strides = array<i32>} : memref<6x8192xf32, #tpu.memory_space<vmem>>, vector<1x16xf32>,
      %get3A_1601 = vector.shape_cast %get3A_1600 : vector<1x16xf32> to vector<16xf32>
      %lt3A_1602 = arith.cmpf olt, %get3A_1601, %scan3A_1564 : vector<16xf32>
      %min3A_1603 = arith.minimumf %get3A_1601, %scan3A_1564 : vector<16xf32>
      %select_n3A_1604 = arith.select %lt3A_1602, %broadcast_in_dim3A_1570, %scan3A_1568 : vector<16xi1>, vector<16xi32>
      %mul3A_1605 = arith.constant 64 : i32
      %mul3A_1606 = arith.muli %scan3A_1561, %mul3A_1605 : i32
      %add3A_1607 = arith.constant 48 : i32
      %add3A_1608 = arith.addi %mul3A_1606, %add3A_1607 : i32
      %get3A_1609 = arith.constant 0 : i32
      %get3A_1610 = arith.index_cast %get3A_1609 : i32 to index
      %get3A_1611 = arith.index_cast %add3A_1608 : i32 to index
      %get3A_1612 = tpu.vector_load %arg4[%get3A_1610, %get3A_1611] {strides = array<i32>} : memref<6x8192xf32, #tpu.memory_space<vmem>>, vector<1x16xf32>,
      %get3A_1613 = vector.shape_cast %get3A_1612 : vector<1x16xf32> to vector<16xf32>
      %lt3A_1614 = arith.cmpf olt, %get3A_1613, %scan3A_1565 : vector<16xf32>
      %min3A_1615 = arith.minimumf %get3A_1613, %scan3A_1565 : vector<16xf32>
      %select_n3A_1616 = arith.select %lt3A_1614, %broadcast_in_dim3A_1570, %scan3A_1569 : vector<16xi1>, vector<16xi32>
      %scan3A_1617 = arith.constant 1 : i32
      %scan3A_1618 = arith.addi %scan3A_1561, %scan3A_1617 : i32
      %broadcast_in_dim3A_1619 = vector.broadcast %scan3A_1618 : i32 to vector<16xi32>
      %mul3A_1620 = arith.constant 64 : i32
      %mul3A_1621 = arith.muli %scan3A_1618, %mul3A_1620 : i32
      %add3A_1622 = arith.constant 0 : i32
      %add3A_1623 = arith.addi %mul3A_1621, %add3A_1622 : i32
      %get3A_1624 = arith.constant 0 : i32
      %get3A_1625 = arith.index_cast %get3A_1624 : i32 to index
      %get3A_1626 = arith.index_cast %add3A_1623 : i32 to index
      %get3A_1627 = tpu.vector_load %arg4[%get3A_1625, %get3A_1626] {strides = array<i32>} : memref<6x8192xf32, #tpu.memory_space<vmem>>, vector<1x16xf32>,
      %get3A_1628 = vector.shape_cast %get3A_1627 : vector<1x16xf32> to vector<16xf32>
      %lt3A_1629 = arith.cmpf olt, %get3A_1628, %min3A : vector<16xf32>
      %min3A_1630 = arith.minimumf %get3A_1628, %min3A : vector<16xf32>
      %select_n3A_1631 = arith.select %lt3A_1629, %broadcast_in_dim3A_1619, %select_n3A_1580 : vector<16xi1>, vector<16xi32>
      %mul3A_1632 = arith.constant 64 : i32
      %mul3A_1633 = arith.muli %scan3A_1618, %mul3A_1632 : i32
      %add3A_1634 = arith.constant 16 : i32
      %add3A_1635 = arith.addi %mul3A_1633, %add3A_1634 : i32
      %get3A_1636 = arith.constant 0 : i32
      %get3A_1637 = arith.index_cast %get3A_1636 : i32 to index
      %get3A_1638 = arith.index_cast %add3A_1635 : i32 to index
      %get3A_1639 = tpu.vector_load %arg4[%get3A_1637, %get3A_1638] {strides = array<i32>} : memref<6x8192xf32, #tpu.memory_space<vmem>>, vector<1x16xf32>,
      %get3A_1640 = vector.shape_cast %get3A_1639 : vector<1x16xf32> to vector<16xf32>
      %lt3A_1641 = arith.cmpf olt, %get3A_1640, %min3A_1591 : vector<16xf32>
      %min3A_1642 = arith.minimumf %get3A_1640, %min3A_1591 : vector<16xf32>
      %select_n3A_1643 = arith.select %lt3A_1641, %broadcast_in_dim3A_1619, %select_n3A_1592 : vector<16xi1>, vector<16xi32>
      %mul3A_1644 = arith.constant 64 : i32
      %mul3A_1645 = arith.muli %scan3A_1618, %mul3A_1644 : i32
      %add3A_1646 = arith.constant 32 : i32
      %add3A_1647 = arith.addi %mul3A_1645, %add3A_1646 : i32
      %get3A_1648 = arith.constant 0 : i32
      %get3A_1649 = arith.index_cast %get3A_1648 : i32 to index
      %get3A_1650 = arith.index_cast %add3A_1647 : i32 to index
      %get3A_1651 = tpu.vector_load %arg4[%get3A_1649, %get3A_1650] {strides = array<i32>} : memref<6x8192xf32, #tpu.memory_space<vmem>>, vector<1x16xf32>,
      %get3A_1652 = vector.shape_cast %get3A_1651 : vector<1x16xf32> to vector<16xf32>
      %lt3A_1653 = arith.cmpf olt, %get3A_1652, %min3A_1603 : vector<16xf32>
      %min3A_1654 = arith.minimumf %get3A_1652, %min3A_1603 : vector<16xf32>
      %select_n3A_1655 = arith.select %lt3A_1653, %broadcast_in_dim3A_1619, %select_n3A_1604 : vector<16xi1>, vector<16xi32>
      %mul3A_1656 = arith.constant 64 : i32
      %mul3A_1657 = arith.muli %scan3A_1618, %mul3A_1656 : i32
      %add3A_1658 = arith.constant 48 : i32
      %add3A_1659 = arith.addi %mul3A_1657, %add3A_1658 : i32
      %get3A_1660 = arith.constant 0 : i32
      %get3A_1661 = arith.index_cast %get3A_1660 : i32 to index
      %get3A_1662 = arith.index_cast %add3A_1659 : i32 to index
      %get3A_1663 = tpu.vector_load %arg4[%get3A_1661, %get3A_1662] {strides = array<i32>} : memref<6x8192xf32, #tpu.memory_space<vmem>>, vector<1x16xf32>,
      %get3A_1664 = vector.shape_cast %get3A_1663 : vector<1x16xf32> to vector<16xf32>
      %lt3A_1665 = arith.cmpf olt, %get3A_1664, %min3A_1615 : vector<16xf32>
      %min3A_1666 = arith.minimumf %get3A_1664, %min3A_1615 : vector<16xf32>
      %select_n3A_1667 = arith.select %lt3A_1665, %broadcast_in_dim3A_1619, %select_n3A_1616 : vector<16xi1>, vector<16xi32>
      %scan3A_1668 = arith.constant 2 : i32
      %scan3A_1669 = arith.addi %scan3A_1561, %scan3A_1668 : i32
      %broadcast_in_dim3A_1670 = vector.broadcast %scan3A_1669 : i32 to vector<16xi32>
      %mul3A_1671 = arith.constant 64 : i32
      %mul3A_1672 = arith.muli %scan3A_1669, %mul3A_1671 : i32
      %add3A_1673 = arith.constant 0 : i32
      %add3A_1674 = arith.addi %mul3A_1672, %add3A_1673 : i32
      %get3A_1675 = arith.constant 0 : i32
      %get3A_1676 = arith.index_cast %get3A_1675 : i32 to index
      %get3A_1677 = arith.index_cast %add3A_1674 : i32 to index
      %get3A_1678 = tpu.vector_load %arg4[%get3A_1676, %get3A_1677] {strides = array<i32>} : memref<6x8192xf32, #tpu.memory_space<vmem>>, vector<1x16xf32>,
      %get3A_1679 = vector.shape_cast %get3A_1678 : vector<1x16xf32> to vector<16xf32>
      %lt3A_1680 = arith.cmpf olt, %get3A_1679, %min3A_1630 : vector<16xf32>
      %min3A_1681 = arith.minimumf %get3A_1679, %min3A_1630 : vector<16xf32>
      %select_n3A_1682 = arith.select %lt3A_1680, %broadcast_in_dim3A_1670, %select_n3A_1631 : vector<16xi1>, vector<16xi32>
      %mul3A_1683 = arith.constant 64 : i32
      %mul3A_1684 = arith.muli %scan3A_1669, %mul3A_1683 : i32
      %add3A_1685 = arith.constant 16 : i32
      %add3A_1686 = arith.addi %mul3A_1684, %add3A_1685 : i32
      %get3A_1687 = arith.constant 0 : i32
      %get3A_1688 = arith.index_cast %get3A_1687 : i32 to index
      %get3A_1689 = arith.index_cast %add3A_1686 : i32 to index
      %get3A_1690 = tpu.vector_load %arg4[%get3A_1688, %get3A_1689] {strides = array<i32>} : memref<6x8192xf32, #tpu.memory_space<vmem>>, vector<1x16xf32>,
      %get3A_1691 = vector.shape_cast %get3A_1690 : vector<1x16xf32> to vector<16xf32>
      %lt3A_1692 = arith.cmpf olt, %get3A_1691, %min3A_1642 : vector<16xf32>
      %min3A_1693 = arith.minimumf %get3A_1691, %min3A_1642 : vector<16xf32>
      %select_n3A_1694 = arith.select %lt3A_1692, %broadcast_in_dim3A_1670, %select_n3A_1643 : vector<16xi1>, vector<16xi32>
      %mul3A_1695 = arith.constant 64 : i32
      %mul3A_1696 = arith.muli %scan3A_1669, %mul3A_1695 : i32
      %add3A_1697 = arith.constant 32 : i32
      %add3A_1698 = arith.addi %mul3A_1696, %add3A_1697 : i32
      %get3A_1699 = arith.constant 0 : i32
      %get3A_1700 = arith.index_cast %get3A_1699 : i32 to index
      %get3A_1701 = arith.index_cast %add3A_1698 : i32 to index
      %get3A_1702 = tpu.vector_load %arg4[%get3A_1700, %get3A_1701] {strides = array<i32>} : memref<6x8192xf32, #tpu.memory_space<vmem>>, vector<1x16xf32>,
      %get3A_1703 = vector.shape_cast %get3A_1702 : vector<1x16xf32> to vector<16xf32>
      %lt3A_1704 = arith.cmpf olt, %get3A_1703, %min3A_1654 : vector<16xf32>
      %min3A_1705 = arith.minimumf %get3A_1703, %min3A_1654 : vector<16xf32>
      %select_n3A_1706 = arith.select %lt3A_1704, %broadcast_in_dim3A_1670, %select_n3A_1655 : vector<16xi1>, vector<16xi32>
      %mul3A_1707 = arith.constant 64 : i32
      %mul3A_1708 = arith.muli %scan3A_1669, %mul3A_1707 : i32
      %add3A_1709 = arith.constant 48 : i32
      %add3A_1710 = arith.addi %mul3A_1708, %add3A_1709 : i32
      %get3A_1711 = arith.constant 0 : i32
      %get3A_1712 = arith.index_cast %get3A_1711 : i32 to index
      %get3A_1713 = arith.index_cast %add3A_1710 : i32 to index
      %get3A_1714 = tpu.vector_load %arg4[%get3A_1712, %get3A_1713] {strides = array<i32>} : memref<6x8192xf32, #tpu.memory_space<vmem>>, vector<1x16xf32>,
      %get3A_1715 = vector.shape_cast %get3A_1714 : vector<1x16xf32> to vector<16xf32>
      %lt3A_1716 = arith.cmpf olt, %get3A_1715, %min3A_1666 : vector<16xf32>
      %min3A_1717 = arith.minimumf %get3A_1715, %min3A_1666 : vector<16xf32>
      %select_n3A_1718 = arith.select %lt3A_1716, %broadcast_in_dim3A_1670, %select_n3A_1667 : vector<16xi1>, vector<16xi32>
      %scan3A_1719 = arith.constant 3 : i32
      %scan3A_1720 = arith.addi %scan3A_1561, %scan3A_1719 : i32
      %broadcast_in_dim3A_1721 = vector.broadcast %scan3A_1720 : i32 to vector<16xi32>
      %mul3A_1722 = arith.constant 64 : i32
      %mul3A_1723 = arith.muli %scan3A_1720, %mul3A_1722 : i32
      %add3A_1724 = arith.constant 0 : i32
      %add3A_1725 = arith.addi %mul3A_1723, %add3A_1724 : i32
      %get3A_1726 = arith.constant 0 : i32
      %get3A_1727 = arith.index_cast %get3A_1726 : i32 to index
      %get3A_1728 = arith.index_cast %add3A_1725 : i32 to index
      %get3A_1729 = tpu.vector_load %arg4[%get3A_1727, %get3A_1728] {strides = array<i32>} : memref<6x8192xf32, #tpu.memory_space<vmem>>, vector<1x16xf32>,
      %get3A_1730 = vector.shape_cast %get3A_1729 : vector<1x16xf32> to vector<16xf32>
      %lt3A_1731 = arith.cmpf olt, %get3A_1730, %min3A_1681 : vector<16xf32>
      %min3A_1732 = arith.minimumf %get3A_1730, %min3A_1681 : vector<16xf32>
      %select_n3A_1733 = arith.select %lt3A_1731, %broadcast_in_dim3A_1721, %select_n3A_1682 : vector<16xi1>, vector<16xi32>
      %mul3A_1734 = arith.constant 64 : i32
      %mul3A_1735 = arith.muli %scan3A_1720, %mul3A_1734 : i32
      %add3A_1736 = arith.constant 16 : i32
      %add3A_1737 = arith.addi %mul3A_1735, %add3A_1736 : i32
      %get3A_1738 = arith.constant 0 : i32
      %get3A_1739 = arith.index_cast %get3A_1738 : i32 to index
      %get3A_1740 = arith.index_cast %add3A_1737 : i32 to index
      %get3A_1741 = tpu.vector_load %arg4[%get3A_1739, %get3A_1740] {strides = array<i32>} : memref<6x8192xf32, #tpu.memory_space<vmem>>, vector<1x16xf32>,
      %get3A_1742 = vector.shape_cast %get3A_1741 : vector<1x16xf32> to vector<16xf32>
      %lt3A_1743 = arith.cmpf olt, %get3A_1742, %min3A_1693 : vector<16xf32>
      %min3A_1744 = arith.minimumf %get3A_1742, %min3A_1693 : vector<16xf32>
      %select_n3A_1745 = arith.select %lt3A_1743, %broadcast_in_dim3A_1721, %select_n3A_1694 : vector<16xi1>, vector<16xi32>
      %mul3A_1746 = arith.constant 64 : i32
      %mul3A_1747 = arith.muli %scan3A_1720, %mul3A_1746 : i32
      %add3A_1748 = arith.constant 32 : i32
      %add3A_1749 = arith.addi %mul3A_1747, %add3A_1748 : i32
      %get3A_1750 = arith.constant 0 : i32
      %get3A_1751 = arith.index_cast %get3A_1750 : i32 to index
      %get3A_1752 = arith.index_cast %add3A_1749 : i32 to index
      %get3A_1753 = tpu.vector_load %arg4[%get3A_1751, %get3A_1752] {strides = array<i32>} : memref<6x8192xf32, #tpu.memory_space<vmem>>, vector<1x16xf32>,
      %get3A_1754 = vector.shape_cast %get3A_1753 : vector<1x16xf32> to vector<16xf32>
      %lt3A_1755 = arith.cmpf olt, %get3A_1754, %min3A_1705 : vector<16xf32>
      %min3A_1756 = arith.minimumf %get3A_1754, %min3A_1705 : vector<16xf32>
      %select_n3A_1757 = arith.select %lt3A_1755, %broadcast_in_dim3A_1721, %select_n3A_1706 : vector<16xi1>, vector<16xi32>
      %mul3A_1758 = arith.constant 64 : i32
      %mul3A_1759 = arith.muli %scan3A_1720, %mul3A_1758 : i32
      %add3A_1760 = arith.constant 48 : i32
      %add3A_1761 = arith.addi %mul3A_1759, %add3A_1760 : i32
      %get3A_1762 = arith.constant 0 : i32
      %get3A_1763 = arith.index_cast %get3A_1762 : i32 to index
      %get3A_1764 = arith.index_cast %add3A_1761 : i32 to index
      %get3A_1765 = tpu.vector_load %arg4[%get3A_1763, %get3A_1764] {strides = array<i32>} : memref<6x8192xf32, #tpu.memory_space<vmem>>, vector<1x16xf32>,
      %get3A_1766 = vector.shape_cast %get3A_1765 : vector<1x16xf32> to vector<16xf32>
      %lt3A_1767 = arith.cmpf olt, %get3A_1766, %min3A_1717 : vector<16xf32>
      %min3A_1768 = arith.minimumf %get3A_1766, %min3A_1717 : vector<16xf32>
      %select_n3A_1769 = arith.select %lt3A_1767, %broadcast_in_dim3A_1721, %select_n3A_1718 : vector<16xi1>, vector<16xi32>
      scf.yield %min3A_1732, %min3A_1744, %min3A_1756, %min3A_1768, %select_n3A_1733, %select_n3A_1745, %select_n3A_1757, %select_n3A_1769 : vector<16xf32>, vector<16xf32>, vector<16xf32>, vector<16xf32>, vector<16xi32>, vector<16xi32>, vector<16xi32>, vector<16xi32>
    }
    %scan3A_397 = arith.constant 128 : i32
    %mul3A_398 = arith.constant 64 : i32
    %mul3A_399 = vector.broadcast %mul3A_398 : i32 to vector<16xi32>
    %mul3A_400 = arith.muli %scan3A_396#4, %mul3A_399 : vector<16xi32>
    %add3A_401 = arith.constant 0 : i32
    %add3A_402 = vector.broadcast %add3A_401 : i32 to vector<16xi32>
    %add3A_403 = arith.addi %mul3A_400, %add3A_402 : vector<16xi32>
    %add3A_404 = arith.addi %add3A_403, %iota3A : vector<16xi32>
    %mul3A_405 = arith.constant 64 : i32
    %mul3A_406 = vector.broadcast %mul3A_405 : i32 to vector<16xi32>
    %mul3A_407 = arith.muli %scan3A_396#5, %mul3A_406 : vector<16xi32>
    %add3A_408 = arith.constant 16 : i32
    %add3A_409 = vector.broadcast %add3A_408 : i32 to vector<16xi32>
    %add3A_410 = arith.addi %mul3A_407, %add3A_409 : vector<16xi32>
    %add3A_411 = arith.addi %add3A_410, %iota3A : vector<16xi32>
    %mul3A_412 = arith.constant 64 : i32
    %mul3A_413 = vector.broadcast %mul3A_412 : i32 to vector<16xi32>
    %mul3A_414 = arith.muli %scan3A_396#6, %mul3A_413 : vector<16xi32>
    %add3A_415 = arith.constant 32 : i32
    %add3A_416 = vector.broadcast %add3A_415 : i32 to vector<16xi32>
    %add3A_417 = arith.addi %mul3A_414, %add3A_416 : vector<16xi32>
    %add3A_418 = arith.addi %add3A_417, %iota3A : vector<16xi32>
    %mul3A_419 = arith.constant 64 : i32
    %mul3A_420 = vector.broadcast %mul3A_419 : i32 to vector<16xi32>
    %mul3A_421 = arith.muli %scan3A_396#7, %mul3A_420 : vector<16xi32>
    %add3A_422 = arith.constant 48 : i32
    %add3A_423 = vector.broadcast %add3A_422 : i32 to vector<16xi32>
    %add3A_424 = arith.addi %mul3A_421, %add3A_423 : vector<16xi32>
    %add3A_425 = arith.addi %add3A_424, %iota3A : vector<16xi32>
    %lt3A_426 = arith.cmpf olt, %scan3A_396#2, %scan3A_396#0 : vector<16xf32>
    %eq3A_427 = arith.cmpf oeq, %scan3A_396#2, %scan3A_396#0 : vector<16xf32>
    %lt3A_428 = arith.cmpi slt, %add3A_418, %add3A_404 : vector<16xi32>
    %and3A_429 = arith.andi %eq3A_427, %lt3A_428 : vector<16xi1>
    %or3A = arith.ori %lt3A_426, %and3A_429 : vector<16xi1>
    %select_n3A_430 = arith.select %or3A, %scan3A_396#2, %scan3A_396#0 : vector<16xi1>, vector<16xf32>
    %select_n3A_431 = arith.select %or3A, %add3A_418, %add3A_404 : vector<16xi1>, vector<16xi32>
    %lt3A_432 = arith.cmpf olt, %scan3A_396#3, %scan3A_396#1 : vector<16xf32>
    %eq3A_433 = arith.cmpf oeq, %scan3A_396#3, %scan3A_396#1 : vector<16xf32>
    %lt3A_434 = arith.cmpi slt, %add3A_425, %add3A_411 : vector<16xi32>
    %and3A_435 = arith.andi %eq3A_433, %lt3A_434 : vector<16xi1>
    %or3A_436 = arith.ori %lt3A_432, %and3A_435 : vector<16xi1>
    %select_n3A_437 = arith.select %or3A_436, %scan3A_396#3, %scan3A_396#1 : vector<16xi1>, vector<16xf32>
    %select_n3A_438 = arith.select %or3A_436, %add3A_425, %add3A_411 : vector<16xi1>, vector<16xi32>
    %lt3A_439 = arith.cmpf olt, %select_n3A_437, %select_n3A_430 : vector<16xf32>
    %eq3A_440 = arith.cmpf oeq, %select_n3A_437, %select_n3A_430 : vector<16xf32>
    %lt3A_441 = arith.cmpi slt, %select_n3A_438, %select_n3A_431 : vector<16xi32>
    %and3A_442 = arith.andi %eq3A_440, %lt3A_441 : vector<16xi1>
    %or3A_443 = arith.ori %lt3A_439, %and3A_442 : vector<16xi1>
    %select_n3A_444 = arith.select %or3A_443, %select_n3A_437, %select_n3A_430 : vector<16xi1>, vector<16xf32>
    %select_n3A_445 = arith.select %or3A_443, %select_n3A_438, %select_n3A_431 : vector<16xi1>, vector<16xi32>
    %add3A_446 = arith.constant 8 : i32
    %add3A_447 = vector.broadcast %add3A_446 : i32 to vector<16xi32>
    %add3A_448 = arith.addi %iota3A, %add3A_447 : vector<16xi32>
    %and3A_449 = arith.constant 15 : i32
    %and3A_450 = vector.broadcast %and3A_449 : i32 to vector<16xi32>
    %and3A_451 = arith.andi %add3A_448, %and3A_450 : vector<16xi32>
    %broadcast_in_dim3A_452 = vector.shape_cast %and3A_451 : vector<16xi32> to vector<16x1xi32>
    %gather3A = vector.shape_cast %broadcast_in_dim3A_452 : vector<16x1xi32> to vector<16xi32>
    %gather3A_453 = tpu.dynamic_gather %select_n3A_444[%gather3A] in [0] : vector<16xf32>, vector<16xi32> -> vector<16xf32>
    %broadcast_in_dim3A_454 = vector.shape_cast %and3A_451 : vector<16xi32> to vector<16x1xi32>
    %gather3A_455 = vector.shape_cast %broadcast_in_dim3A_454 : vector<16x1xi32> to vector<16xi32>
    %gather3A_456 = tpu.dynamic_gather %select_n3A_445[%gather3A_455] in [0] : vector<16xi32>, vector<16xi32> -> vector<16xi32>
    %lt3A_457 = arith.cmpf olt, %gather3A_453, %select_n3A_444 : vector<16xf32>
    %eq3A_458 = arith.cmpf oeq, %gather3A_453, %select_n3A_444 : vector<16xf32>
    %lt3A_459 = arith.cmpi slt, %gather3A_456, %select_n3A_445 : vector<16xi32>
    %and3A_460 = arith.andi %eq3A_458, %lt3A_459 : vector<16xi1>
    %or3A_461 = arith.ori %lt3A_457, %and3A_460 : vector<16xi1>
    %select_n3A_462 = arith.select %or3A_461, %gather3A_453, %select_n3A_444 : vector<16xi1>, vector<16xf32>
    %select_n3A_463 = arith.select %or3A_461, %gather3A_456, %select_n3A_445 : vector<16xi1>, vector<16xi32>
    %add3A_464 = arith.constant 4 : i32
    %add3A_465 = vector.broadcast %add3A_464 : i32 to vector<16xi32>
    %add3A_466 = arith.addi %iota3A, %add3A_465 : vector<16xi32>
    %and3A_467 = arith.constant 15 : i32
    %and3A_468 = vector.broadcast %and3A_467 : i32 to vector<16xi32>
    %and3A_469 = arith.andi %add3A_466, %and3A_468 : vector<16xi32>
    %broadcast_in_dim3A_470 = vector.shape_cast %and3A_469 : vector<16xi32> to vector<16x1xi32>
    %gather3A_471 = vector.shape_cast %broadcast_in_dim3A_470 : vector<16x1xi32> to vector<16xi32>
    %gather3A_472 = tpu.dynamic_gather %select_n3A_462[%gather3A_471] in [0] : vector<16xf32>, vector<16xi32> -> vector<16xf32>
    %broadcast_in_dim3A_473 = vector.shape_cast %and3A_469 : vector<16xi32> to vector<16x1xi32>
    %gather3A_474 = vector.shape_cast %broadcast_in_dim3A_473 : vector<16x1xi32> to vector<16xi32>
    %gather3A_475 = tpu.dynamic_gather %select_n3A_463[%gather3A_474] in [0] : vector<16xi32>, vector<16xi32> -> vector<16xi32>
    %lt3A_476 = arith.cmpf olt, %gather3A_472, %select_n3A_462 : vector<16xf32>
    %eq3A_477 = arith.cmpf oeq, %gather3A_472, %select_n3A_462 : vector<16xf32>
    %lt3A_478 = arith.cmpi slt, %gather3A_475, %select_n3A_463 : vector<16xi32>
    %and3A_479 = arith.andi %eq3A_477, %lt3A_478 : vector<16xi1>
    %or3A_480 = arith.ori %lt3A_476, %and3A_479 : vector<16xi1>
    %select_n3A_481 = arith.select %or3A_480, %gather3A_472, %select_n3A_462 : vector<16xi1>, vector<16xf32>
    %select_n3A_482 = arith.select %or3A_480, %gather3A_475, %select_n3A_463 : vector<16xi1>, vector<16xi32>
    %add3A_483 = arith.constant 2 : i32
    %add3A_484 = vector.broadcast %add3A_483 : i32 to vector<16xi32>
    %add3A_485 = arith.addi %iota3A, %add3A_484 : vector<16xi32>
    %and3A_486 = arith.constant 15 : i32
    %and3A_487 = vector.broadcast %and3A_486 : i32 to vector<16xi32>
    %and3A_488 = arith.andi %add3A_485, %and3A_487 : vector<16xi32>
    %broadcast_in_dim3A_489 = vector.shape_cast %and3A_488 : vector<16xi32> to vector<16x1xi32>
    %gather3A_490 = vector.shape_cast %broadcast_in_dim3A_489 : vector<16x1xi32> to vector<16xi32>
    %gather3A_491 = tpu.dynamic_gather %select_n3A_481[%gather3A_490] in [0] : vector<16xf32>, vector<16xi32> -> vector<16xf32>
    %broadcast_in_dim3A_492 = vector.shape_cast %and3A_488 : vector<16xi32> to vector<16x1xi32>
    %gather3A_493 = vector.shape_cast %broadcast_in_dim3A_492 : vector<16x1xi32> to vector<16xi32>
    %gather3A_494 = tpu.dynamic_gather %select_n3A_482[%gather3A_493] in [0] : vector<16xi32>, vector<16xi32> -> vector<16xi32>
    %lt3A_495 = arith.cmpf olt, %gather3A_491, %select_n3A_481 : vector<16xf32>
    %eq3A_496 = arith.cmpf oeq, %gather3A_491, %select_n3A_481 : vector<16xf32>
    %lt3A_497 = arith.cmpi slt, %gather3A_494, %select_n3A_482 : vector<16xi32>
    %and3A_498 = arith.andi %eq3A_496, %lt3A_497 : vector<16xi1>
    %or3A_499 = arith.ori %lt3A_495, %and3A_498 : vector<16xi1>
    %select_n3A_500 = arith.select %or3A_499, %gather3A_491, %select_n3A_481 : vector<16xi1>, vector<16xf32>
    %select_n3A_501 = arith.select %or3A_499, %gather3A_494, %select_n3A_482 : vector<16xi1>, vector<16xi32>
    %add3A_502 = arith.constant 1 : i32
    %add3A_503 = vector.broadcast %add3A_502 : i32 to vector<16xi32>
    %add3A_504 = arith.addi %iota3A, %add3A_503 : vector<16xi32>
    %and3A_505 = arith.constant 15 : i32
    %and3A_506 = vector.broadcast %and3A_505 : i32 to vector<16xi32>
    %and3A_507 = arith.andi %add3A_504, %and3A_506 : vector<16xi32>
    %broadcast_in_dim3A_508 = vector.shape_cast %and3A_507 : vector<16xi32> to vector<16x1xi32>
    %gather3A_509 = vector.shape_cast %broadcast_in_dim3A_508 : vector<16x1xi32> to vector<16xi32>
    %gather3A_510 = tpu.dynamic_gather %select_n3A_500[%gather3A_509] in [0] : vector<16xf32>, vector<16xi32> -> vector<16xf32>
    %broadcast_in_dim3A_511 = vector.shape_cast %and3A_507 : vector<16xi32> to vector<16x1xi32>
    %gather3A_512 = vector.shape_cast %broadcast_in_dim3A_511 : vector<16x1xi32> to vector<16xi32>
    %gather3A_513 = tpu.dynamic_gather %select_n3A_501[%gather3A_512] in [0] : vector<16xi32>, vector<16xi32> -> vector<16xi32>
    %lt3A_514 = arith.cmpf olt, %gather3A_510, %select_n3A_500 : vector<16xf32>
    %eq3A_515 = arith.cmpf oeq, %gather3A_510, %select_n3A_500 : vector<16xf32>
    %lt3A_516 = arith.cmpi slt, %gather3A_513, %select_n3A_501 : vector<16xi32>
    %and3A_517 = arith.andi %eq3A_515, %lt3A_516 : vector<16xi1>
    %or3A_518 = arith.ori %lt3A_514, %and3A_517 : vector<16xi1>
    %select_n3A_519 = arith.select %or3A_518, %gather3A_510, %select_n3A_500 : vector<16xi1>, vector<16xf32>
    %select_n3A_520 = arith.select %or3A_518, %gather3A_513, %select_n3A_501 : vector<16xi1>, vector<16xi32>
    %eq3A_521 = arith.constant 0 : i32
    %eq3A_522 = vector.broadcast %eq3A_521 : i32 to vector<16xi32>
    %eq3A_523 = arith.cmpi eq, %iota3A, %eq3A_522 : vector<16xi32>
    %select_n3A_524 = arith.select %eq3A_523, %select_n3A_520, %broadcast_in_dim3A_322 : vector<16xi1>, vector<16xi32>
    %add3A_525 = arith.constant 1 : i32
    %add3A_526 = arith.addi %mul3A_2, %add3A_525 : i32
    %jit3A_527 = arith.constant 8 : i32
    %div3A_528 = arith.divsi %add3A_526, %jit3A_527 : i32
    %sign3A_529 = arith.constant 0 : i32
    %sign3A_530 = arith.cmpi sgt, %add3A_526, %sign3A_529 : i32
    %sign3A_531 = arith.extui %sign3A_530 : i1 to i32
    %sign3A_532 = arith.constant 0 : i32
    %sign3A_533 = arith.cmpi slt, %add3A_526, %sign3A_532 : i32
    %sign3A_534 = arith.extui %sign3A_533 : i1 to i32
    %sign3A_535 = arith.subi %sign3A_531, %sign3A_534 : i32
    %sign3A_536 = arith.constant 0 : i32
    %sign3A_537 = arith.cmpi sgt, %jit3A_527, %sign3A_536 : i32
    %sign3A_538 = arith.extui %sign3A_537 : i1 to i32
    %sign3A_539 = arith.constant 0 : i32
    %sign3A_540 = arith.cmpi slt, %jit3A_527, %sign3A_539 : i32
    %sign3A_541 = arith.extui %sign3A_540 : i1 to i32
    %sign3A_542 = arith.subi %sign3A_538, %sign3A_541 : i32
    %ne3A_543 = arith.cmpi ne, %sign3A_535, %sign3A_542 : i32
    %rem3A_544 = arith.remsi %add3A_526, %jit3A_527 : i32
    %ne3A_545 = arith.constant 0 : i32
    %ne3A_546 = arith.cmpi ne, %rem3A_544, %ne3A_545 : i32
    %and3A_547 = arith.andi %ne3A_543, %ne3A_546 : i1
    %sub3A_548 = arith.constant 1 : i32
    %sub3A_549 = arith.subi %div3A_528, %sub3A_548 : i32
    %select_n3A_550 = arith.select %and3A_547, %sub3A_549, %div3A_528 : i32
    %jit3A_551 = arith.constant 8 : i32
    %eq3A_552 = arith.constant 0 : i32
    %eq3A_553 = arith.cmpi eq, %jit3A_551, %eq3A_552 : i32
    %jit3A_554 = arith.constant 1 : i32
    %select_n3A_555 = arith.select %eq3A_553, %jit3A_554, %jit3A_551 : i32
    %rem3A_556 = arith.remsi %add3A_526, %select_n3A_555 : i32
    %ne3A_557 = arith.constant 0 : i32
    %ne3A_558 = arith.cmpi ne, %rem3A_556, %ne3A_557 : i32
    %lt3A_559 = arith.constant 0 : i32
    %lt3A_560 = arith.cmpi slt, %rem3A_556, %lt3A_559 : i32
    %lt3A_561 = arith.constant 0 : i32
    %lt3A_562 = arith.cmpi slt, %select_n3A_555, %lt3A_561 : i32
    %ne3A_563 = arith.xori %lt3A_560, %lt3A_562 : i1
    %and3A_564 = arith.andi %ne3A_563, %ne3A_558 : i1
    %add3A_565 = arith.addi %rem3A_556, %select_n3A_555 : i32
    %select_n3A_566 = arith.select %and3A_564, %add3A_565, %rem3A_556 : i32
    %dma_wait3A_567 = arith.constant 1 : i32
    %dma_wait3A_568 = arith.constant 0 : i32
    %dma_wait3A_569 = tpu.memref_slice %arg4[%dma_wait3A_567, %dma_wait3A_568] : memref<6x8192xf32, #tpu.memory_space<vmem>> -> memref<1x8192xf32, #tpu.memory_space<vmem>>
    %dma_wait3A_570 = tpu.memref_squeeze %dma_wait3A_569 : memref<1x8192xf32, #tpu.memory_space<vmem>> -> memref<8192xf32, #tpu.memory_space<vmem>>
    %dma_wait3A_571 = arith.constant 0 : i32
    %dma_wait3A_572 = tpu.memref_slice %arg2[%select_n3A_550, %select_n3A_566, %dma_wait3A_571] : memref<32x8x8192xf32, #tpu.memory_space<hbm>> -> memref<1x1x8192xf32, #tpu.memory_space<hbm>>
    %dma_wait3A_573 = tpu.memref_squeeze %dma_wait3A_572 : memref<1x1x8192xf32, #tpu.memory_space<hbm>> -> memref<8192xf32, #tpu.memory_space<hbm>>
    %dma_wait3A_574 = arith.constant 0 : i32
    %dma_wait3A_575 = tpu.memref_slice %arg4[%dma_wait3A_567, %dma_wait3A_574] : memref<6x8192xf32, #tpu.memory_space<vmem>> -> memref<1x8192xf32, #tpu.memory_space<vmem>>
    %dma_wait3A_576 = tpu.memref_squeeze %dma_wait3A_575 : memref<1x8192xf32, #tpu.memory_space<vmem>> -> memref<8192xf32, #tpu.memory_space<vmem>>
    %dma_wait3A_577 = arith.constant 0 : i32
    %dma_wait3A_578 = tpu.memref_slice %arg2[%select_n3A_550, %select_n3A_566, %dma_wait3A_577] : memref<32x8x8192xf32, #tpu.memory_space<hbm>> -> memref<1x1x8192xf32, #tpu.memory_space<hbm>>
    %dma_wait3A_579 = tpu.memref_squeeze %dma_wait3A_578 : memref<1x1x8192xf32, #tpu.memory_space<hbm>> -> memref<8192xf32, #tpu.memory_space<hbm>>
    tpu.wait_dma2 semaphore(%arg7 : memref<!tpu.dma_semaphore, #tpu.memory_space<semaphore_mem>>) src(%dma_wait3A_579 : memref<8192xf32, #tpu.memory_space<hbm>>) dst(%dma_wait3A_576 : memref<8192xf32, #tpu.memory_space<vmem>>)
    %broadcast_in_dim3A_580 = arith.constant 0x7F800000 : f32
    %broadcast_in_dim3A_581 = vector.broadcast %broadcast_in_dim3A_580 : f32 to vector<16xf32>
    %broadcast_in_dim3A_582 = arith.constant 0x7F800000 : f32
    %broadcast_in_dim3A_583 = vector.broadcast %broadcast_in_dim3A_582 : f32 to vector<16xf32>
    %broadcast_in_dim3A_584 = arith.constant 0x7F800000 : f32
    %broadcast_in_dim3A_585 = vector.broadcast %broadcast_in_dim3A_584 : f32 to vector<16xf32>
    %broadcast_in_dim3A_586 = arith.constant 0x7F800000 : f32
    %broadcast_in_dim3A_587 = vector.broadcast %broadcast_in_dim3A_586 : f32 to vector<16xf32>
    %broadcast_in_dim3A_588 = arith.constant 0 : i32
    %broadcast_in_dim3A_589 = vector.broadcast %broadcast_in_dim3A_588 : i32 to vector<16xi32>
    %broadcast_in_dim3A_590 = arith.constant 0 : i32
    %broadcast_in_dim3A_591 = vector.broadcast %broadcast_in_dim3A_590 : i32 to vector<16xi32>
    %broadcast_in_dim3A_592 = arith.constant 0 : i32
    %broadcast_in_dim3A_593 = vector.broadcast %broadcast_in_dim3A_592 : i32 to vector<16xi32>
    %broadcast_in_dim3A_594 = arith.constant 0 : i32
    %broadcast_in_dim3A_595 = vector.broadcast %broadcast_in_dim3A_594 : i32 to vector<16xi32>
    %scan3A_596 = arith.constant 0 : i32
    %scan3A_597 = arith.constant 128 : i32
    %scan3A_598 = arith.addi %scan3A_596, %scan3A_597 : i32
    %scan3A_599 = arith.constant 4 : i32
    %scan3A_600:8 = scf.for %scan3A_1561 = %scan3A_596 to %scan3A_598 step %scan3A_599 iter_args(%scan3A_1562 = %broadcast_in_dim3A_581, %scan3A_1563 = %broadcast_in_dim3A_583, %scan3A_1564 = %broadcast_in_dim3A_585, %scan3A_1565 = %broadcast_in_dim3A_587, %scan3A_1566 = %broadcast_in_dim3A_589, %scan3A_1567 = %broadcast_in_dim3A_591, %scan3A_1568 = %broadcast_in_dim3A_593, %scan3A_1569 = %broadcast_in_dim3A_595) -> (vector<16xf32>, vector<16xf32>, vector<16xf32>, vector<16xf32>, vector<16xi32>, vector<16xi32>, vector<16xi32>, vector<16xi32>)  : i32 {
      %broadcast_in_dim3A_1570 = vector.broadcast %scan3A_1561 : i32 to vector<16xi32>
      %mul3A_1571 = arith.constant 64 : i32
      %mul3A_1572 = arith.muli %scan3A_1561, %mul3A_1571 : i32
      %add3A_1573 = arith.constant 0 : i32
      %add3A_1574 = arith.addi %mul3A_1572, %add3A_1573 : i32
      %get3A = arith.constant 1 : i32
      %get3A_1575 = arith.index_cast %get3A : i32 to index
      %get3A_1576 = arith.index_cast %add3A_1574 : i32 to index
      %get3A_1577 = tpu.vector_load %arg4[%get3A_1575, %get3A_1576] {strides = array<i32>} : memref<6x8192xf32, #tpu.memory_space<vmem>>, vector<1x16xf32>,
      %get3A_1578 = vector.shape_cast %get3A_1577 : vector<1x16xf32> to vector<16xf32>
      %lt3A_1579 = arith.cmpf olt, %get3A_1578, %scan3A_1562 : vector<16xf32>
      %min3A = arith.minimumf %get3A_1578, %scan3A_1562 : vector<16xf32>
      %select_n3A_1580 = arith.select %lt3A_1579, %broadcast_in_dim3A_1570, %scan3A_1566 : vector<16xi1>, vector<16xi32>
      %mul3A_1581 = arith.constant 64 : i32
      %mul3A_1582 = arith.muli %scan3A_1561, %mul3A_1581 : i32
      %add3A_1583 = arith.constant 16 : i32
      %add3A_1584 = arith.addi %mul3A_1582, %add3A_1583 : i32
      %get3A_1585 = arith.constant 1 : i32
      %get3A_1586 = arith.index_cast %get3A_1585 : i32 to index
      %get3A_1587 = arith.index_cast %add3A_1584 : i32 to index
      %get3A_1588 = tpu.vector_load %arg4[%get3A_1586, %get3A_1587] {strides = array<i32>} : memref<6x8192xf32, #tpu.memory_space<vmem>>, vector<1x16xf32>,
      %get3A_1589 = vector.shape_cast %get3A_1588 : vector<1x16xf32> to vector<16xf32>
      %lt3A_1590 = arith.cmpf olt, %get3A_1589, %scan3A_1563 : vector<16xf32>
      %min3A_1591 = arith.minimumf %get3A_1589, %scan3A_1563 : vector<16xf32>
      %select_n3A_1592 = arith.select %lt3A_1590, %broadcast_in_dim3A_1570, %scan3A_1567 : vector<16xi1>, vector<16xi32>
      %mul3A_1593 = arith.constant 64 : i32
      %mul3A_1594 = arith.muli %scan3A_1561, %mul3A_1593 : i32
      %add3A_1595 = arith.constant 32 : i32
      %add3A_1596 = arith.addi %mul3A_1594, %add3A_1595 : i32
      %get3A_1597 = arith.constant 1 : i32
      %get3A_1598 = arith.index_cast %get3A_1597 : i32 to index
      %get3A_1599 = arith.index_cast %add3A_1596 : i32 to index
      %get3A_1600 = tpu.vector_load %arg4[%get3A_1598, %get3A_1599] {strides = array<i32>} : memref<6x8192xf32, #tpu.memory_space<vmem>>, vector<1x16xf32>,
      %get3A_1601 = vector.shape_cast %get3A_1600 : vector<1x16xf32> to vector<16xf32>
      %lt3A_1602 = arith.cmpf olt, %get3A_1601, %scan3A_1564 : vector<16xf32>
      %min3A_1603 = arith.minimumf %get3A_1601, %scan3A_1564 : vector<16xf32>
      %select_n3A_1604 = arith.select %lt3A_1602, %broadcast_in_dim3A_1570, %scan3A_1568 : vector<16xi1>, vector<16xi32>
      %mul3A_1605 = arith.constant 64 : i32
      %mul3A_1606 = arith.muli %scan3A_1561, %mul3A_1605 : i32
      %add3A_1607 = arith.constant 48 : i32
      %add3A_1608 = arith.addi %mul3A_1606, %add3A_1607 : i32
      %get3A_1609 = arith.constant 1 : i32
      %get3A_1610 = arith.index_cast %get3A_1609 : i32 to index
      %get3A_1611 = arith.index_cast %add3A_1608 : i32 to index
      %get3A_1612 = tpu.vector_load %arg4[%get3A_1610, %get3A_1611] {strides = array<i32>} : memref<6x8192xf32, #tpu.memory_space<vmem>>, vector<1x16xf32>,
      %get3A_1613 = vector.shape_cast %get3A_1612 : vector<1x16xf32> to vector<16xf32>
      %lt3A_1614 = arith.cmpf olt, %get3A_1613, %scan3A_1565 : vector<16xf32>
      %min3A_1615 = arith.minimumf %get3A_1613, %scan3A_1565 : vector<16xf32>
      %select_n3A_1616 = arith.select %lt3A_1614, %broadcast_in_dim3A_1570, %scan3A_1569 : vector<16xi1>, vector<16xi32>
      %scan3A_1617 = arith.constant 1 : i32
      %scan3A_1618 = arith.addi %scan3A_1561, %scan3A_1617 : i32
      %broadcast_in_dim3A_1619 = vector.broadcast %scan3A_1618 : i32 to vector<16xi32>
      %mul3A_1620 = arith.constant 64 : i32
      %mul3A_1621 = arith.muli %scan3A_1618, %mul3A_1620 : i32
      %add3A_1622 = arith.constant 0 : i32
      %add3A_1623 = arith.addi %mul3A_1621, %add3A_1622 : i32
      %get3A_1624 = arith.constant 1 : i32
      %get3A_1625 = arith.index_cast %get3A_1624 : i32 to index
      %get3A_1626 = arith.index_cast %add3A_1623 : i32 to index
      %get3A_1627 = tpu.vector_load %arg4[%get3A_1625, %get3A_1626] {strides = array<i32>} : memref<6x8192xf32, #tpu.memory_space<vmem>>, vector<1x16xf32>,
      %get3A_1628 = vector.shape_cast %get3A_1627 : vector<1x16xf32> to vector<16xf32>
      %lt3A_1629 = arith.cmpf olt, %get3A_1628, %min3A : vector<16xf32>
      %min3A_1630 = arith.minimumf %get3A_1628, %min3A : vector<16xf32>
      %select_n3A_1631 = arith.select %lt3A_1629, %broadcast_in_dim3A_1619, %select_n3A_1580 : vector<16xi1>, vector<16xi32>
      %mul3A_1632 = arith.constant 64 : i32
      %mul3A_1633 = arith.muli %scan3A_1618, %mul3A_1632 : i32
      %add3A_1634 = arith.constant 16 : i32
      %add3A_1635 = arith.addi %mul3A_1633, %add3A_1634 : i32
      %get3A_1636 = arith.constant 1 : i32
      %get3A_1637 = arith.index_cast %get3A_1636 : i32 to index
      %get3A_1638 = arith.index_cast %add3A_1635 : i32 to index
      %get3A_1639 = tpu.vector_load %arg4[%get3A_1637, %get3A_1638] {strides = array<i32>} : memref<6x8192xf32, #tpu.memory_space<vmem>>, vector<1x16xf32>,
      %get3A_1640 = vector.shape_cast %get3A_1639 : vector<1x16xf32> to vector<16xf32>
      %lt3A_1641 = arith.cmpf olt, %get3A_1640, %min3A_1591 : vector<16xf32>
      %min3A_1642 = arith.minimumf %get3A_1640, %min3A_1591 : vector<16xf32>
      %select_n3A_1643 = arith.select %lt3A_1641, %broadcast_in_dim3A_1619, %select_n3A_1592 : vector<16xi1>, vector<16xi32>
      %mul3A_1644 = arith.constant 64 : i32
      %mul3A_1645 = arith.muli %scan3A_1618, %mul3A_1644 : i32
      %add3A_1646 = arith.constant 32 : i32
      %add3A_1647 = arith.addi %mul3A_1645, %add3A_1646 : i32
      %get3A_1648 = arith.constant 1 : i32
      %get3A_1649 = arith.index_cast %get3A_1648 : i32 to index
      %get3A_1650 = arith.index_cast %add3A_1647 : i32 to index
      %get3A_1651 = tpu.vector_load %arg4[%get3A_1649, %get3A_1650] {strides = array<i32>} : memref<6x8192xf32, #tpu.memory_space<vmem>>, vector<1x16xf32>,
      %get3A_1652 = vector.shape_cast %get3A_1651 : vector<1x16xf32> to vector<16xf32>
      %lt3A_1653 = arith.cmpf olt, %get3A_1652, %min3A_1603 : vector<16xf32>
      %min3A_1654 = arith.minimumf %get3A_1652, %min3A_1603 : vector<16xf32>
      %select_n3A_1655 = arith.select %lt3A_1653, %broadcast_in_dim3A_1619, %select_n3A_1604 : vector<16xi1>, vector<16xi32>
      %mul3A_1656 = arith.constant 64 : i32
      %mul3A_1657 = arith.muli %scan3A_1618, %mul3A_1656 : i32
      %add3A_1658 = arith.constant 48 : i32
      %add3A_1659 = arith.addi %mul3A_1657, %add3A_1658 : i32
      %get3A_1660 = arith.constant 1 : i32
      %get3A_1661 = arith.index_cast %get3A_1660 : i32 to index
      %get3A_1662 = arith.index_cast %add3A_1659 : i32 to index
      %get3A_1663 = tpu.vector_load %arg4[%get3A_1661, %get3A_1662] {strides = array<i32>} : memref<6x8192xf32, #tpu.memory_space<vmem>>, vector<1x16xf32>,
      %get3A_1664 = vector.shape_cast %get3A_1663 : vector<1x16xf32> to vector<16xf32>
      %lt3A_1665 = arith.cmpf olt, %get3A_1664, %min3A_1615 : vector<16xf32>
      %min3A_1666 = arith.minimumf %get3A_1664, %min3A_1615 : vector<16xf32>
      %select_n3A_1667 = arith.select %lt3A_1665, %broadcast_in_dim3A_1619, %select_n3A_1616 : vector<16xi1>, vector<16xi32>
      %scan3A_1668 = arith.constant 2 : i32
      %scan3A_1669 = arith.addi %scan3A_1561, %scan3A_1668 : i32
      %broadcast_in_dim3A_1670 = vector.broadcast %scan3A_1669 : i32 to vector<16xi32>
      %mul3A_1671 = arith.constant 64 : i32
      %mul3A_1672 = arith.muli %scan3A_1669, %mul3A_1671 : i32
      %add3A_1673 = arith.constant 0 : i32
      %add3A_1674 = arith.addi %mul3A_1672, %add3A_1673 : i32
      %get3A_1675 = arith.constant 1 : i32
      %get3A_1676 = arith.index_cast %get3A_1675 : i32 to index
      %get3A_1677 = arith.index_cast %add3A_1674 : i32 to index
      %get3A_1678 = tpu.vector_load %arg4[%get3A_1676, %get3A_1677] {strides = array<i32>} : memref<6x8192xf32, #tpu.memory_space<vmem>>, vector<1x16xf32>,
      %get3A_1679 = vector.shape_cast %get3A_1678 : vector<1x16xf32> to vector<16xf32>
      %lt3A_1680 = arith.cmpf olt, %get3A_1679, %min3A_1630 : vector<16xf32>
      %min3A_1681 = arith.minimumf %get3A_1679, %min3A_1630 : vector<16xf32>
      %select_n3A_1682 = arith.select %lt3A_1680, %broadcast_in_dim3A_1670, %select_n3A_1631 : vector<16xi1>, vector<16xi32>
      %mul3A_1683 = arith.constant 64 : i32
      %mul3A_1684 = arith.muli %scan3A_1669, %mul3A_1683 : i32
      %add3A_1685 = arith.constant 16 : i32
      %add3A_1686 = arith.addi %mul3A_1684, %add3A_1685 : i32
      %get3A_1687 = arith.constant 1 : i32
      %get3A_1688 = arith.index_cast %get3A_1687 : i32 to index
      %get3A_1689 = arith.index_cast %add3A_1686 : i32 to index
      %get3A_1690 = tpu.vector_load %arg4[%get3A_1688, %get3A_1689] {strides = array<i32>} : memref<6x8192xf32, #tpu.memory_space<vmem>>, vector<1x16xf32>,
      %get3A_1691 = vector.shape_cast %get3A_1690 : vector<1x16xf32> to vector<16xf32>
      %lt3A_1692 = arith.cmpf olt, %get3A_1691, %min3A_1642 : vector<16xf32>
      %min3A_1693 = arith.minimumf %get3A_1691, %min3A_1642 : vector<16xf32>
      %select_n3A_1694 = arith.select %lt3A_1692, %broadcast_in_dim3A_1670, %select_n3A_1643 : vector<16xi1>, vector<16xi32>
      %mul3A_1695 = arith.constant 64 : i32
      %mul3A_1696 = arith.muli %scan3A_1669, %mul3A_1695 : i32
      %add3A_1697 = arith.constant 32 : i32
      %add3A_1698 = arith.addi %mul3A_1696, %add3A_1697 : i32
      %get3A_1699 = arith.constant 1 : i32
      %get3A_1700 = arith.index_cast %get3A_1699 : i32 to index
      %get3A_1701 = arith.index_cast %add3A_1698 : i32 to index
      %get3A_1702 = tpu.vector_load %arg4[%get3A_1700, %get3A_1701] {strides = array<i32>} : memref<6x8192xf32, #tpu.memory_space<vmem>>, vector<1x16xf32>,
      %get3A_1703 = vector.shape_cast %get3A_1702 : vector<1x16xf32> to vector<16xf32>
      %lt3A_1704 = arith.cmpf olt, %get3A_1703, %min3A_1654 : vector<16xf32>
      %min3A_1705 = arith.minimumf %get3A_1703, %min3A_1654 : vector<16xf32>
      %select_n3A_1706 = arith.select %lt3A_1704, %broadcast_in_dim3A_1670, %select_n3A_1655 : vector<16xi1>, vector<16xi32>
      %mul3A_1707 = arith.constant 64 : i32
      %mul3A_1708 = arith.muli %scan3A_1669, %mul3A_1707 : i32
      %add3A_1709 = arith.constant 48 : i32
      %add3A_1710 = arith.addi %mul3A_1708, %add3A_1709 : i32
      %get3A_1711 = arith.constant 1 : i32
      %get3A_1712 = arith.index_cast %get3A_1711 : i32 to index
      %get3A_1713 = arith.index_cast %add3A_1710 : i32 to index
      %get3A_1714 = tpu.vector_load %arg4[%get3A_1712, %get3A_1713] {strides = array<i32>} : memref<6x8192xf32, #tpu.memory_space<vmem>>, vector<1x16xf32>,
      %get3A_1715 = vector.shape_cast %get3A_1714 : vector<1x16xf32> to vector<16xf32>
      %lt3A_1716 = arith.cmpf olt, %get3A_1715, %min3A_1666 : vector<16xf32>
      %min3A_1717 = arith.minimumf %get3A_1715, %min3A_1666 : vector<16xf32>
      %select_n3A_1718 = arith.select %lt3A_1716, %broadcast_in_dim3A_1670, %select_n3A_1667 : vector<16xi1>, vector<16xi32>
      %scan3A_1719 = arith.constant 3 : i32
      %scan3A_1720 = arith.addi %scan3A_1561, %scan3A_1719 : i32
      %broadcast_in_dim3A_1721 = vector.broadcast %scan3A_1720 : i32 to vector<16xi32>
      %mul3A_1722 = arith.constant 64 : i32
      %mul3A_1723 = arith.muli %scan3A_1720, %mul3A_1722 : i32
      %add3A_1724 = arith.constant 0 : i32
      %add3A_1725 = arith.addi %mul3A_1723, %add3A_1724 : i32
      %get3A_1726 = arith.constant 1 : i32
      %get3A_1727 = arith.index_cast %get3A_1726 : i32 to index
      %get3A_1728 = arith.index_cast %add3A_1725 : i32 to index
      %get3A_1729 = tpu.vector_load %arg4[%get3A_1727, %get3A_1728] {strides = array<i32>} : memref<6x8192xf32, #tpu.memory_space<vmem>>, vector<1x16xf32>,
      %get3A_1730 = vector.shape_cast %get3A_1729 : vector<1x16xf32> to vector<16xf32>
      %lt3A_1731 = arith.cmpf olt, %get3A_1730, %min3A_1681 : vector<16xf32>
      %min3A_1732 = arith.minimumf %get3A_1730, %min3A_1681 : vector<16xf32>
      %select_n3A_1733 = arith.select %lt3A_1731, %broadcast_in_dim3A_1721, %select_n3A_1682 : vector<16xi1>, vector<16xi32>
      %mul3A_1734 = arith.constant 64 : i32
      %mul3A_1735 = arith.muli %scan3A_1720, %mul3A_1734 : i32
      %add3A_1736 = arith.constant 16 : i32
      %add3A_1737 = arith.addi %mul3A_1735, %add3A_1736 : i32
      %get3A_1738 = arith.constant 1 : i32
      %get3A_1739 = arith.index_cast %get3A_1738 : i32 to index
      %get3A_1740 = arith.index_cast %add3A_1737 : i32 to index
      %get3A_1741 = tpu.vector_load %arg4[%get3A_1739, %get3A_1740] {strides = array<i32>} : memref<6x8192xf32, #tpu.memory_space<vmem>>, vector<1x16xf32>,
      %get3A_1742 = vector.shape_cast %get3A_1741 : vector<1x16xf32> to vector<16xf32>
      %lt3A_1743 = arith.cmpf olt, %get3A_1742, %min3A_1693 : vector<16xf32>
      %min3A_1744 = arith.minimumf %get3A_1742, %min3A_1693 : vector<16xf32>
      %select_n3A_1745 = arith.select %lt3A_1743, %broadcast_in_dim3A_1721, %select_n3A_1694 : vector<16xi1>, vector<16xi32>
      %mul3A_1746 = arith.constant 64 : i32
      %mul3A_1747 = arith.muli %scan3A_1720, %mul3A_1746 : i32
      %add3A_1748 = arith.constant 32 : i32
      %add3A_1749 = arith.addi %mul3A_1747, %add3A_1748 : i32
      %get3A_1750 = arith.constant 1 : i32
      %get3A_1751 = arith.index_cast %get3A_1750 : i32 to index
      %get3A_1752 = arith.index_cast %add3A_1749 : i32 to index
      %get3A_1753 = tpu.vector_load %arg4[%get3A_1751, %get3A_1752] {strides = array<i32>} : memref<6x8192xf32, #tpu.memory_space<vmem>>, vector<1x16xf32>,
      %get3A_1754 = vector.shape_cast %get3A_1753 : vector<1x16xf32> to vector<16xf32>
      %lt3A_1755 = arith.cmpf olt, %get3A_1754, %min3A_1705 : vector<16xf32>
      %min3A_1756 = arith.minimumf %get3A_1754, %min3A_1705 : vector<16xf32>
      %select_n3A_1757 = arith.select %lt3A_1755, %broadcast_in_dim3A_1721, %select_n3A_1706 : vector<16xi1>, vector<16xi32>
      %mul3A_1758 = arith.constant 64 : i32
      %mul3A_1759 = arith.muli %scan3A_1720, %mul3A_1758 : i32
      %add3A_1760 = arith.constant 48 : i32
      %add3A_1761 = arith.addi %mul3A_1759, %add3A_1760 : i32
      %get3A_1762 = arith.constant 1 : i32
      %get3A_1763 = arith.index_cast %get3A_1762 : i32 to index
      %get3A_1764 = arith.index_cast %add3A_1761 : i32 to index
      %get3A_1765 = tpu.vector_load %arg4[%get3A_1763, %get3A_1764] {strides = array<i32>} : memref<6x8192xf32, #tpu.memory_space<vmem>>, vector<1x16xf32>,
      %get3A_1766 = vector.shape_cast %get3A_1765 : vector<1x16xf32> to vector<16xf32>
      %lt3A_1767 = arith.cmpf olt, %get3A_1766, %min3A_1717 : vector<16xf32>
      %min3A_1768 = arith.minimumf %get3A_1766, %min3A_1717 : vector<16xf32>
      %select_n3A_1769 = arith.select %lt3A_1767, %broadcast_in_dim3A_1721, %select_n3A_1718 : vector<16xi1>, vector<16xi32>
      scf.yield %min3A_1732, %min3A_1744, %min3A_1756, %min3A_1768, %select_n3A_1733, %select_n3A_1745, %select_n3A_1757, %select_n3A_1769 : vector<16xf32>, vector<16xf32>, vector<16xf32>, vector<16xf32>, vector<16xi32>, vector<16xi32>, vector<16xi32>, vector<16xi32>
    }
    %scan3A_601 = arith.constant 128 : i32
    %mul3A_602 = arith.constant 64 : i32
    %mul3A_603 = vector.broadcast %mul3A_602 : i32 to vector<16xi32>
    %mul3A_604 = arith.muli %scan3A_600#4, %mul3A_603 : vector<16xi32>
    %add3A_605 = arith.constant 0 : i32
    %add3A_606 = vector.broadcast %add3A_605 : i32 to vector<16xi32>
    %add3A_607 = arith.addi %mul3A_604, %add3A_606 : vector<16xi32>
    %add3A_608 = arith.addi %add3A_607, %iota3A : vector<16xi32>
    %mul3A_609 = arith.constant 64 : i32
    %mul3A_610 = vector.broadcast %mul3A_609 : i32 to vector<16xi32>
    %mul3A_611 = arith.muli %scan3A_600#5, %mul3A_610 : vector<16xi32>
    %add3A_612 = arith.constant 16 : i32
    %add3A_613 = vector.broadcast %add3A_612 : i32 to vector<16xi32>
    %add3A_614 = arith.addi %mul3A_611, %add3A_613 : vector<16xi32>
    %add3A_615 = arith.addi %add3A_614, %iota3A : vector<16xi32>
    %mul3A_616 = arith.constant 64 : i32
    %mul3A_617 = vector.broadcast %mul3A_616 : i32 to vector<16xi32>
    %mul3A_618 = arith.muli %scan3A_600#6, %mul3A_617 : vector<16xi32>
    %add3A_619 = arith.constant 32 : i32
    %add3A_620 = vector.broadcast %add3A_619 : i32 to vector<16xi32>
    %add3A_621 = arith.addi %mul3A_618, %add3A_620 : vector<16xi32>
    %add3A_622 = arith.addi %add3A_621, %iota3A : vector<16xi32>
    %mul3A_623 = arith.constant 64 : i32
    %mul3A_624 = vector.broadcast %mul3A_623 : i32 to vector<16xi32>
    %mul3A_625 = arith.muli %scan3A_600#7, %mul3A_624 : vector<16xi32>
    %add3A_626 = arith.constant 48 : i32
    %add3A_627 = vector.broadcast %add3A_626 : i32 to vector<16xi32>
    %add3A_628 = arith.addi %mul3A_625, %add3A_627 : vector<16xi32>
    %add3A_629 = arith.addi %add3A_628, %iota3A : vector<16xi32>
    %lt3A_630 = arith.cmpf olt, %scan3A_600#2, %scan3A_600#0 : vector<16xf32>
    %eq3A_631 = arith.cmpf oeq, %scan3A_600#2, %scan3A_600#0 : vector<16xf32>
    %lt3A_632 = arith.cmpi slt, %add3A_622, %add3A_608 : vector<16xi32>
    %and3A_633 = arith.andi %eq3A_631, %lt3A_632 : vector<16xi1>
    %or3A_634 = arith.ori %lt3A_630, %and3A_633 : vector<16xi1>
    %select_n3A_635 = arith.select %or3A_634, %scan3A_600#2, %scan3A_600#0 : vector<16xi1>, vector<16xf32>
    %select_n3A_636 = arith.select %or3A_634, %add3A_622, %add3A_608 : vector<16xi1>, vector<16xi32>
    %lt3A_637 = arith.cmpf olt, %scan3A_600#3, %scan3A_600#1 : vector<16xf32>
    %eq3A_638 = arith.cmpf oeq, %scan3A_600#3, %scan3A_600#1 : vector<16xf32>
    %lt3A_639 = arith.cmpi slt, %add3A_629, %add3A_615 : vector<16xi32>
    %and3A_640 = arith.andi %eq3A_638, %lt3A_639 : vector<16xi1>
    %or3A_641 = arith.ori %lt3A_637, %and3A_640 : vector<16xi1>
    %select_n3A_642 = arith.select %or3A_641, %scan3A_600#3, %scan3A_600#1 : vector<16xi1>, vector<16xf32>
    %select_n3A_643 = arith.select %or3A_641, %add3A_629, %add3A_615 : vector<16xi1>, vector<16xi32>
    %lt3A_644 = arith.cmpf olt, %select_n3A_642, %select_n3A_635 : vector<16xf32>
    %eq3A_645 = arith.cmpf oeq, %select_n3A_642, %select_n3A_635 : vector<16xf32>
    %lt3A_646 = arith.cmpi slt, %select_n3A_643, %select_n3A_636 : vector<16xi32>
    %and3A_647 = arith.andi %eq3A_645, %lt3A_646 : vector<16xi1>
    %or3A_648 = arith.ori %lt3A_644, %and3A_647 : vector<16xi1>
    %select_n3A_649 = arith.select %or3A_648, %select_n3A_642, %select_n3A_635 : vector<16xi1>, vector<16xf32>
    %select_n3A_650 = arith.select %or3A_648, %select_n3A_643, %select_n3A_636 : vector<16xi1>, vector<16xi32>
    %add3A_651 = arith.constant 8 : i32
    %add3A_652 = vector.broadcast %add3A_651 : i32 to vector<16xi32>
    %add3A_653 = arith.addi %iota3A, %add3A_652 : vector<16xi32>
    %and3A_654 = arith.constant 15 : i32
    %and3A_655 = vector.broadcast %and3A_654 : i32 to vector<16xi32>
    %and3A_656 = arith.andi %add3A_653, %and3A_655 : vector<16xi32>
    %broadcast_in_dim3A_657 = vector.shape_cast %and3A_656 : vector<16xi32> to vector<16x1xi32>
    %gather3A_658 = vector.shape_cast %broadcast_in_dim3A_657 : vector<16x1xi32> to vector<16xi32>
    %gather3A_659 = tpu.dynamic_gather %select_n3A_649[%gather3A_658] in [0] : vector<16xf32>, vector<16xi32> -> vector<16xf32>
    %broadcast_in_dim3A_660 = vector.shape_cast %and3A_656 : vector<16xi32> to vector<16x1xi32>
    %gather3A_661 = vector.shape_cast %broadcast_in_dim3A_660 : vector<16x1xi32> to vector<16xi32>
    %gather3A_662 = tpu.dynamic_gather %select_n3A_650[%gather3A_661] in [0] : vector<16xi32>, vector<16xi32> -> vector<16xi32>
    %lt3A_663 = arith.cmpf olt, %gather3A_659, %select_n3A_649 : vector<16xf32>
    %eq3A_664 = arith.cmpf oeq, %gather3A_659, %select_n3A_649 : vector<16xf32>
    %lt3A_665 = arith.cmpi slt, %gather3A_662, %select_n3A_650 : vector<16xi32>
    %and3A_666 = arith.andi %eq3A_664, %lt3A_665 : vector<16xi1>
    %or3A_667 = arith.ori %lt3A_663, %and3A_666 : vector<16xi1>
    %select_n3A_668 = arith.select %or3A_667, %gather3A_659, %select_n3A_649 : vector<16xi1>, vector<16xf32>
    %select_n3A_669 = arith.select %or3A_667, %gather3A_662, %select_n3A_650 : vector<16xi1>, vector<16xi32>
    %add3A_670 = arith.constant 4 : i32
    %add3A_671 = vector.broadcast %add3A_670 : i32 to vector<16xi32>
    %add3A_672 = arith.addi %iota3A, %add3A_671 : vector<16xi32>
    %and3A_673 = arith.constant 15 : i32
    %and3A_674 = vector.broadcast %and3A_673 : i32 to vector<16xi32>
    %and3A_675 = arith.andi %add3A_672, %and3A_674 : vector<16xi32>
    %broadcast_in_dim3A_676 = vector.shape_cast %and3A_675 : vector<16xi32> to vector<16x1xi32>
    %gather3A_677 = vector.shape_cast %broadcast_in_dim3A_676 : vector<16x1xi32> to vector<16xi32>
    %gather3A_678 = tpu.dynamic_gather %select_n3A_668[%gather3A_677] in [0] : vector<16xf32>, vector<16xi32> -> vector<16xf32>
    %broadcast_in_dim3A_679 = vector.shape_cast %and3A_675 : vector<16xi32> to vector<16x1xi32>
    %gather3A_680 = vector.shape_cast %broadcast_in_dim3A_679 : vector<16x1xi32> to vector<16xi32>
    %gather3A_681 = tpu.dynamic_gather %select_n3A_669[%gather3A_680] in [0] : vector<16xi32>, vector<16xi32> -> vector<16xi32>
    %lt3A_682 = arith.cmpf olt, %gather3A_678, %select_n3A_668 : vector<16xf32>
    %eq3A_683 = arith.cmpf oeq, %gather3A_678, %select_n3A_668 : vector<16xf32>
    %lt3A_684 = arith.cmpi slt, %gather3A_681, %select_n3A_669 : vector<16xi32>
    %and3A_685 = arith.andi %eq3A_683, %lt3A_684 : vector<16xi1>
    %or3A_686 = arith.ori %lt3A_682, %and3A_685 : vector<16xi1>
    %select_n3A_687 = arith.select %or3A_686, %gather3A_678, %select_n3A_668 : vector<16xi1>, vector<16xf32>
    %select_n3A_688 = arith.select %or3A_686, %gather3A_681, %select_n3A_669 : vector<16xi1>, vector<16xi32>
    %add3A_689 = arith.constant 2 : i32
    %add3A_690 = vector.broadcast %add3A_689 : i32 to vector<16xi32>
    %add3A_691 = arith.addi %iota3A, %add3A_690 : vector<16xi32>
    %and3A_692 = arith.constant 15 : i32
    %and3A_693 = vector.broadcast %and3A_692 : i32 to vector<16xi32>
    %and3A_694 = arith.andi %add3A_691, %and3A_693 : vector<16xi32>
    %broadcast_in_dim3A_695 = vector.shape_cast %and3A_694 : vector<16xi32> to vector<16x1xi32>
    %gather3A_696 = vector.shape_cast %broadcast_in_dim3A_695 : vector<16x1xi32> to vector<16xi32>
    %gather3A_697 = tpu.dynamic_gather %select_n3A_687[%gather3A_696] in [0] : vector<16xf32>, vector<16xi32> -> vector<16xf32>
    %broadcast_in_dim3A_698 = vector.shape_cast %and3A_694 : vector<16xi32> to vector<16x1xi32>
    %gather3A_699 = vector.shape_cast %broadcast_in_dim3A_698 : vector<16x1xi32> to vector<16xi32>
    %gather3A_700 = tpu.dynamic_gather %select_n3A_688[%gather3A_699] in [0] : vector<16xi32>, vector<16xi32> -> vector<16xi32>
    %lt3A_701 = arith.cmpf olt, %gather3A_697, %select_n3A_687 : vector<16xf32>
    %eq3A_702 = arith.cmpf oeq, %gather3A_697, %select_n3A_687 : vector<16xf32>
    %lt3A_703 = arith.cmpi slt, %gather3A_700, %select_n3A_688 : vector<16xi32>
    %and3A_704 = arith.andi %eq3A_702, %lt3A_703 : vector<16xi1>
    %or3A_705 = arith.ori %lt3A_701, %and3A_704 : vector<16xi1>
    %select_n3A_706 = arith.select %or3A_705, %gather3A_697, %select_n3A_687 : vector<16xi1>, vector<16xf32>
    %select_n3A_707 = arith.select %or3A_705, %gather3A_700, %select_n3A_688 : vector<16xi1>, vector<16xi32>
    %add3A_708 = arith.constant 1 : i32
    %add3A_709 = vector.broadcast %add3A_708 : i32 to vector<16xi32>
    %add3A_710 = arith.addi %iota3A, %add3A_709 : vector<16xi32>
    %and3A_711 = arith.constant 15 : i32
    %and3A_712 = vector.broadcast %and3A_711 : i32 to vector<16xi32>
    %and3A_713 = arith.andi %add3A_710, %and3A_712 : vector<16xi32>
    %broadcast_in_dim3A_714 = vector.shape_cast %and3A_713 : vector<16xi32> to vector<16x1xi32>
    %gather3A_715 = vector.shape_cast %broadcast_in_dim3A_714 : vector<16x1xi32> to vector<16xi32>
    %gather3A_716 = tpu.dynamic_gather %select_n3A_706[%gather3A_715] in [0] : vector<16xf32>, vector<16xi32> -> vector<16xf32>
    %broadcast_in_dim3A_717 = vector.shape_cast %and3A_713 : vector<16xi32> to vector<16x1xi32>
    %gather3A_718 = vector.shape_cast %broadcast_in_dim3A_717 : vector<16x1xi32> to vector<16xi32>
    %gather3A_719 = tpu.dynamic_gather %select_n3A_707[%gather3A_718] in [0] : vector<16xi32>, vector<16xi32> -> vector<16xi32>
    %lt3A_720 = arith.cmpf olt, %gather3A_716, %select_n3A_706 : vector<16xf32>
    %eq3A_721 = arith.cmpf oeq, %gather3A_716, %select_n3A_706 : vector<16xf32>
    %lt3A_722 = arith.cmpi slt, %gather3A_719, %select_n3A_707 : vector<16xi32>
    %and3A_723 = arith.andi %eq3A_721, %lt3A_722 : vector<16xi1>
    %or3A_724 = arith.ori %lt3A_720, %and3A_723 : vector<16xi1>
    %select_n3A_725 = arith.select %or3A_724, %gather3A_716, %select_n3A_706 : vector<16xi1>, vector<16xf32>
    %select_n3A_726 = arith.select %or3A_724, %gather3A_719, %select_n3A_707 : vector<16xi1>, vector<16xi32>
    %eq3A_727 = arith.constant 1 : i32
    %eq3A_728 = vector.broadcast %eq3A_727 : i32 to vector<16xi32>
    %eq3A_729 = arith.cmpi eq, %iota3A, %eq3A_728 : vector<16xi32>
    %select_n3A_730 = arith.select %eq3A_729, %select_n3A_726, %select_n3A_524 : vector<16xi1>, vector<16xi32>
    %add3A_731 = arith.constant 2 : i32
    %add3A_732 = arith.addi %mul3A_2, %add3A_731 : i32
    %jit3A_733 = arith.constant 8 : i32
    %div3A_734 = arith.divsi %add3A_732, %jit3A_733 : i32
    %sign3A_735 = arith.constant 0 : i32
    %sign3A_736 = arith.cmpi sgt, %add3A_732, %sign3A_735 : i32
    %sign3A_737 = arith.extui %sign3A_736 : i1 to i32
    %sign3A_738 = arith.constant 0 : i32
    %sign3A_739 = arith.cmpi slt, %add3A_732, %sign3A_738 : i32
    %sign3A_740 = arith.extui %sign3A_739 : i1 to i32
    %sign3A_741 = arith.subi %sign3A_737, %sign3A_740 : i32
    %sign3A_742 = arith.constant 0 : i32
    %sign3A_743 = arith.cmpi sgt, %jit3A_733, %sign3A_742 : i32
    %sign3A_744 = arith.extui %sign3A_743 : i1 to i32
    %sign3A_745 = arith.constant 0 : i32
    %sign3A_746 = arith.cmpi slt, %jit3A_733, %sign3A_745 : i32
    %sign3A_747 = arith.extui %sign3A_746 : i1 to i32
    %sign3A_748 = arith.subi %sign3A_744, %sign3A_747 : i32
    %ne3A_749 = arith.cmpi ne, %sign3A_741, %sign3A_748 : i32
    %rem3A_750 = arith.remsi %add3A_732, %jit3A_733 : i32
    %ne3A_751 = arith.constant 0 : i32
    %ne3A_752 = arith.cmpi ne, %rem3A_750, %ne3A_751 : i32
    %and3A_753 = arith.andi %ne3A_749, %ne3A_752 : i1
    %sub3A_754 = arith.constant 1 : i32
    %sub3A_755 = arith.subi %div3A_734, %sub3A_754 : i32
    %select_n3A_756 = arith.select %and3A_753, %sub3A_755, %div3A_734 : i32
    %jit3A_757 = arith.constant 8 : i32
    %eq3A_758 = arith.constant 0 : i32
    %eq3A_759 = arith.cmpi eq, %jit3A_757, %eq3A_758 : i32
    %jit3A_760 = arith.constant 1 : i32
    %select_n3A_761 = arith.select %eq3A_759, %jit3A_760, %jit3A_757 : i32
    %rem3A_762 = arith.remsi %add3A_732, %select_n3A_761 : i32
    %ne3A_763 = arith.constant 0 : i32
    %ne3A_764 = arith.cmpi ne, %rem3A_762, %ne3A_763 : i32
    %lt3A_765 = arith.constant 0 : i32
    %lt3A_766 = arith.cmpi slt, %rem3A_762, %lt3A_765 : i32
    %lt3A_767 = arith.constant 0 : i32
    %lt3A_768 = arith.cmpi slt, %select_n3A_761, %lt3A_767 : i32
    %ne3A_769 = arith.xori %lt3A_766, %lt3A_768 : i1
    %and3A_770 = arith.andi %ne3A_769, %ne3A_764 : i1
    %add3A_771 = arith.addi %rem3A_762, %select_n3A_761 : i32
    %select_n3A_772 = arith.select %and3A_770, %add3A_771, %rem3A_762 : i32
    %dma_wait3A_773 = arith.constant 2 : i32
    %dma_wait3A_774 = arith.constant 0 : i32
    %dma_wait3A_775 = tpu.memref_slice %arg4[%dma_wait3A_773, %dma_wait3A_774] : memref<6x8192xf32, #tpu.memory_space<vmem>> -> memref<1x8192xf32, #tpu.memory_space<vmem>>
    %dma_wait3A_776 = tpu.memref_squeeze %dma_wait3A_775 : memref<1x8192xf32, #tpu.memory_space<vmem>> -> memref<8192xf32, #tpu.memory_space<vmem>>
    %dma_wait3A_777 = arith.constant 0 : i32
    %dma_wait3A_778 = tpu.memref_slice %arg2[%select_n3A_756, %select_n3A_772, %dma_wait3A_777] : memref<32x8x8192xf32, #tpu.memory_space<hbm>> -> memref<1x1x8192xf32, #tpu.memory_space<hbm>>
    %dma_wait3A_779 = tpu.memref_squeeze %dma_wait3A_778 : memref<1x1x8192xf32, #tpu.memory_space<hbm>> -> memref<8192xf32, #tpu.memory_space<hbm>>
    %dma_wait3A_780 = arith.constant 0 : i32
    %dma_wait3A_781 = tpu.memref_slice %arg4[%dma_wait3A_773, %dma_wait3A_780] : memref<6x8192xf32, #tpu.memory_space<vmem>> -> memref<1x8192xf32, #tpu.memory_space<vmem>>
    %dma_wait3A_782 = tpu.memref_squeeze %dma_wait3A_781 : memref<1x8192xf32, #tpu.memory_space<vmem>> -> memref<8192xf32, #tpu.memory_space<vmem>>
    %dma_wait3A_783 = arith.constant 0 : i32
    %dma_wait3A_784 = tpu.memref_slice %arg2[%select_n3A_756, %select_n3A_772, %dma_wait3A_783] : memref<32x8x8192xf32, #tpu.memory_space<hbm>> -> memref<1x1x8192xf32, #tpu.memory_space<hbm>>
    %dma_wait3A_785 = tpu.memref_squeeze %dma_wait3A_784 : memref<1x1x8192xf32, #tpu.memory_space<hbm>> -> memref<8192xf32, #tpu.memory_space<hbm>>
    tpu.wait_dma2 semaphore(%arg7 : memref<!tpu.dma_semaphore, #tpu.memory_space<semaphore_mem>>) src(%dma_wait3A_785 : memref<8192xf32, #tpu.memory_space<hbm>>) dst(%dma_wait3A_782 : memref<8192xf32, #tpu.memory_space<vmem>>)
    %broadcast_in_dim3A_786 = arith.constant 0x7F800000 : f32
    %broadcast_in_dim3A_787 = vector.broadcast %broadcast_in_dim3A_786 : f32 to vector<16xf32>
    %broadcast_in_dim3A_788 = arith.constant 0x7F800000 : f32
    %broadcast_in_dim3A_789 = vector.broadcast %broadcast_in_dim3A_788 : f32 to vector<16xf32>
    %broadcast_in_dim3A_790 = arith.constant 0x7F800000 : f32
    %broadcast_in_dim3A_791 = vector.broadcast %broadcast_in_dim3A_790 : f32 to vector<16xf32>
    %broadcast_in_dim3A_792 = arith.constant 0x7F800000 : f32
    %broadcast_in_dim3A_793 = vector.broadcast %broadcast_in_dim3A_792 : f32 to vector<16xf32>
    %broadcast_in_dim3A_794 = arith.constant 0 : i32
    %broadcast_in_dim3A_795 = vector.broadcast %broadcast_in_dim3A_794 : i32 to vector<16xi32>
    %broadcast_in_dim3A_796 = arith.constant 0 : i32
    %broadcast_in_dim3A_797 = vector.broadcast %broadcast_in_dim3A_796 : i32 to vector<16xi32>
    %broadcast_in_dim3A_798 = arith.constant 0 : i32
    %broadcast_in_dim3A_799 = vector.broadcast %broadcast_in_dim3A_798 : i32 to vector<16xi32>
    %broadcast_in_dim3A_800 = arith.constant 0 : i32
    %broadcast_in_dim3A_801 = vector.broadcast %broadcast_in_dim3A_800 : i32 to vector<16xi32>
    %scan3A_802 = arith.constant 0 : i32
    %scan3A_803 = arith.constant 128 : i32
    %scan3A_804 = arith.addi %scan3A_802, %scan3A_803 : i32
    %scan3A_805 = arith.constant 4 : i32
    %scan3A_806:8 = scf.for %scan3A_1561 = %scan3A_802 to %scan3A_804 step %scan3A_805 iter_args(%scan3A_1562 = %broadcast_in_dim3A_787, %scan3A_1563 = %broadcast_in_dim3A_789, %scan3A_1564 = %broadcast_in_dim3A_791, %scan3A_1565 = %broadcast_in_dim3A_793, %scan3A_1566 = %broadcast_in_dim3A_795, %scan3A_1567 = %broadcast_in_dim3A_797, %scan3A_1568 = %broadcast_in_dim3A_799, %scan3A_1569 = %broadcast_in_dim3A_801) -> (vector<16xf32>, vector<16xf32>, vector<16xf32>, vector<16xf32>, vector<16xi32>, vector<16xi32>, vector<16xi32>, vector<16xi32>)  : i32 {
      %broadcast_in_dim3A_1570 = vector.broadcast %scan3A_1561 : i32 to vector<16xi32>
      %mul3A_1571 = arith.constant 64 : i32
      %mul3A_1572 = arith.muli %scan3A_1561, %mul3A_1571 : i32
      %add3A_1573 = arith.constant 0 : i32
      %add3A_1574 = arith.addi %mul3A_1572, %add3A_1573 : i32
      %get3A = arith.constant 2 : i32
      %get3A_1575 = arith.index_cast %get3A : i32 to index
      %get3A_1576 = arith.index_cast %add3A_1574 : i32 to index
      %get3A_1577 = tpu.vector_load %arg4[%get3A_1575, %get3A_1576] {strides = array<i32>} : memref<6x8192xf32, #tpu.memory_space<vmem>>, vector<1x16xf32>,
      %get3A_1578 = vector.shape_cast %get3A_1577 : vector<1x16xf32> to vector<16xf32>
      %lt3A_1579 = arith.cmpf olt, %get3A_1578, %scan3A_1562 : vector<16xf32>
      %min3A = arith.minimumf %get3A_1578, %scan3A_1562 : vector<16xf32>
      %select_n3A_1580 = arith.select %lt3A_1579, %broadcast_in_dim3A_1570, %scan3A_1566 : vector<16xi1>, vector<16xi32>
      %mul3A_1581 = arith.constant 64 : i32
      %mul3A_1582 = arith.muli %scan3A_1561, %mul3A_1581 : i32
      %add3A_1583 = arith.constant 16 : i32
      %add3A_1584 = arith.addi %mul3A_1582, %add3A_1583 : i32
      %get3A_1585 = arith.constant 2 : i32
      %get3A_1586 = arith.index_cast %get3A_1585 : i32 to index
      %get3A_1587 = arith.index_cast %add3A_1584 : i32 to index
      %get3A_1588 = tpu.vector_load %arg4[%get3A_1586, %get3A_1587] {strides = array<i32>} : memref<6x8192xf32, #tpu.memory_space<vmem>>, vector<1x16xf32>,
      %get3A_1589 = vector.shape_cast %get3A_1588 : vector<1x16xf32> to vector<16xf32>
      %lt3A_1590 = arith.cmpf olt, %get3A_1589, %scan3A_1563 : vector<16xf32>
      %min3A_1591 = arith.minimumf %get3A_1589, %scan3A_1563 : vector<16xf32>
      %select_n3A_1592 = arith.select %lt3A_1590, %broadcast_in_dim3A_1570, %scan3A_1567 : vector<16xi1>, vector<16xi32>
      %mul3A_1593 = arith.constant 64 : i32
      %mul3A_1594 = arith.muli %scan3A_1561, %mul3A_1593 : i32
      %add3A_1595 = arith.constant 32 : i32
      %add3A_1596 = arith.addi %mul3A_1594, %add3A_1595 : i32
      %get3A_1597 = arith.constant 2 : i32
      %get3A_1598 = arith.index_cast %get3A_1597 : i32 to index
      %get3A_1599 = arith.index_cast %add3A_1596 : i32 to index
      %get3A_1600 = tpu.vector_load %arg4[%get3A_1598, %get3A_1599] {strides = array<i32>} : memref<6x8192xf32, #tpu.memory_space<vmem>>, vector<1x16xf32>,
      %get3A_1601 = vector.shape_cast %get3A_1600 : vector<1x16xf32> to vector<16xf32>
      %lt3A_1602 = arith.cmpf olt, %get3A_1601, %scan3A_1564 : vector<16xf32>
      %min3A_1603 = arith.minimumf %get3A_1601, %scan3A_1564 : vector<16xf32>
      %select_n3A_1604 = arith.select %lt3A_1602, %broadcast_in_dim3A_1570, %scan3A_1568 : vector<16xi1>, vector<16xi32>
      %mul3A_1605 = arith.constant 64 : i32
      %mul3A_1606 = arith.muli %scan3A_1561, %mul3A_1605 : i32
      %add3A_1607 = arith.constant 48 : i32
      %add3A_1608 = arith.addi %mul3A_1606, %add3A_1607 : i32
      %get3A_1609 = arith.constant 2 : i32
      %get3A_1610 = arith.index_cast %get3A_1609 : i32 to index
      %get3A_1611 = arith.index_cast %add3A_1608 : i32 to index
      %get3A_1612 = tpu.vector_load %arg4[%get3A_1610, %get3A_1611] {strides = array<i32>} : memref<6x8192xf32, #tpu.memory_space<vmem>>, vector<1x16xf32>,
      %get3A_1613 = vector.shape_cast %get3A_1612 : vector<1x16xf32> to vector<16xf32>
      %lt3A_1614 = arith.cmpf olt, %get3A_1613, %scan3A_1565 : vector<16xf32>
      %min3A_1615 = arith.minimumf %get3A_1613, %scan3A_1565 : vector<16xf32>
      %select_n3A_1616 = arith.select %lt3A_1614, %broadcast_in_dim3A_1570, %scan3A_1569 : vector<16xi1>, vector<16xi32>
      %scan3A_1617 = arith.constant 1 : i32
      %scan3A_1618 = arith.addi %scan3A_1561, %scan3A_1617 : i32
      %broadcast_in_dim3A_1619 = vector.broadcast %scan3A_1618 : i32 to vector<16xi32>
      %mul3A_1620 = arith.constant 64 : i32
      %mul3A_1621 = arith.muli %scan3A_1618, %mul3A_1620 : i32
      %add3A_1622 = arith.constant 0 : i32
      %add3A_1623 = arith.addi %mul3A_1621, %add3A_1622 : i32
      %get3A_1624 = arith.constant 2 : i32
      %get3A_1625 = arith.index_cast %get3A_1624 : i32 to index
      %get3A_1626 = arith.index_cast %add3A_1623 : i32 to index
      %get3A_1627 = tpu.vector_load %arg4[%get3A_1625, %get3A_1626] {strides = array<i32>} : memref<6x8192xf32, #tpu.memory_space<vmem>>, vector<1x16xf32>,
      %get3A_1628 = vector.shape_cast %get3A_1627 : vector<1x16xf32> to vector<16xf32>
      %lt3A_1629 = arith.cmpf olt, %get3A_1628, %min3A : vector<16xf32>
      %min3A_1630 = arith.minimumf %get3A_1628, %min3A : vector<16xf32>
      %select_n3A_1631 = arith.select %lt3A_1629, %broadcast_in_dim3A_1619, %select_n3A_1580 : vector<16xi1>, vector<16xi32>
      %mul3A_1632 = arith.constant 64 : i32
      %mul3A_1633 = arith.muli %scan3A_1618, %mul3A_1632 : i32
      %add3A_1634 = arith.constant 16 : i32
      %add3A_1635 = arith.addi %mul3A_1633, %add3A_1634 : i32
      %get3A_1636 = arith.constant 2 : i32
      %get3A_1637 = arith.index_cast %get3A_1636 : i32 to index
      %get3A_1638 = arith.index_cast %add3A_1635 : i32 to index
      %get3A_1639 = tpu.vector_load %arg4[%get3A_1637, %get3A_1638] {strides = array<i32>} : memref<6x8192xf32, #tpu.memory_space<vmem>>, vector<1x16xf32>,
      %get3A_1640 = vector.shape_cast %get3A_1639 : vector<1x16xf32> to vector<16xf32>
      %lt3A_1641 = arith.cmpf olt, %get3A_1640, %min3A_1591 : vector<16xf32>
      %min3A_1642 = arith.minimumf %get3A_1640, %min3A_1591 : vector<16xf32>
      %select_n3A_1643 = arith.select %lt3A_1641, %broadcast_in_dim3A_1619, %select_n3A_1592 : vector<16xi1>, vector<16xi32>
      %mul3A_1644 = arith.constant 64 : i32
      %mul3A_1645 = arith.muli %scan3A_1618, %mul3A_1644 : i32
      %add3A_1646 = arith.constant 32 : i32
      %add3A_1647 = arith.addi %mul3A_1645, %add3A_1646 : i32
      %get3A_1648 = arith.constant 2 : i32
      %get3A_1649 = arith.index_cast %get3A_1648 : i32 to index
      %get3A_1650 = arith.index_cast %add3A_1647 : i32 to index
      %get3A_1651 = tpu.vector_load %arg4[%get3A_1649, %get3A_1650] {strides = array<i32>} : memref<6x8192xf32, #tpu.memory_space<vmem>>, vector<1x16xf32>,
      %get3A_1652 = vector.shape_cast %get3A_1651 : vector<1x16xf32> to vector<16xf32>
      %lt3A_1653 = arith.cmpf olt, %get3A_1652, %min3A_1603 : vector<16xf32>
      %min3A_1654 = arith.minimumf %get3A_1652, %min3A_1603 : vector<16xf32>
      %select_n3A_1655 = arith.select %lt3A_1653, %broadcast_in_dim3A_1619, %select_n3A_1604 : vector<16xi1>, vector<16xi32>
      %mul3A_1656 = arith.constant 64 : i32
      %mul3A_1657 = arith.muli %scan3A_1618, %mul3A_1656 : i32
      %add3A_1658 = arith.constant 48 : i32
      %add3A_1659 = arith.addi %mul3A_1657, %add3A_1658 : i32
      %get3A_1660 = arith.constant 2 : i32
      %get3A_1661 = arith.index_cast %get3A_1660 : i32 to index
      %get3A_1662 = arith.index_cast %add3A_1659 : i32 to index
      %get3A_1663 = tpu.vector_load %arg4[%get3A_1661, %get3A_1662] {strides = array<i32>} : memref<6x8192xf32, #tpu.memory_space<vmem>>, vector<1x16xf32>,
      %get3A_1664 = vector.shape_cast %get3A_1663 : vector<1x16xf32> to vector<16xf32>
      %lt3A_1665 = arith.cmpf olt, %get3A_1664, %min3A_1615 : vector<16xf32>
      %min3A_1666 = arith.minimumf %get3A_1664, %min3A_1615 : vector<16xf32>
      %select_n3A_1667 = arith.select %lt3A_1665, %broadcast_in_dim3A_1619, %select_n3A_1616 : vector<16xi1>, vector<16xi32>
      %scan3A_1668 = arith.constant 2 : i32
      %scan3A_1669 = arith.addi %scan3A_1561, %scan3A_1668 : i32
      %broadcast_in_dim3A_1670 = vector.broadcast %scan3A_1669 : i32 to vector<16xi32>
      %mul3A_1671 = arith.constant 64 : i32
      %mul3A_1672 = arith.muli %scan3A_1669, %mul3A_1671 : i32
      %add3A_1673 = arith.constant 0 : i32
      %add3A_1674 = arith.addi %mul3A_1672, %add3A_1673 : i32
      %get3A_1675 = arith.constant 2 : i32
      %get3A_1676 = arith.index_cast %get3A_1675 : i32 to index
      %get3A_1677 = arith.index_cast %add3A_1674 : i32 to index
      %get3A_1678 = tpu.vector_load %arg4[%get3A_1676, %get3A_1677] {strides = array<i32>} : memref<6x8192xf32, #tpu.memory_space<vmem>>, vector<1x16xf32>,
      %get3A_1679 = vector.shape_cast %get3A_1678 : vector<1x16xf32> to vector<16xf32>
      %lt3A_1680 = arith.cmpf olt, %get3A_1679, %min3A_1630 : vector<16xf32>
      %min3A_1681 = arith.minimumf %get3A_1679, %min3A_1630 : vector<16xf32>
      %select_n3A_1682 = arith.select %lt3A_1680, %broadcast_in_dim3A_1670, %select_n3A_1631 : vector<16xi1>, vector<16xi32>
      %mul3A_1683 = arith.constant 64 : i32
      %mul3A_1684 = arith.muli %scan3A_1669, %mul3A_1683 : i32
      %add3A_1685 = arith.constant 16 : i32
      %add3A_1686 = arith.addi %mul3A_1684, %add3A_1685 : i32
      %get3A_1687 = arith.constant 2 : i32
      %get3A_1688 = arith.index_cast %get3A_1687 : i32 to index
      %get3A_1689 = arith.index_cast %add3A_1686 : i32 to index
      %get3A_1690 = tpu.vector_load %arg4[%get3A_1688, %get3A_1689] {strides = array<i32>} : memref<6x8192xf32, #tpu.memory_space<vmem>>, vector<1x16xf32>,
      %get3A_1691 = vector.shape_cast %get3A_1690 : vector<1x16xf32> to vector<16xf32>
      %lt3A_1692 = arith.cmpf olt, %get3A_1691, %min3A_1642 : vector<16xf32>
      %min3A_1693 = arith.minimumf %get3A_1691, %min3A_1642 : vector<16xf32>
      %select_n3A_1694 = arith.select %lt3A_1692, %broadcast_in_dim3A_1670, %select_n3A_1643 : vector<16xi1>, vector<16xi32>
      %mul3A_1695 = arith.constant 64 : i32
      %mul3A_1696 = arith.muli %scan3A_1669, %mul3A_1695 : i32
      %add3A_1697 = arith.constant 32 : i32
      %add3A_1698 = arith.addi %mul3A_1696, %add3A_1697 : i32
      %get3A_1699 = arith.constant 2 : i32
      %get3A_1700 = arith.index_cast %get3A_1699 : i32 to index
      %get3A_1701 = arith.index_cast %add3A_1698 : i32 to index
      %get3A_1702 = tpu.vector_load %arg4[%get3A_1700, %get3A_1701] {strides = array<i32>} : memref<6x8192xf32, #tpu.memory_space<vmem>>, vector<1x16xf32>,
      %get3A_1703 = vector.shape_cast %get3A_1702 : vector<1x16xf32> to vector<16xf32>
      %lt3A_1704 = arith.cmpf olt, %get3A_1703, %min3A_1654 : vector<16xf32>
      %min3A_1705 = arith.minimumf %get3A_1703, %min3A_1654 : vector<16xf32>
      %select_n3A_1706 = arith.select %lt3A_1704, %broadcast_in_dim3A_1670, %select_n3A_1655 : vector<16xi1>, vector<16xi32>
      %mul3A_1707 = arith.constant 64 : i32
      %mul3A_1708 = arith.muli %scan3A_1669, %mul3A_1707 : i32
      %add3A_1709 = arith.constant 48 : i32
      %add3A_1710 = arith.addi %mul3A_1708, %add3A_1709 : i32
      %get3A_1711 = arith.constant 2 : i32
      %get3A_1712 = arith.index_cast %get3A_1711 : i32 to index
      %get3A_1713 = arith.index_cast %add3A_1710 : i32 to index
      %get3A_1714 = tpu.vector_load %arg4[%get3A_1712, %get3A_1713] {strides = array<i32>} : memref<6x8192xf32, #tpu.memory_space<vmem>>, vector<1x16xf32>,
      %get3A_1715 = vector.shape_cast %get3A_1714 : vector<1x16xf32> to vector<16xf32>
      %lt3A_1716 = arith.cmpf olt, %get3A_1715, %min3A_1666 : vector<16xf32>
      %min3A_1717 = arith.minimumf %get3A_1715, %min3A_1666 : vector<16xf32>
      %select_n3A_1718 = arith.select %lt3A_1716, %broadcast_in_dim3A_1670, %select_n3A_1667 : vector<16xi1>, vector<16xi32>
      %scan3A_1719 = arith.constant 3 : i32
      %scan3A_1720 = arith.addi %scan3A_1561, %scan3A_1719 : i32
      %broadcast_in_dim3A_1721 = vector.broadcast %scan3A_1720 : i32 to vector<16xi32>
      %mul3A_1722 = arith.constant 64 : i32
      %mul3A_1723 = arith.muli %scan3A_1720, %mul3A_1722 : i32
      %add3A_1724 = arith.constant 0 : i32
      %add3A_1725 = arith.addi %mul3A_1723, %add3A_1724 : i32
      %get3A_1726 = arith.constant 2 : i32
      %get3A_1727 = arith.index_cast %get3A_1726 : i32 to index
      %get3A_1728 = arith.index_cast %add3A_1725 : i32 to index
      %get3A_1729 = tpu.vector_load %arg4[%get3A_1727, %get3A_1728] {strides = array<i32>} : memref<6x8192xf32, #tpu.memory_space<vmem>>, vector<1x16xf32>,
      %get3A_1730 = vector.shape_cast %get3A_1729 : vector<1x16xf32> to vector<16xf32>
      %lt3A_1731 = arith.cmpf olt, %get3A_1730, %min3A_1681 : vector<16xf32>
      %min3A_1732 = arith.minimumf %get3A_1730, %min3A_1681 : vector<16xf32>
      %select_n3A_1733 = arith.select %lt3A_1731, %broadcast_in_dim3A_1721, %select_n3A_1682 : vector<16xi1>, vector<16xi32>
      %mul3A_1734 = arith.constant 64 : i32
      %mul3A_1735 = arith.muli %scan3A_1720, %mul3A_1734 : i32
      %add3A_1736 = arith.constant 16 : i32
      %add3A_1737 = arith.addi %mul3A_1735, %add3A_1736 : i32
      %get3A_1738 = arith.constant 2 : i32
      %get3A_1739 = arith.index_cast %get3A_1738 : i32 to index
      %get3A_1740 = arith.index_cast %add3A_1737 : i32 to index
      %get3A_1741 = tpu.vector_load %arg4[%get3A_1739, %get3A_1740] {strides = array<i32>} : memref<6x8192xf32, #tpu.memory_space<vmem>>, vector<1x16xf32>,
      %get3A_1742 = vector.shape_cast %get3A_1741 : vector<1x16xf32> to vector<16xf32>
      %lt3A_1743 = arith.cmpf olt, %get3A_1742, %min3A_1693 : vector<16xf32>
      %min3A_1744 = arith.minimumf %get3A_1742, %min3A_1693 : vector<16xf32>
      %select_n3A_1745 = arith.select %lt3A_1743, %broadcast_in_dim3A_1721, %select_n3A_1694 : vector<16xi1>, vector<16xi32>
      %mul3A_1746 = arith.constant 64 : i32
      %mul3A_1747 = arith.muli %scan3A_1720, %mul3A_1746 : i32
      %add3A_1748 = arith.constant 32 : i32
      %add3A_1749 = arith.addi %mul3A_1747, %add3A_1748 : i32
      %get3A_1750 = arith.constant 2 : i32
      %get3A_1751 = arith.index_cast %get3A_1750 : i32 to index
      %get3A_1752 = arith.index_cast %add3A_1749 : i32 to index
      %get3A_1753 = tpu.vector_load %arg4[%get3A_1751, %get3A_1752] {strides = array<i32>} : memref<6x8192xf32, #tpu.memory_space<vmem>>, vector<1x16xf32>,
      %get3A_1754 = vector.shape_cast %get3A_1753 : vector<1x16xf32> to vector<16xf32>
      %lt3A_1755 = arith.cmpf olt, %get3A_1754, %min3A_1705 : vector<16xf32>
      %min3A_1756 = arith.minimumf %get3A_1754, %min3A_1705 : vector<16xf32>
      %select_n3A_1757 = arith.select %lt3A_1755, %broadcast_in_dim3A_1721, %select_n3A_1706 : vector<16xi1>, vector<16xi32>
      %mul3A_1758 = arith.constant 64 : i32
      %mul3A_1759 = arith.muli %scan3A_1720, %mul3A_1758 : i32
      %add3A_1760 = arith.constant 48 : i32
      %add3A_1761 = arith.addi %mul3A_1759, %add3A_1760 : i32
      %get3A_1762 = arith.constant 2 : i32
      %get3A_1763 = arith.index_cast %get3A_1762 : i32 to index
      %get3A_1764 = arith.index_cast %add3A_1761 : i32 to index
      %get3A_1765 = tpu.vector_load %arg4[%get3A_1763, %get3A_1764] {strides = array<i32>} : memref<6x8192xf32, #tpu.memory_space<vmem>>, vector<1x16xf32>,
      %get3A_1766 = vector.shape_cast %get3A_1765 : vector<1x16xf32> to vector<16xf32>
      %lt3A_1767 = arith.cmpf olt, %get3A_1766, %min3A_1717 : vector<16xf32>
      %min3A_1768 = arith.minimumf %get3A_1766, %min3A_1717 : vector<16xf32>
      %select_n3A_1769 = arith.select %lt3A_1767, %broadcast_in_dim3A_1721, %select_n3A_1718 : vector<16xi1>, vector<16xi32>
      scf.yield %min3A_1732, %min3A_1744, %min3A_1756, %min3A_1768, %select_n3A_1733, %select_n3A_1745, %select_n3A_1757, %select_n3A_1769 : vector<16xf32>, vector<16xf32>, vector<16xf32>, vector<16xf32>, vector<16xi32>, vector<16xi32>, vector<16xi32>, vector<16xi32>
    }
    %scan3A_807 = arith.constant 128 : i32
    %mul3A_808 = arith.constant 64 : i32
    %mul3A_809 = vector.broadcast %mul3A_808 : i32 to vector<16xi32>
    %mul3A_810 = arith.muli %scan3A_806#4, %mul3A_809 : vector<16xi32>
    %add3A_811 = arith.constant 0 : i32
    %add3A_812 = vector.broadcast %add3A_811 : i32 to vector<16xi32>
    %add3A_813 = arith.addi %mul3A_810, %add3A_812 : vector<16xi32>
    %add3A_814 = arith.addi %add3A_813, %iota3A : vector<16xi32>
    %mul3A_815 = arith.constant 64 : i32
    %mul3A_816 = vector.broadcast %mul3A_815 : i32 to vector<16xi32>
    %mul3A_817 = arith.muli %scan3A_806#5, %mul3A_816 : vector<16xi32>
    %add3A_818 = arith.constant 16 : i32
    %add3A_819 = vector.broadcast %add3A_818 : i32 to vector<16xi32>
    %add3A_820 = arith.addi %mul3A_817, %add3A_819 : vector<16xi32>
    %add3A_821 = arith.addi %add3A_820, %iota3A : vector<16xi32>
    %mul3A_822 = arith.constant 64 : i32
    %mul3A_823 = vector.broadcast %mul3A_822 : i32 to vector<16xi32>
    %mul3A_824 = arith.muli %scan3A_806#6, %mul3A_823 : vector<16xi32>
    %add3A_825 = arith.constant 32 : i32
    %add3A_826 = vector.broadcast %add3A_825 : i32 to vector<16xi32>
    %add3A_827 = arith.addi %mul3A_824, %add3A_826 : vector<16xi32>
    %add3A_828 = arith.addi %add3A_827, %iota3A : vector<16xi32>
    %mul3A_829 = arith.constant 64 : i32
    %mul3A_830 = vector.broadcast %mul3A_829 : i32 to vector<16xi32>
    %mul3A_831 = arith.muli %scan3A_806#7, %mul3A_830 : vector<16xi32>
    %add3A_832 = arith.constant 48 : i32
    %add3A_833 = vector.broadcast %add3A_832 : i32 to vector<16xi32>
    %add3A_834 = arith.addi %mul3A_831, %add3A_833 : vector<16xi32>
    %add3A_835 = arith.addi %add3A_834, %iota3A : vector<16xi32>
    %lt3A_836 = arith.cmpf olt, %scan3A_806#2, %scan3A_806#0 : vector<16xf32>
    %eq3A_837 = arith.cmpf oeq, %scan3A_806#2, %scan3A_806#0 : vector<16xf32>
    %lt3A_838 = arith.cmpi slt, %add3A_828, %add3A_814 : vector<16xi32>
    %and3A_839 = arith.andi %eq3A_837, %lt3A_838 : vector<16xi1>
    %or3A_840 = arith.ori %lt3A_836, %and3A_839 : vector<16xi1>
    %select_n3A_841 = arith.select %or3A_840, %scan3A_806#2, %scan3A_806#0 : vector<16xi1>, vector<16xf32>
    %select_n3A_842 = arith.select %or3A_840, %add3A_828, %add3A_814 : vector<16xi1>, vector<16xi32>
    %lt3A_843 = arith.cmpf olt, %scan3A_806#3, %scan3A_806#1 : vector<16xf32>
    %eq3A_844 = arith.cmpf oeq, %scan3A_806#3, %scan3A_806#1 : vector<16xf32>
    %lt3A_845 = arith.cmpi slt, %add3A_835, %add3A_821 : vector<16xi32>
    %and3A_846 = arith.andi %eq3A_844, %lt3A_845 : vector<16xi1>
    %or3A_847 = arith.ori %lt3A_843, %and3A_846 : vector<16xi1>
    %select_n3A_848 = arith.select %or3A_847, %scan3A_806#3, %scan3A_806#1 : vector<16xi1>, vector<16xf32>
    %select_n3A_849 = arith.select %or3A_847, %add3A_835, %add3A_821 : vector<16xi1>, vector<16xi32>
    %lt3A_850 = arith.cmpf olt, %select_n3A_848, %select_n3A_841 : vector<16xf32>
    %eq3A_851 = arith.cmpf oeq, %select_n3A_848, %select_n3A_841 : vector<16xf32>
    %lt3A_852 = arith.cmpi slt, %select_n3A_849, %select_n3A_842 : vector<16xi32>
    %and3A_853 = arith.andi %eq3A_851, %lt3A_852 : vector<16xi1>
    %or3A_854 = arith.ori %lt3A_850, %and3A_853 : vector<16xi1>
    %select_n3A_855 = arith.select %or3A_854, %select_n3A_848, %select_n3A_841 : vector<16xi1>, vector<16xf32>
    %select_n3A_856 = arith.select %or3A_854, %select_n3A_849, %select_n3A_842 : vector<16xi1>, vector<16xi32>
    %add3A_857 = arith.constant 8 : i32
    %add3A_858 = vector.broadcast %add3A_857 : i32 to vector<16xi32>
    %add3A_859 = arith.addi %iota3A, %add3A_858 : vector<16xi32>
    %and3A_860 = arith.constant 15 : i32
    %and3A_861 = vector.broadcast %and3A_860 : i32 to vector<16xi32>
    %and3A_862 = arith.andi %add3A_859, %and3A_861 : vector<16xi32>
    %broadcast_in_dim3A_863 = vector.shape_cast %and3A_862 : vector<16xi32> to vector<16x1xi32>
    %gather3A_864 = vector.shape_cast %broadcast_in_dim3A_863 : vector<16x1xi32> to vector<16xi32>
    %gather3A_865 = tpu.dynamic_gather %select_n3A_855[%gather3A_864] in [0] : vector<16xf32>, vector<16xi32> -> vector<16xf32>
    %broadcast_in_dim3A_866 = vector.shape_cast %and3A_862 : vector<16xi32> to vector<16x1xi32>
    %gather3A_867 = vector.shape_cast %broadcast_in_dim3A_866 : vector<16x1xi32> to vector<16xi32>
    %gather3A_868 = tpu.dynamic_gather %select_n3A_856[%gather3A_867] in [0] : vector<16xi32>, vector<16xi32> -> vector<16xi32>
    %lt3A_869 = arith.cmpf olt, %gather3A_865, %select_n3A_855 : vector<16xf32>
    %eq3A_870 = arith.cmpf oeq, %gather3A_865, %select_n3A_855 : vector<16xf32>
    %lt3A_871 = arith.cmpi slt, %gather3A_868, %select_n3A_856 : vector<16xi32>
    %and3A_872 = arith.andi %eq3A_870, %lt3A_871 : vector<16xi1>
    %or3A_873 = arith.ori %lt3A_869, %and3A_872 : vector<16xi1>
    %select_n3A_874 = arith.select %or3A_873, %gather3A_865, %select_n3A_855 : vector<16xi1>, vector<16xf32>
    %select_n3A_875 = arith.select %or3A_873, %gather3A_868, %select_n3A_856 : vector<16xi1>, vector<16xi32>
    %add3A_876 = arith.constant 4 : i32
    %add3A_877 = vector.broadcast %add3A_876 : i32 to vector<16xi32>
    %add3A_878 = arith.addi %iota3A, %add3A_877 : vector<16xi32>
    %and3A_879 = arith.constant 15 : i32
    %and3A_880 = vector.broadcast %and3A_879 : i32 to vector<16xi32>
    %and3A_881 = arith.andi %add3A_878, %and3A_880 : vector<16xi32>
    %broadcast_in_dim3A_882 = vector.shape_cast %and3A_881 : vector<16xi32> to vector<16x1xi32>
    %gather3A_883 = vector.shape_cast %broadcast_in_dim3A_882 : vector<16x1xi32> to vector<16xi32>
    %gather3A_884 = tpu.dynamic_gather %select_n3A_874[%gather3A_883] in [0] : vector<16xf32>, vector<16xi32> -> vector<16xf32>
    %broadcast_in_dim3A_885 = vector.shape_cast %and3A_881 : vector<16xi32> to vector<16x1xi32>
    %gather3A_886 = vector.shape_cast %broadcast_in_dim3A_885 : vector<16x1xi32> to vector<16xi32>
    %gather3A_887 = tpu.dynamic_gather %select_n3A_875[%gather3A_886] in [0] : vector<16xi32>, vector<16xi32> -> vector<16xi32>
    %lt3A_888 = arith.cmpf olt, %gather3A_884, %select_n3A_874 : vector<16xf32>
    %eq3A_889 = arith.cmpf oeq, %gather3A_884, %select_n3A_874 : vector<16xf32>
    %lt3A_890 = arith.cmpi slt, %gather3A_887, %select_n3A_875 : vector<16xi32>
    %and3A_891 = arith.andi %eq3A_889, %lt3A_890 : vector<16xi1>
    %or3A_892 = arith.ori %lt3A_888, %and3A_891 : vector<16xi1>
    %select_n3A_893 = arith.select %or3A_892, %gather3A_884, %select_n3A_874 : vector<16xi1>, vector<16xf32>
    %select_n3A_894 = arith.select %or3A_892, %gather3A_887, %select_n3A_875 : vector<16xi1>, vector<16xi32>
    %add3A_895 = arith.constant 2 : i32
    %add3A_896 = vector.broadcast %add3A_895 : i32 to vector<16xi32>
    %add3A_897 = arith.addi %iota3A, %add3A_896 : vector<16xi32>
    %and3A_898 = arith.constant 15 : i32
    %and3A_899 = vector.broadcast %and3A_898 : i32 to vector<16xi32>
    %and3A_900 = arith.andi %add3A_897, %and3A_899 : vector<16xi32>
    %broadcast_in_dim3A_901 = vector.shape_cast %and3A_900 : vector<16xi32> to vector<16x1xi32>
    %gather3A_902 = vector.shape_cast %broadcast_in_dim3A_901 : vector<16x1xi32> to vector<16xi32>
    %gather3A_903 = tpu.dynamic_gather %select_n3A_893[%gather3A_902] in [0] : vector<16xf32>, vector<16xi32> -> vector<16xf32>
    %broadcast_in_dim3A_904 = vector.shape_cast %and3A_900 : vector<16xi32> to vector<16x1xi32>
    %gather3A_905 = vector.shape_cast %broadcast_in_dim3A_904 : vector<16x1xi32> to vector<16xi32>
    %gather3A_906 = tpu.dynamic_gather %select_n3A_894[%gather3A_905] in [0] : vector<16xi32>, vector<16xi32> -> vector<16xi32>
    %lt3A_907 = arith.cmpf olt, %gather3A_903, %select_n3A_893 : vector<16xf32>
    %eq3A_908 = arith.cmpf oeq, %gather3A_903, %select_n3A_893 : vector<16xf32>
    %lt3A_909 = arith.cmpi slt, %gather3A_906, %select_n3A_894 : vector<16xi32>
    %and3A_910 = arith.andi %eq3A_908, %lt3A_909 : vector<16xi1>
    %or3A_911 = arith.ori %lt3A_907, %and3A_910 : vector<16xi1>
    %select_n3A_912 = arith.select %or3A_911, %gather3A_903, %select_n3A_893 : vector<16xi1>, vector<16xf32>
    %select_n3A_913 = arith.select %or3A_911, %gather3A_906, %select_n3A_894 : vector<16xi1>, vector<16xi32>
    %add3A_914 = arith.constant 1 : i32
    %add3A_915 = vector.broadcast %add3A_914 : i32 to vector<16xi32>
    %add3A_916 = arith.addi %iota3A, %add3A_915 : vector<16xi32>
    %and3A_917 = arith.constant 15 : i32
    %and3A_918 = vector.broadcast %and3A_917 : i32 to vector<16xi32>
    %and3A_919 = arith.andi %add3A_916, %and3A_918 : vector<16xi32>
    %broadcast_in_dim3A_920 = vector.shape_cast %and3A_919 : vector<16xi32> to vector<16x1xi32>
    %gather3A_921 = vector.shape_cast %broadcast_in_dim3A_920 : vector<16x1xi32> to vector<16xi32>
    %gather3A_922 = tpu.dynamic_gather %select_n3A_912[%gather3A_921] in [0] : vector<16xf32>, vector<16xi32> -> vector<16xf32>
    %broadcast_in_dim3A_923 = vector.shape_cast %and3A_919 : vector<16xi32> to vector<16x1xi32>
    %gather3A_924 = vector.shape_cast %broadcast_in_dim3A_923 : vector<16x1xi32> to vector<16xi32>
    %gather3A_925 = tpu.dynamic_gather %select_n3A_913[%gather3A_924] in [0] : vector<16xi32>, vector<16xi32> -> vector<16xi32>
    %lt3A_926 = arith.cmpf olt, %gather3A_922, %select_n3A_912 : vector<16xf32>
    %eq3A_927 = arith.cmpf oeq, %gather3A_922, %select_n3A_912 : vector<16xf32>
    %lt3A_928 = arith.cmpi slt, %gather3A_925, %select_n3A_913 : vector<16xi32>
    %and3A_929 = arith.andi %eq3A_927, %lt3A_928 : vector<16xi1>
    %or3A_930 = arith.ori %lt3A_926, %and3A_929 : vector<16xi1>
    %select_n3A_931 = arith.select %or3A_930, %gather3A_922, %select_n3A_912 : vector<16xi1>, vector<16xf32>
    %select_n3A_932 = arith.select %or3A_930, %gather3A_925, %select_n3A_913 : vector<16xi1>, vector<16xi32>
    %eq3A_933 = arith.constant 2 : i32
    %eq3A_934 = vector.broadcast %eq3A_933 : i32 to vector<16xi32>
    %eq3A_935 = arith.cmpi eq, %iota3A, %eq3A_934 : vector<16xi32>
    %select_n3A_936 = arith.select %eq3A_935, %select_n3A_932, %select_n3A_730 : vector<16xi1>, vector<16xi32>
    %add3A_937 = arith.constant 3 : i32
    %add3A_938 = arith.addi %mul3A_2, %add3A_937 : i32
    %jit3A_939 = arith.constant 8 : i32
    %div3A_940 = arith.divsi %add3A_938, %jit3A_939 : i32
    %sign3A_941 = arith.constant 0 : i32
    %sign3A_942 = arith.cmpi sgt, %add3A_938, %sign3A_941 : i32
    %sign3A_943 = arith.extui %sign3A_942 : i1 to i32
    %sign3A_944 = arith.constant 0 : i32
    %sign3A_945 = arith.cmpi slt, %add3A_938, %sign3A_944 : i32
    %sign3A_946 = arith.extui %sign3A_945 : i1 to i32
    %sign3A_947 = arith.subi %sign3A_943, %sign3A_946 : i32
    %sign3A_948 = arith.constant 0 : i32
    %sign3A_949 = arith.cmpi sgt, %jit3A_939, %sign3A_948 : i32
    %sign3A_950 = arith.extui %sign3A_949 : i1 to i32
    %sign3A_951 = arith.constant 0 : i32
    %sign3A_952 = arith.cmpi slt, %jit3A_939, %sign3A_951 : i32
    %sign3A_953 = arith.extui %sign3A_952 : i1 to i32
    %sign3A_954 = arith.subi %sign3A_950, %sign3A_953 : i32
    %ne3A_955 = arith.cmpi ne, %sign3A_947, %sign3A_954 : i32
    %rem3A_956 = arith.remsi %add3A_938, %jit3A_939 : i32
    %ne3A_957 = arith.constant 0 : i32
    %ne3A_958 = arith.cmpi ne, %rem3A_956, %ne3A_957 : i32
    %and3A_959 = arith.andi %ne3A_955, %ne3A_958 : i1
    %sub3A_960 = arith.constant 1 : i32
    %sub3A_961 = arith.subi %div3A_940, %sub3A_960 : i32
    %select_n3A_962 = arith.select %and3A_959, %sub3A_961, %div3A_940 : i32
    %jit3A_963 = arith.constant 8 : i32
    %eq3A_964 = arith.constant 0 : i32
    %eq3A_965 = arith.cmpi eq, %jit3A_963, %eq3A_964 : i32
    %jit3A_966 = arith.constant 1 : i32
    %select_n3A_967 = arith.select %eq3A_965, %jit3A_966, %jit3A_963 : i32
    %rem3A_968 = arith.remsi %add3A_938, %select_n3A_967 : i32
    %ne3A_969 = arith.constant 0 : i32
    %ne3A_970 = arith.cmpi ne, %rem3A_968, %ne3A_969 : i32
    %lt3A_971 = arith.constant 0 : i32
    %lt3A_972 = arith.cmpi slt, %rem3A_968, %lt3A_971 : i32
    %lt3A_973 = arith.constant 0 : i32
    %lt3A_974 = arith.cmpi slt, %select_n3A_967, %lt3A_973 : i32
    %ne3A_975 = arith.xori %lt3A_972, %lt3A_974 : i1
    %and3A_976 = arith.andi %ne3A_975, %ne3A_970 : i1
    %add3A_977 = arith.addi %rem3A_968, %select_n3A_967 : i32
    %select_n3A_978 = arith.select %and3A_976, %add3A_977, %rem3A_968 : i32
    %dma_wait3A_979 = arith.constant 3 : i32
    %dma_wait3A_980 = arith.constant 0 : i32
    %dma_wait3A_981 = tpu.memref_slice %arg4[%dma_wait3A_979, %dma_wait3A_980] : memref<6x8192xf32, #tpu.memory_space<vmem>> -> memref<1x8192xf32, #tpu.memory_space<vmem>>
    %dma_wait3A_982 = tpu.memref_squeeze %dma_wait3A_981 : memref<1x8192xf32, #tpu.memory_space<vmem>> -> memref<8192xf32, #tpu.memory_space<vmem>>
    %dma_wait3A_983 = arith.constant 0 : i32
    %dma_wait3A_984 = tpu.memref_slice %arg2[%select_n3A_962, %select_n3A_978, %dma_wait3A_983] : memref<32x8x8192xf32, #tpu.memory_space<hbm>> -> memref<1x1x8192xf32, #tpu.memory_space<hbm>>
    %dma_wait3A_985 = tpu.memref_squeeze %dma_wait3A_984 : memref<1x1x8192xf32, #tpu.memory_space<hbm>> -> memref<8192xf32, #tpu.memory_space<hbm>>
    %dma_wait3A_986 = arith.constant 0 : i32
    %dma_wait3A_987 = tpu.memref_slice %arg4[%dma_wait3A_979, %dma_wait3A_986] : memref<6x8192xf32, #tpu.memory_space<vmem>> -> memref<1x8192xf32, #tpu.memory_space<vmem>>
    %dma_wait3A_988 = tpu.memref_squeeze %dma_wait3A_987 : memref<1x8192xf32, #tpu.memory_space<vmem>> -> memref<8192xf32, #tpu.memory_space<vmem>>
    %dma_wait3A_989 = arith.constant 0 : i32
    %dma_wait3A_990 = tpu.memref_slice %arg2[%select_n3A_962, %select_n3A_978, %dma_wait3A_989] : memref<32x8x8192xf32, #tpu.memory_space<hbm>> -> memref<1x1x8192xf32, #tpu.memory_space<hbm>>
    %dma_wait3A_991 = tpu.memref_squeeze %dma_wait3A_990 : memref<1x1x8192xf32, #tpu.memory_space<hbm>> -> memref<8192xf32, #tpu.memory_space<hbm>>
    tpu.wait_dma2 semaphore(%arg7 : memref<!tpu.dma_semaphore, #tpu.memory_space<semaphore_mem>>) src(%dma_wait3A_991 : memref<8192xf32, #tpu.memory_space<hbm>>) dst(%dma_wait3A_988 : memref<8192xf32, #tpu.memory_space<vmem>>)
    %broadcast_in_dim3A_992 = arith.constant 0x7F800000 : f32
    %broadcast_in_dim3A_993 = vector.broadcast %broadcast_in_dim3A_992 : f32 to vector<16xf32>
    %broadcast_in_dim3A_994 = arith.constant 0x7F800000 : f32
    %broadcast_in_dim3A_995 = vector.broadcast %broadcast_in_dim3A_994 : f32 to vector<16xf32>
    %broadcast_in_dim3A_996 = arith.constant 0x7F800000 : f32
    %broadcast_in_dim3A_997 = vector.broadcast %broadcast_in_dim3A_996 : f32 to vector<16xf32>
    %broadcast_in_dim3A_998 = arith.constant 0x7F800000 : f32
    %broadcast_in_dim3A_999 = vector.broadcast %broadcast_in_dim3A_998 : f32 to vector<16xf32>
    %broadcast_in_dim3A_1000 = arith.constant 0 : i32
    %broadcast_in_dim3A_1001 = vector.broadcast %broadcast_in_dim3A_1000 : i32 to vector<16xi32>
    %broadcast_in_dim3A_1002 = arith.constant 0 : i32
    %broadcast_in_dim3A_1003 = vector.broadcast %broadcast_in_dim3A_1002 : i32 to vector<16xi32>
    %broadcast_in_dim3A_1004 = arith.constant 0 : i32
    %broadcast_in_dim3A_1005 = vector.broadcast %broadcast_in_dim3A_1004 : i32 to vector<16xi32>
    %broadcast_in_dim3A_1006 = arith.constant 0 : i32
    %broadcast_in_dim3A_1007 = vector.broadcast %broadcast_in_dim3A_1006 : i32 to vector<16xi32>
    %scan3A_1008 = arith.constant 0 : i32
    %scan3A_1009 = arith.constant 128 : i32
    %scan3A_1010 = arith.addi %scan3A_1008, %scan3A_1009 : i32
    %scan3A_1011 = arith.constant 4 : i32
    %scan3A_1012:8 = scf.for %scan3A_1561 = %scan3A_1008 to %scan3A_1010 step %scan3A_1011 iter_args(%scan3A_1562 = %broadcast_in_dim3A_993, %scan3A_1563 = %broadcast_in_dim3A_995, %scan3A_1564 = %broadcast_in_dim3A_997, %scan3A_1565 = %broadcast_in_dim3A_999, %scan3A_1566 = %broadcast_in_dim3A_1001, %scan3A_1567 = %broadcast_in_dim3A_1003, %scan3A_1568 = %broadcast_in_dim3A_1005, %scan3A_1569 = %broadcast_in_dim3A_1007) -> (vector<16xf32>, vector<16xf32>, vector<16xf32>, vector<16xf32>, vector<16xi32>, vector<16xi32>, vector<16xi32>, vector<16xi32>)  : i32 {
      %broadcast_in_dim3A_1570 = vector.broadcast %scan3A_1561 : i32 to vector<16xi32>
      %mul3A_1571 = arith.constant 64 : i32
      %mul3A_1572 = arith.muli %scan3A_1561, %mul3A_1571 : i32
      %add3A_1573 = arith.constant 0 : i32
      %add3A_1574 = arith.addi %mul3A_1572, %add3A_1573 : i32
      %get3A = arith.constant 3 : i32
      %get3A_1575 = arith.index_cast %get3A : i32 to index
      %get3A_1576 = arith.index_cast %add3A_1574 : i32 to index
      %get3A_1577 = tpu.vector_load %arg4[%get3A_1575, %get3A_1576] {strides = array<i32>} : memref<6x8192xf32, #tpu.memory_space<vmem>>, vector<1x16xf32>,
      %get3A_1578 = vector.shape_cast %get3A_1577 : vector<1x16xf32> to vector<16xf32>
      %lt3A_1579 = arith.cmpf olt, %get3A_1578, %scan3A_1562 : vector<16xf32>
      %min3A = arith.minimumf %get3A_1578, %scan3A_1562 : vector<16xf32>
      %select_n3A_1580 = arith.select %lt3A_1579, %broadcast_in_dim3A_1570, %scan3A_1566 : vector<16xi1>, vector<16xi32>
      %mul3A_1581 = arith.constant 64 : i32
      %mul3A_1582 = arith.muli %scan3A_1561, %mul3A_1581 : i32
      %add3A_1583 = arith.constant 16 : i32
      %add3A_1584 = arith.addi %mul3A_1582, %add3A_1583 : i32
      %get3A_1585 = arith.constant 3 : i32
      %get3A_1586 = arith.index_cast %get3A_1585 : i32 to index
      %get3A_1587 = arith.index_cast %add3A_1584 : i32 to index
      %get3A_1588 = tpu.vector_load %arg4[%get3A_1586, %get3A_1587] {strides = array<i32>} : memref<6x8192xf32, #tpu.memory_space<vmem>>, vector<1x16xf32>,
      %get3A_1589 = vector.shape_cast %get3A_1588 : vector<1x16xf32> to vector<16xf32>
      %lt3A_1590 = arith.cmpf olt, %get3A_1589, %scan3A_1563 : vector<16xf32>
      %min3A_1591 = arith.minimumf %get3A_1589, %scan3A_1563 : vector<16xf32>
      %select_n3A_1592 = arith.select %lt3A_1590, %broadcast_in_dim3A_1570, %scan3A_1567 : vector<16xi1>, vector<16xi32>
      %mul3A_1593 = arith.constant 64 : i32
      %mul3A_1594 = arith.muli %scan3A_1561, %mul3A_1593 : i32
      %add3A_1595 = arith.constant 32 : i32
      %add3A_1596 = arith.addi %mul3A_1594, %add3A_1595 : i32
      %get3A_1597 = arith.constant 3 : i32
      %get3A_1598 = arith.index_cast %get3A_1597 : i32 to index
      %get3A_1599 = arith.index_cast %add3A_1596 : i32 to index
      %get3A_1600 = tpu.vector_load %arg4[%get3A_1598, %get3A_1599] {strides = array<i32>} : memref<6x8192xf32, #tpu.memory_space<vmem>>, vector<1x16xf32>,
      %get3A_1601 = vector.shape_cast %get3A_1600 : vector<1x16xf32> to vector<16xf32>
      %lt3A_1602 = arith.cmpf olt, %get3A_1601, %scan3A_1564 : vector<16xf32>
      %min3A_1603 = arith.minimumf %get3A_1601, %scan3A_1564 : vector<16xf32>
      %select_n3A_1604 = arith.select %lt3A_1602, %broadcast_in_dim3A_1570, %scan3A_1568 : vector<16xi1>, vector<16xi32>
      %mul3A_1605 = arith.constant 64 : i32
      %mul3A_1606 = arith.muli %scan3A_1561, %mul3A_1605 : i32
      %add3A_1607 = arith.constant 48 : i32
      %add3A_1608 = arith.addi %mul3A_1606, %add3A_1607 : i32
      %get3A_1609 = arith.constant 3 : i32
      %get3A_1610 = arith.index_cast %get3A_1609 : i32 to index
      %get3A_1611 = arith.index_cast %add3A_1608 : i32 to index
      %get3A_1612 = tpu.vector_load %arg4[%get3A_1610, %get3A_1611] {strides = array<i32>} : memref<6x8192xf32, #tpu.memory_space<vmem>>, vector<1x16xf32>,
      %get3A_1613 = vector.shape_cast %get3A_1612 : vector<1x16xf32> to vector<16xf32>
      %lt3A_1614 = arith.cmpf olt, %get3A_1613, %scan3A_1565 : vector<16xf32>
      %min3A_1615 = arith.minimumf %get3A_1613, %scan3A_1565 : vector<16xf32>
      %select_n3A_1616 = arith.select %lt3A_1614, %broadcast_in_dim3A_1570, %scan3A_1569 : vector<16xi1>, vector<16xi32>
      %scan3A_1617 = arith.constant 1 : i32
      %scan3A_1618 = arith.addi %scan3A_1561, %scan3A_1617 : i32
      %broadcast_in_dim3A_1619 = vector.broadcast %scan3A_1618 : i32 to vector<16xi32>
      %mul3A_1620 = arith.constant 64 : i32
      %mul3A_1621 = arith.muli %scan3A_1618, %mul3A_1620 : i32
      %add3A_1622 = arith.constant 0 : i32
      %add3A_1623 = arith.addi %mul3A_1621, %add3A_1622 : i32
      %get3A_1624 = arith.constant 3 : i32
      %get3A_1625 = arith.index_cast %get3A_1624 : i32 to index
      %get3A_1626 = arith.index_cast %add3A_1623 : i32 to index
      %get3A_1627 = tpu.vector_load %arg4[%get3A_1625, %get3A_1626] {strides = array<i32>} : memref<6x8192xf32, #tpu.memory_space<vmem>>, vector<1x16xf32>,
      %get3A_1628 = vector.shape_cast %get3A_1627 : vector<1x16xf32> to vector<16xf32>
      %lt3A_1629 = arith.cmpf olt, %get3A_1628, %min3A : vector<16xf32>
      %min3A_1630 = arith.minimumf %get3A_1628, %min3A : vector<16xf32>
      %select_n3A_1631 = arith.select %lt3A_1629, %broadcast_in_dim3A_1619, %select_n3A_1580 : vector<16xi1>, vector<16xi32>
      %mul3A_1632 = arith.constant 64 : i32
      %mul3A_1633 = arith.muli %scan3A_1618, %mul3A_1632 : i32
      %add3A_1634 = arith.constant 16 : i32
      %add3A_1635 = arith.addi %mul3A_1633, %add3A_1634 : i32
      %get3A_1636 = arith.constant 3 : i32
      %get3A_1637 = arith.index_cast %get3A_1636 : i32 to index
      %get3A_1638 = arith.index_cast %add3A_1635 : i32 to index
      %get3A_1639 = tpu.vector_load %arg4[%get3A_1637, %get3A_1638] {strides = array<i32>} : memref<6x8192xf32, #tpu.memory_space<vmem>>, vector<1x16xf32>,
      %get3A_1640 = vector.shape_cast %get3A_1639 : vector<1x16xf32> to vector<16xf32>
      %lt3A_1641 = arith.cmpf olt, %get3A_1640, %min3A_1591 : vector<16xf32>
      %min3A_1642 = arith.minimumf %get3A_1640, %min3A_1591 : vector<16xf32>
      %select_n3A_1643 = arith.select %lt3A_1641, %broadcast_in_dim3A_1619, %select_n3A_1592 : vector<16xi1>, vector<16xi32>
      %mul3A_1644 = arith.constant 64 : i32
      %mul3A_1645 = arith.muli %scan3A_1618, %mul3A_1644 : i32
      %add3A_1646 = arith.constant 32 : i32
      %add3A_1647 = arith.addi %mul3A_1645, %add3A_1646 : i32
      %get3A_1648 = arith.constant 3 : i32
      %get3A_1649 = arith.index_cast %get3A_1648 : i32 to index
      %get3A_1650 = arith.index_cast %add3A_1647 : i32 to index
      %get3A_1651 = tpu.vector_load %arg4[%get3A_1649, %get3A_1650] {strides = array<i32>} : memref<6x8192xf32, #tpu.memory_space<vmem>>, vector<1x16xf32>,
      %get3A_1652 = vector.shape_cast %get3A_1651 : vector<1x16xf32> to vector<16xf32>
      %lt3A_1653 = arith.cmpf olt, %get3A_1652, %min3A_1603 : vector<16xf32>
      %min3A_1654 = arith.minimumf %get3A_1652, %min3A_1603 : vector<16xf32>
      %select_n3A_1655 = arith.select %lt3A_1653, %broadcast_in_dim3A_1619, %select_n3A_1604 : vector<16xi1>, vector<16xi32>
      %mul3A_1656 = arith.constant 64 : i32
      %mul3A_1657 = arith.muli %scan3A_1618, %mul3A_1656 : i32
      %add3A_1658 = arith.constant 48 : i32
      %add3A_1659 = arith.addi %mul3A_1657, %add3A_1658 : i32
      %get3A_1660 = arith.constant 3 : i32
      %get3A_1661 = arith.index_cast %get3A_1660 : i32 to index
      %get3A_1662 = arith.index_cast %add3A_1659 : i32 to index
      %get3A_1663 = tpu.vector_load %arg4[%get3A_1661, %get3A_1662] {strides = array<i32>} : memref<6x8192xf32, #tpu.memory_space<vmem>>, vector<1x16xf32>,
      %get3A_1664 = vector.shape_cast %get3A_1663 : vector<1x16xf32> to vector<16xf32>
      %lt3A_1665 = arith.cmpf olt, %get3A_1664, %min3A_1615 : vector<16xf32>
      %min3A_1666 = arith.minimumf %get3A_1664, %min3A_1615 : vector<16xf32>
      %select_n3A_1667 = arith.select %lt3A_1665, %broadcast_in_dim3A_1619, %select_n3A_1616 : vector<16xi1>, vector<16xi32>
      %scan3A_1668 = arith.constant 2 : i32
      %scan3A_1669 = arith.addi %scan3A_1561, %scan3A_1668 : i32
      %broadcast_in_dim3A_1670 = vector.broadcast %scan3A_1669 : i32 to vector<16xi32>
      %mul3A_1671 = arith.constant 64 : i32
      %mul3A_1672 = arith.muli %scan3A_1669, %mul3A_1671 : i32
      %add3A_1673 = arith.constant 0 : i32
      %add3A_1674 = arith.addi %mul3A_1672, %add3A_1673 : i32
      %get3A_1675 = arith.constant 3 : i32
      %get3A_1676 = arith.index_cast %get3A_1675 : i32 to index
      %get3A_1677 = arith.index_cast %add3A_1674 : i32 to index
      %get3A_1678 = tpu.vector_load %arg4[%get3A_1676, %get3A_1677] {strides = array<i32>} : memref<6x8192xf32, #tpu.memory_space<vmem>>, vector<1x16xf32>,
      %get3A_1679 = vector.shape_cast %get3A_1678 : vector<1x16xf32> to vector<16xf32>
      %lt3A_1680 = arith.cmpf olt, %get3A_1679, %min3A_1630 : vector<16xf32>
      %min3A_1681 = arith.minimumf %get3A_1679, %min3A_1630 : vector<16xf32>
      %select_n3A_1682 = arith.select %lt3A_1680, %broadcast_in_dim3A_1670, %select_n3A_1631 : vector<16xi1>, vector<16xi32>
      %mul3A_1683 = arith.constant 64 : i32
      %mul3A_1684 = arith.muli %scan3A_1669, %mul3A_1683 : i32
      %add3A_1685 = arith.constant 16 : i32
      %add3A_1686 = arith.addi %mul3A_1684, %add3A_1685 : i32
      %get3A_1687 = arith.constant 3 : i32
      %get3A_1688 = arith.index_cast %get3A_1687 : i32 to index
      %get3A_1689 = arith.index_cast %add3A_1686 : i32 to index
      %get3A_1690 = tpu.vector_load %arg4[%get3A_1688, %get3A_1689] {strides = array<i32>} : memref<6x8192xf32, #tpu.memory_space<vmem>>, vector<1x16xf32>,
      %get3A_1691 = vector.shape_cast %get3A_1690 : vector<1x16xf32> to vector<16xf32>
      %lt3A_1692 = arith.cmpf olt, %get3A_1691, %min3A_1642 : vector<16xf32>
      %min3A_1693 = arith.minimumf %get3A_1691, %min3A_1642 : vector<16xf32>
      %select_n3A_1694 = arith.select %lt3A_1692, %broadcast_in_dim3A_1670, %select_n3A_1643 : vector<16xi1>, vector<16xi32>
      %mul3A_1695 = arith.constant 64 : i32
      %mul3A_1696 = arith.muli %scan3A_1669, %mul3A_1695 : i32
      %add3A_1697 = arith.constant 32 : i32
      %add3A_1698 = arith.addi %mul3A_1696, %add3A_1697 : i32
      %get3A_1699 = arith.constant 3 : i32
      %get3A_1700 = arith.index_cast %get3A_1699 : i32 to index
      %get3A_1701 = arith.index_cast %add3A_1698 : i32 to index
      %get3A_1702 = tpu.vector_load %arg4[%get3A_1700, %get3A_1701] {strides = array<i32>} : memref<6x8192xf32, #tpu.memory_space<vmem>>, vector<1x16xf32>,
      %get3A_1703 = vector.shape_cast %get3A_1702 : vector<1x16xf32> to vector<16xf32>
      %lt3A_1704 = arith.cmpf olt, %get3A_1703, %min3A_1654 : vector<16xf32>
      %min3A_1705 = arith.minimumf %get3A_1703, %min3A_1654 : vector<16xf32>
      %select_n3A_1706 = arith.select %lt3A_1704, %broadcast_in_dim3A_1670, %select_n3A_1655 : vector<16xi1>, vector<16xi32>
      %mul3A_1707 = arith.constant 64 : i32
      %mul3A_1708 = arith.muli %scan3A_1669, %mul3A_1707 : i32
      %add3A_1709 = arith.constant 48 : i32
      %add3A_1710 = arith.addi %mul3A_1708, %add3A_1709 : i32
      %get3A_1711 = arith.constant 3 : i32
      %get3A_1712 = arith.index_cast %get3A_1711 : i32 to index
      %get3A_1713 = arith.index_cast %add3A_1710 : i32 to index
      %get3A_1714 = tpu.vector_load %arg4[%get3A_1712, %get3A_1713] {strides = array<i32>} : memref<6x8192xf32, #tpu.memory_space<vmem>>, vector<1x16xf32>,
      %get3A_1715 = vector.shape_cast %get3A_1714 : vector<1x16xf32> to vector<16xf32>
      %lt3A_1716 = arith.cmpf olt, %get3A_1715, %min3A_1666 : vector<16xf32>
      %min3A_1717 = arith.minimumf %get3A_1715, %min3A_1666 : vector<16xf32>
      %select_n3A_1718 = arith.select %lt3A_1716, %broadcast_in_dim3A_1670, %select_n3A_1667 : vector<16xi1>, vector<16xi32>
      %scan3A_1719 = arith.constant 3 : i32
      %scan3A_1720 = arith.addi %scan3A_1561, %scan3A_1719 : i32
      %broadcast_in_dim3A_1721 = vector.broadcast %scan3A_1720 : i32 to vector<16xi32>
      %mul3A_1722 = arith.constant 64 : i32
      %mul3A_1723 = arith.muli %scan3A_1720, %mul3A_1722 : i32
      %add3A_1724 = arith.constant 0 : i32
      %add3A_1725 = arith.addi %mul3A_1723, %add3A_1724 : i32
      %get3A_1726 = arith.constant 3 : i32
      %get3A_1727 = arith.index_cast %get3A_1726 : i32 to index
      %get3A_1728 = arith.index_cast %add3A_1725 : i32 to index
      %get3A_1729 = tpu.vector_load %arg4[%get3A_1727, %get3A_1728] {strides = array<i32>} : memref<6x8192xf32, #tpu.memory_space<vmem>>, vector<1x16xf32>,
      %get3A_1730 = vector.shape_cast %get3A_1729 : vector<1x16xf32> to vector<16xf32>
      %lt3A_1731 = arith.cmpf olt, %get3A_1730, %min3A_1681 : vector<16xf32>
      %min3A_1732 = arith.minimumf %get3A_1730, %min3A_1681 : vector<16xf32>
      %select_n3A_1733 = arith.select %lt3A_1731, %broadcast_in_dim3A_1721, %select_n3A_1682 : vector<16xi1>, vector<16xi32>
      %mul3A_1734 = arith.constant 64 : i32
      %mul3A_1735 = arith.muli %scan3A_1720, %mul3A_1734 : i32
      %add3A_1736 = arith.constant 16 : i32
      %add3A_1737 = arith.addi %mul3A_1735, %add3A_1736 : i32
      %get3A_1738 = arith.constant 3 : i32
      %get3A_1739 = arith.index_cast %get3A_1738 : i32 to index
      %get3A_1740 = arith.index_cast %add3A_1737 : i32 to index
      %get3A_1741 = tpu.vector_load %arg4[%get3A_1739, %get3A_1740] {strides = array<i32>} : memref<6x8192xf32, #tpu.memory_space<vmem>>, vector<1x16xf32>,
      %get3A_1742 = vector.shape_cast %get3A_1741 : vector<1x16xf32> to vector<16xf32>
      %lt3A_1743 = arith.cmpf olt, %get3A_1742, %min3A_1693 : vector<16xf32>
      %min3A_1744 = arith.minimumf %get3A_1742, %min3A_1693 : vector<16xf32>
      %select_n3A_1745 = arith.select %lt3A_1743, %broadcast_in_dim3A_1721, %select_n3A_1694 : vector<16xi1>, vector<16xi32>
      %mul3A_1746 = arith.constant 64 : i32
      %mul3A_1747 = arith.muli %scan3A_1720, %mul3A_1746 : i32
      %add3A_1748 = arith.constant 32 : i32
      %add3A_1749 = arith.addi %mul3A_1747, %add3A_1748 : i32
      %get3A_1750 = arith.constant 3 : i32
      %get3A_1751 = arith.index_cast %get3A_1750 : i32 to index
      %get3A_1752 = arith.index_cast %add3A_1749 : i32 to index
      %get3A_1753 = tpu.vector_load %arg4[%get3A_1751, %get3A_1752] {strides = array<i32>} : memref<6x8192xf32, #tpu.memory_space<vmem>>, vector<1x16xf32>,
      %get3A_1754 = vector.shape_cast %get3A_1753 : vector<1x16xf32> to vector<16xf32>
      %lt3A_1755 = arith.cmpf olt, %get3A_1754, %min3A_1705 : vector<16xf32>
      %min3A_1756 = arith.minimumf %get3A_1754, %min3A_1705 : vector<16xf32>
      %select_n3A_1757 = arith.select %lt3A_1755, %broadcast_in_dim3A_1721, %select_n3A_1706 : vector<16xi1>, vector<16xi32>
      %mul3A_1758 = arith.constant 64 : i32
      %mul3A_1759 = arith.muli %scan3A_1720, %mul3A_1758 : i32
      %add3A_1760 = arith.constant 48 : i32
      %add3A_1761 = arith.addi %mul3A_1759, %add3A_1760 : i32
      %get3A_1762 = arith.constant 3 : i32
      %get3A_1763 = arith.index_cast %get3A_1762 : i32 to index
      %get3A_1764 = arith.index_cast %add3A_1761 : i32 to index
      %get3A_1765 = tpu.vector_load %arg4[%get3A_1763, %get3A_1764] {strides = array<i32>} : memref<6x8192xf32, #tpu.memory_space<vmem>>, vector<1x16xf32>,
      %get3A_1766 = vector.shape_cast %get3A_1765 : vector<1x16xf32> to vector<16xf32>
      %lt3A_1767 = arith.cmpf olt, %get3A_1766, %min3A_1717 : vector<16xf32>
      %min3A_1768 = arith.minimumf %get3A_1766, %min3A_1717 : vector<16xf32>
      %select_n3A_1769 = arith.select %lt3A_1767, %broadcast_in_dim3A_1721, %select_n3A_1718 : vector<16xi1>, vector<16xi32>
      scf.yield %min3A_1732, %min3A_1744, %min3A_1756, %min3A_1768, %select_n3A_1733, %select_n3A_1745, %select_n3A_1757, %select_n3A_1769 : vector<16xf32>, vector<16xf32>, vector<16xf32>, vector<16xf32>, vector<16xi32>, vector<16xi32>, vector<16xi32>, vector<16xi32>
    }
    %scan3A_1013 = arith.constant 128 : i32
    %mul3A_1014 = arith.constant 64 : i32
    %mul3A_1015 = vector.broadcast %mul3A_1014 : i32 to vector<16xi32>
    %mul3A_1016 = arith.muli %scan3A_1012#4, %mul3A_1015 : vector<16xi32>
    %add3A_1017 = arith.constant 0 : i32
    %add3A_1018 = vector.broadcast %add3A_1017 : i32 to vector<16xi32>
    %add3A_1019 = arith.addi %mul3A_1016, %add3A_1018 : vector<16xi32>
    %add3A_1020 = arith.addi %add3A_1019, %iota3A : vector<16xi32>
    %mul3A_1021 = arith.constant 64 : i32
    %mul3A_1022 = vector.broadcast %mul3A_1021 : i32 to vector<16xi32>
    %mul3A_1023 = arith.muli %scan3A_1012#5, %mul3A_1022 : vector<16xi32>
    %add3A_1024 = arith.constant 16 : i32
    %add3A_1025 = vector.broadcast %add3A_1024 : i32 to vector<16xi32>
    %add3A_1026 = arith.addi %mul3A_1023, %add3A_1025 : vector<16xi32>
    %add3A_1027 = arith.addi %add3A_1026, %iota3A : vector<16xi32>
    %mul3A_1028 = arith.constant 64 : i32
    %mul3A_1029 = vector.broadcast %mul3A_1028 : i32 to vector<16xi32>
    %mul3A_1030 = arith.muli %scan3A_1012#6, %mul3A_1029 : vector<16xi32>
    %add3A_1031 = arith.constant 32 : i32
    %add3A_1032 = vector.broadcast %add3A_1031 : i32 to vector<16xi32>
    %add3A_1033 = arith.addi %mul3A_1030, %add3A_1032 : vector<16xi32>
    %add3A_1034 = arith.addi %add3A_1033, %iota3A : vector<16xi32>
    %mul3A_1035 = arith.constant 64 : i32
    %mul3A_1036 = vector.broadcast %mul3A_1035 : i32 to vector<16xi32>
    %mul3A_1037 = arith.muli %scan3A_1012#7, %mul3A_1036 : vector<16xi32>
    %add3A_1038 = arith.constant 48 : i32
    %add3A_1039 = vector.broadcast %add3A_1038 : i32 to vector<16xi32>
    %add3A_1040 = arith.addi %mul3A_1037, %add3A_1039 : vector<16xi32>
    %add3A_1041 = arith.addi %add3A_1040, %iota3A : vector<16xi32>
    %lt3A_1042 = arith.cmpf olt, %scan3A_1012#2, %scan3A_1012#0 : vector<16xf32>
    %eq3A_1043 = arith.cmpf oeq, %scan3A_1012#2, %scan3A_1012#0 : vector<16xf32>
    %lt3A_1044 = arith.cmpi slt, %add3A_1034, %add3A_1020 : vector<16xi32>
    %and3A_1045 = arith.andi %eq3A_1043, %lt3A_1044 : vector<16xi1>
    %or3A_1046 = arith.ori %lt3A_1042, %and3A_1045 : vector<16xi1>
    %select_n3A_1047 = arith.select %or3A_1046, %scan3A_1012#2, %scan3A_1012#0 : vector<16xi1>, vector<16xf32>
    %select_n3A_1048 = arith.select %or3A_1046, %add3A_1034, %add3A_1020 : vector<16xi1>, vector<16xi32>
    %lt3A_1049 = arith.cmpf olt, %scan3A_1012#3, %scan3A_1012#1 : vector<16xf32>
    %eq3A_1050 = arith.cmpf oeq, %scan3A_1012#3, %scan3A_1012#1 : vector<16xf32>
    %lt3A_1051 = arith.cmpi slt, %add3A_1041, %add3A_1027 : vector<16xi32>
    %and3A_1052 = arith.andi %eq3A_1050, %lt3A_1051 : vector<16xi1>
    %or3A_1053 = arith.ori %lt3A_1049, %and3A_1052 : vector<16xi1>
    %select_n3A_1054 = arith.select %or3A_1053, %scan3A_1012#3, %scan3A_1012#1 : vector<16xi1>, vector<16xf32>
    %select_n3A_1055 = arith.select %or3A_1053, %add3A_1041, %add3A_1027 : vector<16xi1>, vector<16xi32>
    %lt3A_1056 = arith.cmpf olt, %select_n3A_1054, %select_n3A_1047 : vector<16xf32>
    %eq3A_1057 = arith.cmpf oeq, %select_n3A_1054, %select_n3A_1047 : vector<16xf32>
    %lt3A_1058 = arith.cmpi slt, %select_n3A_1055, %select_n3A_1048 : vector<16xi32>
    %and3A_1059 = arith.andi %eq3A_1057, %lt3A_1058 : vector<16xi1>
    %or3A_1060 = arith.ori %lt3A_1056, %and3A_1059 : vector<16xi1>
    %select_n3A_1061 = arith.select %or3A_1060, %select_n3A_1054, %select_n3A_1047 : vector<16xi1>, vector<16xf32>
    %select_n3A_1062 = arith.select %or3A_1060, %select_n3A_1055, %select_n3A_1048 : vector<16xi1>, vector<16xi32>
    %add3A_1063 = arith.constant 8 : i32
    %add3A_1064 = vector.broadcast %add3A_1063 : i32 to vector<16xi32>
    %add3A_1065 = arith.addi %iota3A, %add3A_1064 : vector<16xi32>
    %and3A_1066 = arith.constant 15 : i32
    %and3A_1067 = vector.broadcast %and3A_1066 : i32 to vector<16xi32>
    %and3A_1068 = arith.andi %add3A_1065, %and3A_1067 : vector<16xi32>
    %broadcast_in_dim3A_1069 = vector.shape_cast %and3A_1068 : vector<16xi32> to vector<16x1xi32>
    %gather3A_1070 = vector.shape_cast %broadcast_in_dim3A_1069 : vector<16x1xi32> to vector<16xi32>
    %gather3A_1071 = tpu.dynamic_gather %select_n3A_1061[%gather3A_1070] in [0] : vector<16xf32>, vector<16xi32> -> vector<16xf32>
    %broadcast_in_dim3A_1072 = vector.shape_cast %and3A_1068 : vector<16xi32> to vector<16x1xi32>
    %gather3A_1073 = vector.shape_cast %broadcast_in_dim3A_1072 : vector<16x1xi32> to vector<16xi32>
    %gather3A_1074 = tpu.dynamic_gather %select_n3A_1062[%gather3A_1073] in [0] : vector<16xi32>, vector<16xi32> -> vector<16xi32>
    %lt3A_1075 = arith.cmpf olt, %gather3A_1071, %select_n3A_1061 : vector<16xf32>
    %eq3A_1076 = arith.cmpf oeq, %gather3A_1071, %select_n3A_1061 : vector<16xf32>
    %lt3A_1077 = arith.cmpi slt, %gather3A_1074, %select_n3A_1062 : vector<16xi32>
    %and3A_1078 = arith.andi %eq3A_1076, %lt3A_1077 : vector<16xi1>
    %or3A_1079 = arith.ori %lt3A_1075, %and3A_1078 : vector<16xi1>
    %select_n3A_1080 = arith.select %or3A_1079, %gather3A_1071, %select_n3A_1061 : vector<16xi1>, vector<16xf32>
    %select_n3A_1081 = arith.select %or3A_1079, %gather3A_1074, %select_n3A_1062 : vector<16xi1>, vector<16xi32>
    %add3A_1082 = arith.constant 4 : i32
    %add3A_1083 = vector.broadcast %add3A_1082 : i32 to vector<16xi32>
    %add3A_1084 = arith.addi %iota3A, %add3A_1083 : vector<16xi32>
    %and3A_1085 = arith.constant 15 : i32
    %and3A_1086 = vector.broadcast %and3A_1085 : i32 to vector<16xi32>
    %and3A_1087 = arith.andi %add3A_1084, %and3A_1086 : vector<16xi32>
    %broadcast_in_dim3A_1088 = vector.shape_cast %and3A_1087 : vector<16xi32> to vector<16x1xi32>
    %gather3A_1089 = vector.shape_cast %broadcast_in_dim3A_1088 : vector<16x1xi32> to vector<16xi32>
    %gather3A_1090 = tpu.dynamic_gather %select_n3A_1080[%gather3A_1089] in [0] : vector<16xf32>, vector<16xi32> -> vector<16xf32>
    %broadcast_in_dim3A_1091 = vector.shape_cast %and3A_1087 : vector<16xi32> to vector<16x1xi32>
    %gather3A_1092 = vector.shape_cast %broadcast_in_dim3A_1091 : vector<16x1xi32> to vector<16xi32>
    %gather3A_1093 = tpu.dynamic_gather %select_n3A_1081[%gather3A_1092] in [0] : vector<16xi32>, vector<16xi32> -> vector<16xi32>
    %lt3A_1094 = arith.cmpf olt, %gather3A_1090, %select_n3A_1080 : vector<16xf32>
    %eq3A_1095 = arith.cmpf oeq, %gather3A_1090, %select_n3A_1080 : vector<16xf32>
    %lt3A_1096 = arith.cmpi slt, %gather3A_1093, %select_n3A_1081 : vector<16xi32>
    %and3A_1097 = arith.andi %eq3A_1095, %lt3A_1096 : vector<16xi1>
    %or3A_1098 = arith.ori %lt3A_1094, %and3A_1097 : vector<16xi1>
    %select_n3A_1099 = arith.select %or3A_1098, %gather3A_1090, %select_n3A_1080 : vector<16xi1>, vector<16xf32>
    %select_n3A_1100 = arith.select %or3A_1098, %gather3A_1093, %select_n3A_1081 : vector<16xi1>, vector<16xi32>
    %add3A_1101 = arith.constant 2 : i32
    %add3A_1102 = vector.broadcast %add3A_1101 : i32 to vector<16xi32>
    %add3A_1103 = arith.addi %iota3A, %add3A_1102 : vector<16xi32>
    %and3A_1104 = arith.constant 15 : i32
    %and3A_1105 = vector.broadcast %and3A_1104 : i32 to vector<16xi32>
    %and3A_1106 = arith.andi %add3A_1103, %and3A_1105 : vector<16xi32>
    %broadcast_in_dim3A_1107 = vector.shape_cast %and3A_1106 : vector<16xi32> to vector<16x1xi32>
    %gather3A_1108 = vector.shape_cast %broadcast_in_dim3A_1107 : vector<16x1xi32> to vector<16xi32>
    %gather3A_1109 = tpu.dynamic_gather %select_n3A_1099[%gather3A_1108] in [0] : vector<16xf32>, vector<16xi32> -> vector<16xf32>
    %broadcast_in_dim3A_1110 = vector.shape_cast %and3A_1106 : vector<16xi32> to vector<16x1xi32>
    %gather3A_1111 = vector.shape_cast %broadcast_in_dim3A_1110 : vector<16x1xi32> to vector<16xi32>
    %gather3A_1112 = tpu.dynamic_gather %select_n3A_1100[%gather3A_1111] in [0] : vector<16xi32>, vector<16xi32> -> vector<16xi32>
    %lt3A_1113 = arith.cmpf olt, %gather3A_1109, %select_n3A_1099 : vector<16xf32>
    %eq3A_1114 = arith.cmpf oeq, %gather3A_1109, %select_n3A_1099 : vector<16xf32>
    %lt3A_1115 = arith.cmpi slt, %gather3A_1112, %select_n3A_1100 : vector<16xi32>
    %and3A_1116 = arith.andi %eq3A_1114, %lt3A_1115 : vector<16xi1>
    %or3A_1117 = arith.ori %lt3A_1113, %and3A_1116 : vector<16xi1>
    %select_n3A_1118 = arith.select %or3A_1117, %gather3A_1109, %select_n3A_1099 : vector<16xi1>, vector<16xf32>
    %select_n3A_1119 = arith.select %or3A_1117, %gather3A_1112, %select_n3A_1100 : vector<16xi1>, vector<16xi32>
    %add3A_1120 = arith.constant 1 : i32
    %add3A_1121 = vector.broadcast %add3A_1120 : i32 to vector<16xi32>
    %add3A_1122 = arith.addi %iota3A, %add3A_1121 : vector<16xi32>
    %and3A_1123 = arith.constant 15 : i32
    %and3A_1124 = vector.broadcast %and3A_1123 : i32 to vector<16xi32>
    %and3A_1125 = arith.andi %add3A_1122, %and3A_1124 : vector<16xi32>
    %broadcast_in_dim3A_1126 = vector.shape_cast %and3A_1125 : vector<16xi32> to vector<16x1xi32>
    %gather3A_1127 = vector.shape_cast %broadcast_in_dim3A_1126 : vector<16x1xi32> to vector<16xi32>
    %gather3A_1128 = tpu.dynamic_gather %select_n3A_1118[%gather3A_1127] in [0] : vector<16xf32>, vector<16xi32> -> vector<16xf32>
    %broadcast_in_dim3A_1129 = vector.shape_cast %and3A_1125 : vector<16xi32> to vector<16x1xi32>
    %gather3A_1130 = vector.shape_cast %broadcast_in_dim3A_1129 : vector<16x1xi32> to vector<16xi32>
    %gather3A_1131 = tpu.dynamic_gather %select_n3A_1119[%gather3A_1130] in [0] : vector<16xi32>, vector<16xi32> -> vector<16xi32>
    %lt3A_1132 = arith.cmpf olt, %gather3A_1128, %select_n3A_1118 : vector<16xf32>
    %eq3A_1133 = arith.cmpf oeq, %gather3A_1128, %select_n3A_1118 : vector<16xf32>
    %lt3A_1134 = arith.cmpi slt, %gather3A_1131, %select_n3A_1119 : vector<16xi32>
    %and3A_1135 = arith.andi %eq3A_1133, %lt3A_1134 : vector<16xi1>
    %or3A_1136 = arith.ori %lt3A_1132, %and3A_1135 : vector<16xi1>
    %select_n3A_1137 = arith.select %or3A_1136, %gather3A_1128, %select_n3A_1118 : vector<16xi1>, vector<16xf32>
    %select_n3A_1138 = arith.select %or3A_1136, %gather3A_1131, %select_n3A_1119 : vector<16xi1>, vector<16xi32>
    %eq3A_1139 = arith.constant 3 : i32
    %eq3A_1140 = vector.broadcast %eq3A_1139 : i32 to vector<16xi32>
    %eq3A_1141 = arith.cmpi eq, %iota3A, %eq3A_1140 : vector<16xi32>
    %select_n3A_1142 = arith.select %eq3A_1141, %select_n3A_1138, %select_n3A_936 : vector<16xi1>, vector<16xi32>
    %add3A_1143 = arith.constant 4 : i32
    %add3A_1144 = arith.addi %mul3A_2, %add3A_1143 : i32
    %jit3A_1145 = arith.constant 8 : i32
    %div3A_1146 = arith.divsi %add3A_1144, %jit3A_1145 : i32
    %sign3A_1147 = arith.constant 0 : i32
    %sign3A_1148 = arith.cmpi sgt, %add3A_1144, %sign3A_1147 : i32
    %sign3A_1149 = arith.extui %sign3A_1148 : i1 to i32
    %sign3A_1150 = arith.constant 0 : i32
    %sign3A_1151 = arith.cmpi slt, %add3A_1144, %sign3A_1150 : i32
    %sign3A_1152 = arith.extui %sign3A_1151 : i1 to i32
    %sign3A_1153 = arith.subi %sign3A_1149, %sign3A_1152 : i32
    %sign3A_1154 = arith.constant 0 : i32
    %sign3A_1155 = arith.cmpi sgt, %jit3A_1145, %sign3A_1154 : i32
    %sign3A_1156 = arith.extui %sign3A_1155 : i1 to i32
    %sign3A_1157 = arith.constant 0 : i32
    %sign3A_1158 = arith.cmpi slt, %jit3A_1145, %sign3A_1157 : i32
    %sign3A_1159 = arith.extui %sign3A_1158 : i1 to i32
    %sign3A_1160 = arith.subi %sign3A_1156, %sign3A_1159 : i32
    %ne3A_1161 = arith.cmpi ne, %sign3A_1153, %sign3A_1160 : i32
    %rem3A_1162 = arith.remsi %add3A_1144, %jit3A_1145 : i32
    %ne3A_1163 = arith.constant 0 : i32
    %ne3A_1164 = arith.cmpi ne, %rem3A_1162, %ne3A_1163 : i32
    %and3A_1165 = arith.andi %ne3A_1161, %ne3A_1164 : i1
    %sub3A_1166 = arith.constant 1 : i32
    %sub3A_1167 = arith.subi %div3A_1146, %sub3A_1166 : i32
    %select_n3A_1168 = arith.select %and3A_1165, %sub3A_1167, %div3A_1146 : i32
    %jit3A_1169 = arith.constant 8 : i32
    %eq3A_1170 = arith.constant 0 : i32
    %eq3A_1171 = arith.cmpi eq, %jit3A_1169, %eq3A_1170 : i32
    %jit3A_1172 = arith.constant 1 : i32
    %select_n3A_1173 = arith.select %eq3A_1171, %jit3A_1172, %jit3A_1169 : i32
    %rem3A_1174 = arith.remsi %add3A_1144, %select_n3A_1173 : i32
    %ne3A_1175 = arith.constant 0 : i32
    %ne3A_1176 = arith.cmpi ne, %rem3A_1174, %ne3A_1175 : i32
    %lt3A_1177 = arith.constant 0 : i32
    %lt3A_1178 = arith.cmpi slt, %rem3A_1174, %lt3A_1177 : i32
    %lt3A_1179 = arith.constant 0 : i32
    %lt3A_1180 = arith.cmpi slt, %select_n3A_1173, %lt3A_1179 : i32
    %ne3A_1181 = arith.xori %lt3A_1178, %lt3A_1180 : i1
    %and3A_1182 = arith.andi %ne3A_1181, %ne3A_1176 : i1
    %add3A_1183 = arith.addi %rem3A_1174, %select_n3A_1173 : i32
    %select_n3A_1184 = arith.select %and3A_1182, %add3A_1183, %rem3A_1174 : i32
    %dma_wait3A_1185 = arith.constant 4 : i32
    %dma_wait3A_1186 = arith.constant 0 : i32
    %dma_wait3A_1187 = tpu.memref_slice %arg4[%dma_wait3A_1185, %dma_wait3A_1186] : memref<6x8192xf32, #tpu.memory_space<vmem>> -> memref<1x8192xf32, #tpu.memory_space<vmem>>
    %dma_wait3A_1188 = tpu.memref_squeeze %dma_wait3A_1187 : memref<1x8192xf32, #tpu.memory_space<vmem>> -> memref<8192xf32, #tpu.memory_space<vmem>>
    %dma_wait3A_1189 = arith.constant 0 : i32
    %dma_wait3A_1190 = tpu.memref_slice %arg2[%select_n3A_1168, %select_n3A_1184, %dma_wait3A_1189] : memref<32x8x8192xf32, #tpu.memory_space<hbm>> -> memref<1x1x8192xf32, #tpu.memory_space<hbm>>
    %dma_wait3A_1191 = tpu.memref_squeeze %dma_wait3A_1190 : memref<1x1x8192xf32, #tpu.memory_space<hbm>> -> memref<8192xf32, #tpu.memory_space<hbm>>
    %dma_wait3A_1192 = arith.constant 0 : i32
    %dma_wait3A_1193 = tpu.memref_slice %arg4[%dma_wait3A_1185, %dma_wait3A_1192] : memref<6x8192xf32, #tpu.memory_space<vmem>> -> memref<1x8192xf32, #tpu.memory_space<vmem>>
    %dma_wait3A_1194 = tpu.memref_squeeze %dma_wait3A_1193 : memref<1x8192xf32, #tpu.memory_space<vmem>> -> memref<8192xf32, #tpu.memory_space<vmem>>
    %dma_wait3A_1195 = arith.constant 0 : i32
    %dma_wait3A_1196 = tpu.memref_slice %arg2[%select_n3A_1168, %select_n3A_1184, %dma_wait3A_1195] : memref<32x8x8192xf32, #tpu.memory_space<hbm>> -> memref<1x1x8192xf32, #tpu.memory_space<hbm>>
    %dma_wait3A_1197 = tpu.memref_squeeze %dma_wait3A_1196 : memref<1x1x8192xf32, #tpu.memory_space<hbm>> -> memref<8192xf32, #tpu.memory_space<hbm>>
    tpu.wait_dma2 semaphore(%arg7 : memref<!tpu.dma_semaphore, #tpu.memory_space<semaphore_mem>>) src(%dma_wait3A_1197 : memref<8192xf32, #tpu.memory_space<hbm>>) dst(%dma_wait3A_1194 : memref<8192xf32, #tpu.memory_space<vmem>>)
    %broadcast_in_dim3A_1198 = arith.constant 0x7F800000 : f32
    %broadcast_in_dim3A_1199 = vector.broadcast %broadcast_in_dim3A_1198 : f32 to vector<16xf32>
    %broadcast_in_dim3A_1200 = arith.constant 0x7F800000 : f32
    %broadcast_in_dim3A_1201 = vector.broadcast %broadcast_in_dim3A_1200 : f32 to vector<16xf32>
    %broadcast_in_dim3A_1202 = arith.constant 0x7F800000 : f32
    %broadcast_in_dim3A_1203 = vector.broadcast %broadcast_in_dim3A_1202 : f32 to vector<16xf32>
    %broadcast_in_dim3A_1204 = arith.constant 0x7F800000 : f32
    %broadcast_in_dim3A_1205 = vector.broadcast %broadcast_in_dim3A_1204 : f32 to vector<16xf32>
    %broadcast_in_dim3A_1206 = arith.constant 0 : i32
    %broadcast_in_dim3A_1207 = vector.broadcast %broadcast_in_dim3A_1206 : i32 to vector<16xi32>
    %broadcast_in_dim3A_1208 = arith.constant 0 : i32
    %broadcast_in_dim3A_1209 = vector.broadcast %broadcast_in_dim3A_1208 : i32 to vector<16xi32>
    %broadcast_in_dim3A_1210 = arith.constant 0 : i32
    %broadcast_in_dim3A_1211 = vector.broadcast %broadcast_in_dim3A_1210 : i32 to vector<16xi32>
    %broadcast_in_dim3A_1212 = arith.constant 0 : i32
    %broadcast_in_dim3A_1213 = vector.broadcast %broadcast_in_dim3A_1212 : i32 to vector<16xi32>
    %scan3A_1214 = arith.constant 0 : i32
    %scan3A_1215 = arith.constant 128 : i32
    %scan3A_1216 = arith.addi %scan3A_1214, %scan3A_1215 : i32
    %scan3A_1217 = arith.constant 4 : i32
    %scan3A_1218:8 = scf.for %scan3A_1561 = %scan3A_1214 to %scan3A_1216 step %scan3A_1217 iter_args(%scan3A_1562 = %broadcast_in_dim3A_1199, %scan3A_1563 = %broadcast_in_dim3A_1201, %scan3A_1564 = %broadcast_in_dim3A_1203, %scan3A_1565 = %broadcast_in_dim3A_1205, %scan3A_1566 = %broadcast_in_dim3A_1207, %scan3A_1567 = %broadcast_in_dim3A_1209, %scan3A_1568 = %broadcast_in_dim3A_1211, %scan3A_1569 = %broadcast_in_dim3A_1213) -> (vector<16xf32>, vector<16xf32>, vector<16xf32>, vector<16xf32>, vector<16xi32>, vector<16xi32>, vector<16xi32>, vector<16xi32>)  : i32 {
      %broadcast_in_dim3A_1570 = vector.broadcast %scan3A_1561 : i32 to vector<16xi32>
      %mul3A_1571 = arith.constant 64 : i32
      %mul3A_1572 = arith.muli %scan3A_1561, %mul3A_1571 : i32
      %add3A_1573 = arith.constant 0 : i32
      %add3A_1574 = arith.addi %mul3A_1572, %add3A_1573 : i32
      %get3A = arith.constant 4 : i32
      %get3A_1575 = arith.index_cast %get3A : i32 to index
      %get3A_1576 = arith.index_cast %add3A_1574 : i32 to index
      %get3A_1577 = tpu.vector_load %arg4[%get3A_1575, %get3A_1576] {strides = array<i32>} : memref<6x8192xf32, #tpu.memory_space<vmem>>, vector<1x16xf32>,
      %get3A_1578 = vector.shape_cast %get3A_1577 : vector<1x16xf32> to vector<16xf32>
      %lt3A_1579 = arith.cmpf olt, %get3A_1578, %scan3A_1562 : vector<16xf32>
      %min3A = arith.minimumf %get3A_1578, %scan3A_1562 : vector<16xf32>
      %select_n3A_1580 = arith.select %lt3A_1579, %broadcast_in_dim3A_1570, %scan3A_1566 : vector<16xi1>, vector<16xi32>
      %mul3A_1581 = arith.constant 64 : i32
      %mul3A_1582 = arith.muli %scan3A_1561, %mul3A_1581 : i32
      %add3A_1583 = arith.constant 16 : i32
      %add3A_1584 = arith.addi %mul3A_1582, %add3A_1583 : i32
      %get3A_1585 = arith.constant 4 : i32
      %get3A_1586 = arith.index_cast %get3A_1585 : i32 to index
      %get3A_1587 = arith.index_cast %add3A_1584 : i32 to index
      %get3A_1588 = tpu.vector_load %arg4[%get3A_1586, %get3A_1587] {strides = array<i32>} : memref<6x8192xf32, #tpu.memory_space<vmem>>, vector<1x16xf32>,
      %get3A_1589 = vector.shape_cast %get3A_1588 : vector<1x16xf32> to vector<16xf32>
      %lt3A_1590 = arith.cmpf olt, %get3A_1589, %scan3A_1563 : vector<16xf32>
      %min3A_1591 = arith.minimumf %get3A_1589, %scan3A_1563 : vector<16xf32>
      %select_n3A_1592 = arith.select %lt3A_1590, %broadcast_in_dim3A_1570, %scan3A_1567 : vector<16xi1>, vector<16xi32>
      %mul3A_1593 = arith.constant 64 : i32
      %mul3A_1594 = arith.muli %scan3A_1561, %mul3A_1593 : i32
      %add3A_1595 = arith.constant 32 : i32
      %add3A_1596 = arith.addi %mul3A_1594, %add3A_1595 : i32
      %get3A_1597 = arith.constant 4 : i32
      %get3A_1598 = arith.index_cast %get3A_1597 : i32 to index
      %get3A_1599 = arith.index_cast %add3A_1596 : i32 to index
      %get3A_1600 = tpu.vector_load %arg4[%get3A_1598, %get3A_1599] {strides = array<i32>} : memref<6x8192xf32, #tpu.memory_space<vmem>>, vector<1x16xf32>,
      %get3A_1601 = vector.shape_cast %get3A_1600 : vector<1x16xf32> to vector<16xf32>
      %lt3A_1602 = arith.cmpf olt, %get3A_1601, %scan3A_1564 : vector<16xf32>
      %min3A_1603 = arith.minimumf %get3A_1601, %scan3A_1564 : vector<16xf32>
      %select_n3A_1604 = arith.select %lt3A_1602, %broadcast_in_dim3A_1570, %scan3A_1568 : vector<16xi1>, vector<16xi32>
      %mul3A_1605 = arith.constant 64 : i32
      %mul3A_1606 = arith.muli %scan3A_1561, %mul3A_1605 : i32
      %add3A_1607 = arith.constant 48 : i32
      %add3A_1608 = arith.addi %mul3A_1606, %add3A_1607 : i32
      %get3A_1609 = arith.constant 4 : i32
      %get3A_1610 = arith.index_cast %get3A_1609 : i32 to index
      %get3A_1611 = arith.index_cast %add3A_1608 : i32 to index
      %get3A_1612 = tpu.vector_load %arg4[%get3A_1610, %get3A_1611] {strides = array<i32>} : memref<6x8192xf32, #tpu.memory_space<vmem>>, vector<1x16xf32>,
      %get3A_1613 = vector.shape_cast %get3A_1612 : vector<1x16xf32> to vector<16xf32>
      %lt3A_1614 = arith.cmpf olt, %get3A_1613, %scan3A_1565 : vector<16xf32>
      %min3A_1615 = arith.minimumf %get3A_1613, %scan3A_1565 : vector<16xf32>
      %select_n3A_1616 = arith.select %lt3A_1614, %broadcast_in_dim3A_1570, %scan3A_1569 : vector<16xi1>, vector<16xi32>
      %scan3A_1617 = arith.constant 1 : i32
      %scan3A_1618 = arith.addi %scan3A_1561, %scan3A_1617 : i32
      %broadcast_in_dim3A_1619 = vector.broadcast %scan3A_1618 : i32 to vector<16xi32>
      %mul3A_1620 = arith.constant 64 : i32
      %mul3A_1621 = arith.muli %scan3A_1618, %mul3A_1620 : i32
      %add3A_1622 = arith.constant 0 : i32
      %add3A_1623 = arith.addi %mul3A_1621, %add3A_1622 : i32
      %get3A_1624 = arith.constant 4 : i32
      %get3A_1625 = arith.index_cast %get3A_1624 : i32 to index
      %get3A_1626 = arith.index_cast %add3A_1623 : i32 to index
      %get3A_1627 = tpu.vector_load %arg4[%get3A_1625, %get3A_1626] {strides = array<i32>} : memref<6x8192xf32, #tpu.memory_space<vmem>>, vector<1x16xf32>,
      %get3A_1628 = vector.shape_cast %get3A_1627 : vector<1x16xf32> to vector<16xf32>
      %lt3A_1629 = arith.cmpf olt, %get3A_1628, %min3A : vector<16xf32>
      %min3A_1630 = arith.minimumf %get3A_1628, %min3A : vector<16xf32>
      %select_n3A_1631 = arith.select %lt3A_1629, %broadcast_in_dim3A_1619, %select_n3A_1580 : vector<16xi1>, vector<16xi32>
      %mul3A_1632 = arith.constant 64 : i32
      %mul3A_1633 = arith.muli %scan3A_1618, %mul3A_1632 : i32
      %add3A_1634 = arith.constant 16 : i32
      %add3A_1635 = arith.addi %mul3A_1633, %add3A_1634 : i32
      %get3A_1636 = arith.constant 4 : i32
      %get3A_1637 = arith.index_cast %get3A_1636 : i32 to index
      %get3A_1638 = arith.index_cast %add3A_1635 : i32 to index
      %get3A_1639 = tpu.vector_load %arg4[%get3A_1637, %get3A_1638] {strides = array<i32>} : memref<6x8192xf32, #tpu.memory_space<vmem>>, vector<1x16xf32>,
      %get3A_1640 = vector.shape_cast %get3A_1639 : vector<1x16xf32> to vector<16xf32>
      %lt3A_1641 = arith.cmpf olt, %get3A_1640, %min3A_1591 : vector<16xf32>
      %min3A_1642 = arith.minimumf %get3A_1640, %min3A_1591 : vector<16xf32>
      %select_n3A_1643 = arith.select %lt3A_1641, %broadcast_in_dim3A_1619, %select_n3A_1592 : vector<16xi1>, vector<16xi32>
      %mul3A_1644 = arith.constant 64 : i32
      %mul3A_1645 = arith.muli %scan3A_1618, %mul3A_1644 : i32
      %add3A_1646 = arith.constant 32 : i32
      %add3A_1647 = arith.addi %mul3A_1645, %add3A_1646 : i32
      %get3A_1648 = arith.constant 4 : i32
      %get3A_1649 = arith.index_cast %get3A_1648 : i32 to index
      %get3A_1650 = arith.index_cast %add3A_1647 : i32 to index
      %get3A_1651 = tpu.vector_load %arg4[%get3A_1649, %get3A_1650] {strides = array<i32>} : memref<6x8192xf32, #tpu.memory_space<vmem>>, vector<1x16xf32>,
      %get3A_1652 = vector.shape_cast %get3A_1651 : vector<1x16xf32> to vector<16xf32>
      %lt3A_1653 = arith.cmpf olt, %get3A_1652, %min3A_1603 : vector<16xf32>
      %min3A_1654 = arith.minimumf %get3A_1652, %min3A_1603 : vector<16xf32>
      %select_n3A_1655 = arith.select %lt3A_1653, %broadcast_in_dim3A_1619, %select_n3A_1604 : vector<16xi1>, vector<16xi32>
      %mul3A_1656 = arith.constant 64 : i32
      %mul3A_1657 = arith.muli %scan3A_1618, %mul3A_1656 : i32
      %add3A_1658 = arith.constant 48 : i32
      %add3A_1659 = arith.addi %mul3A_1657, %add3A_1658 : i32
      %get3A_1660 = arith.constant 4 : i32
      %get3A_1661 = arith.index_cast %get3A_1660 : i32 to index
      %get3A_1662 = arith.index_cast %add3A_1659 : i32 to index
      %get3A_1663 = tpu.vector_load %arg4[%get3A_1661, %get3A_1662] {strides = array<i32>} : memref<6x8192xf32, #tpu.memory_space<vmem>>, vector<1x16xf32>,
      %get3A_1664 = vector.shape_cast %get3A_1663 : vector<1x16xf32> to vector<16xf32>
      %lt3A_1665 = arith.cmpf olt, %get3A_1664, %min3A_1615 : vector<16xf32>
      %min3A_1666 = arith.minimumf %get3A_1664, %min3A_1615 : vector<16xf32>
      %select_n3A_1667 = arith.select %lt3A_1665, %broadcast_in_dim3A_1619, %select_n3A_1616 : vector<16xi1>, vector<16xi32>
      %scan3A_1668 = arith.constant 2 : i32
      %scan3A_1669 = arith.addi %scan3A_1561, %scan3A_1668 : i32
      %broadcast_in_dim3A_1670 = vector.broadcast %scan3A_1669 : i32 to vector<16xi32>
      %mul3A_1671 = arith.constant 64 : i32
      %mul3A_1672 = arith.muli %scan3A_1669, %mul3A_1671 : i32
      %add3A_1673 = arith.constant 0 : i32
      %add3A_1674 = arith.addi %mul3A_1672, %add3A_1673 : i32
      %get3A_1675 = arith.constant 4 : i32
      %get3A_1676 = arith.index_cast %get3A_1675 : i32 to index
      %get3A_1677 = arith.index_cast %add3A_1674 : i32 to index
      %get3A_1678 = tpu.vector_load %arg4[%get3A_1676, %get3A_1677] {strides = array<i32>} : memref<6x8192xf32, #tpu.memory_space<vmem>>, vector<1x16xf32>,
      %get3A_1679 = vector.shape_cast %get3A_1678 : vector<1x16xf32> to vector<16xf32>
      %lt3A_1680 = arith.cmpf olt, %get3A_1679, %min3A_1630 : vector<16xf32>
      %min3A_1681 = arith.minimumf %get3A_1679, %min3A_1630 : vector<16xf32>
      %select_n3A_1682 = arith.select %lt3A_1680, %broadcast_in_dim3A_1670, %select_n3A_1631 : vector<16xi1>, vector<16xi32>
      %mul3A_1683 = arith.constant 64 : i32
      %mul3A_1684 = arith.muli %scan3A_1669, %mul3A_1683 : i32
      %add3A_1685 = arith.constant 16 : i32
      %add3A_1686 = arith.addi %mul3A_1684, %add3A_1685 : i32
      %get3A_1687 = arith.constant 4 : i32
      %get3A_1688 = arith.index_cast %get3A_1687 : i32 to index
      %get3A_1689 = arith.index_cast %add3A_1686 : i32 to index
      %get3A_1690 = tpu.vector_load %arg4[%get3A_1688, %get3A_1689] {strides = array<i32>} : memref<6x8192xf32, #tpu.memory_space<vmem>>, vector<1x16xf32>,
      %get3A_1691 = vector.shape_cast %get3A_1690 : vector<1x16xf32> to vector<16xf32>
      %lt3A_1692 = arith.cmpf olt, %get3A_1691, %min3A_1642 : vector<16xf32>
      %min3A_1693 = arith.minimumf %get3A_1691, %min3A_1642 : vector<16xf32>
      %select_n3A_1694 = arith.select %lt3A_1692, %broadcast_in_dim3A_1670, %select_n3A_1643 : vector<16xi1>, vector<16xi32>
      %mul3A_1695 = arith.constant 64 : i32
      %mul3A_1696 = arith.muli %scan3A_1669, %mul3A_1695 : i32
      %add3A_1697 = arith.constant 32 : i32
      %add3A_1698 = arith.addi %mul3A_1696, %add3A_1697 : i32
      %get3A_1699 = arith.constant 4 : i32
      %get3A_1700 = arith.index_cast %get3A_1699 : i32 to index
      %get3A_1701 = arith.index_cast %add3A_1698 : i32 to index
      %get3A_1702 = tpu.vector_load %arg4[%get3A_1700, %get3A_1701] {strides = array<i32>} : memref<6x8192xf32, #tpu.memory_space<vmem>>, vector<1x16xf32>,
      %get3A_1703 = vector.shape_cast %get3A_1702 : vector<1x16xf32> to vector<16xf32>
      %lt3A_1704 = arith.cmpf olt, %get3A_1703, %min3A_1654 : vector<16xf32>
      %min3A_1705 = arith.minimumf %get3A_1703, %min3A_1654 : vector<16xf32>
      %select_n3A_1706 = arith.select %lt3A_1704, %broadcast_in_dim3A_1670, %select_n3A_1655 : vector<16xi1>, vector<16xi32>
      %mul3A_1707 = arith.constant 64 : i32
      %mul3A_1708 = arith.muli %scan3A_1669, %mul3A_1707 : i32
      %add3A_1709 = arith.constant 48 : i32
      %add3A_1710 = arith.addi %mul3A_1708, %add3A_1709 : i32
      %get3A_1711 = arith.constant 4 : i32
      %get3A_1712 = arith.index_cast %get3A_1711 : i32 to index
      %get3A_1713 = arith.index_cast %add3A_1710 : i32 to index
      %get3A_1714 = tpu.vector_load %arg4[%get3A_1712, %get3A_1713] {strides = array<i32>} : memref<6x8192xf32, #tpu.memory_space<vmem>>, vector<1x16xf32>,
      %get3A_1715 = vector.shape_cast %get3A_1714 : vector<1x16xf32> to vector<16xf32>
      %lt3A_1716 = arith.cmpf olt, %get3A_1715, %min3A_1666 : vector<16xf32>
      %min3A_1717 = arith.minimumf %get3A_1715, %min3A_1666 : vector<16xf32>
      %select_n3A_1718 = arith.select %lt3A_1716, %broadcast_in_dim3A_1670, %select_n3A_1667 : vector<16xi1>, vector<16xi32>
      %scan3A_1719 = arith.constant 3 : i32
      %scan3A_1720 = arith.addi %scan3A_1561, %scan3A_1719 : i32
      %broadcast_in_dim3A_1721 = vector.broadcast %scan3A_1720 : i32 to vector<16xi32>
      %mul3A_1722 = arith.constant 64 : i32
      %mul3A_1723 = arith.muli %scan3A_1720, %mul3A_1722 : i32
      %add3A_1724 = arith.constant 0 : i32
      %add3A_1725 = arith.addi %mul3A_1723, %add3A_1724 : i32
      %get3A_1726 = arith.constant 4 : i32
      %get3A_1727 = arith.index_cast %get3A_1726 : i32 to index
      %get3A_1728 = arith.index_cast %add3A_1725 : i32 to index
      %get3A_1729 = tpu.vector_load %arg4[%get3A_1727, %get3A_1728] {strides = array<i32>} : memref<6x8192xf32, #tpu.memory_space<vmem>>, vector<1x16xf32>,
      %get3A_1730 = vector.shape_cast %get3A_1729 : vector<1x16xf32> to vector<16xf32>
      %lt3A_1731 = arith.cmpf olt, %get3A_1730, %min3A_1681 : vector<16xf32>
      %min3A_1732 = arith.minimumf %get3A_1730, %min3A_1681 : vector<16xf32>
      %select_n3A_1733 = arith.select %lt3A_1731, %broadcast_in_dim3A_1721, %select_n3A_1682 : vector<16xi1>, vector<16xi32>
      %mul3A_1734 = arith.constant 64 : i32
      %mul3A_1735 = arith.muli %scan3A_1720, %mul3A_1734 : i32
      %add3A_1736 = arith.constant 16 : i32
      %add3A_1737 = arith.addi %mul3A_1735, %add3A_1736 : i32
      %get3A_1738 = arith.constant 4 : i32
      %get3A_1739 = arith.index_cast %get3A_1738 : i32 to index
      %get3A_1740 = arith.index_cast %add3A_1737 : i32 to index
      %get3A_1741 = tpu.vector_load %arg4[%get3A_1739, %get3A_1740] {strides = array<i32>} : memref<6x8192xf32, #tpu.memory_space<vmem>>, vector<1x16xf32>,
      %get3A_1742 = vector.shape_cast %get3A_1741 : vector<1x16xf32> to vector<16xf32>
      %lt3A_1743 = arith.cmpf olt, %get3A_1742, %min3A_1693 : vector<16xf32>
      %min3A_1744 = arith.minimumf %get3A_1742, %min3A_1693 : vector<16xf32>
      %select_n3A_1745 = arith.select %lt3A_1743, %broadcast_in_dim3A_1721, %select_n3A_1694 : vector<16xi1>, vector<16xi32>
      %mul3A_1746 = arith.constant 64 : i32
      %mul3A_1747 = arith.muli %scan3A_1720, %mul3A_1746 : i32
      %add3A_1748 = arith.constant 32 : i32
      %add3A_1749 = arith.addi %mul3A_1747, %add3A_1748 : i32
      %get3A_1750 = arith.constant 4 : i32
      %get3A_1751 = arith.index_cast %get3A_1750 : i32 to index
      %get3A_1752 = arith.index_cast %add3A_1749 : i32 to index
      %get3A_1753 = tpu.vector_load %arg4[%get3A_1751, %get3A_1752] {strides = array<i32>} : memref<6x8192xf32, #tpu.memory_space<vmem>>, vector<1x16xf32>,
      %get3A_1754 = vector.shape_cast %get3A_1753 : vector<1x16xf32> to vector<16xf32>
      %lt3A_1755 = arith.cmpf olt, %get3A_1754, %min3A_1705 : vector<16xf32>
      %min3A_1756 = arith.minimumf %get3A_1754, %min3A_1705 : vector<16xf32>
      %select_n3A_1757 = arith.select %lt3A_1755, %broadcast_in_dim3A_1721, %select_n3A_1706 : vector<16xi1>, vector<16xi32>
      %mul3A_1758 = arith.constant 64 : i32
      %mul3A_1759 = arith.muli %scan3A_1720, %mul3A_1758 : i32
      %add3A_1760 = arith.constant 48 : i32
      %add3A_1761 = arith.addi %mul3A_1759, %add3A_1760 : i32
      %get3A_1762 = arith.constant 4 : i32
      %get3A_1763 = arith.index_cast %get3A_1762 : i32 to index
      %get3A_1764 = arith.index_cast %add3A_1761 : i32 to index
      %get3A_1765 = tpu.vector_load %arg4[%get3A_1763, %get3A_1764] {strides = array<i32>} : memref<6x8192xf32, #tpu.memory_space<vmem>>, vector<1x16xf32>,
      %get3A_1766 = vector.shape_cast %get3A_1765 : vector<1x16xf32> to vector<16xf32>
      %lt3A_1767 = arith.cmpf olt, %get3A_1766, %min3A_1717 : vector<16xf32>
      %min3A_1768 = arith.minimumf %get3A_1766, %min3A_1717 : vector<16xf32>
      %select_n3A_1769 = arith.select %lt3A_1767, %broadcast_in_dim3A_1721, %select_n3A_1718 : vector<16xi1>, vector<16xi32>
      scf.yield %min3A_1732, %min3A_1744, %min3A_1756, %min3A_1768, %select_n3A_1733, %select_n3A_1745, %select_n3A_1757, %select_n3A_1769 : vector<16xf32>, vector<16xf32>, vector<16xf32>, vector<16xf32>, vector<16xi32>, vector<16xi32>, vector<16xi32>, vector<16xi32>
    }
    %scan3A_1219 = arith.constant 128 : i32
    %mul3A_1220 = arith.constant 64 : i32
    %mul3A_1221 = vector.broadcast %mul3A_1220 : i32 to vector<16xi32>
    %mul3A_1222 = arith.muli %scan3A_1218#4, %mul3A_1221 : vector<16xi32>
    %add3A_1223 = arith.constant 0 : i32
    %add3A_1224 = vector.broadcast %add3A_1223 : i32 to vector<16xi32>
    %add3A_1225 = arith.addi %mul3A_1222, %add3A_1224 : vector<16xi32>
    %add3A_1226 = arith.addi %add3A_1225, %iota3A : vector<16xi32>
    %mul3A_1227 = arith.constant 64 : i32
    %mul3A_1228 = vector.broadcast %mul3A_1227 : i32 to vector<16xi32>
    %mul3A_1229 = arith.muli %scan3A_1218#5, %mul3A_1228 : vector<16xi32>
    %add3A_1230 = arith.constant 16 : i32
    %add3A_1231 = vector.broadcast %add3A_1230 : i32 to vector<16xi32>
    %add3A_1232 = arith.addi %mul3A_1229, %add3A_1231 : vector<16xi32>
    %add3A_1233 = arith.addi %add3A_1232, %iota3A : vector<16xi32>
    %mul3A_1234 = arith.constant 64 : i32
    %mul3A_1235 = vector.broadcast %mul3A_1234 : i32 to vector<16xi32>
    %mul3A_1236 = arith.muli %scan3A_1218#6, %mul3A_1235 : vector<16xi32>
    %add3A_1237 = arith.constant 32 : i32
    %add3A_1238 = vector.broadcast %add3A_1237 : i32 to vector<16xi32>
    %add3A_1239 = arith.addi %mul3A_1236, %add3A_1238 : vector<16xi32>
    %add3A_1240 = arith.addi %add3A_1239, %iota3A : vector<16xi32>
    %mul3A_1241 = arith.constant 64 : i32
    %mul3A_1242 = vector.broadcast %mul3A_1241 : i32 to vector<16xi32>
    %mul3A_1243 = arith.muli %scan3A_1218#7, %mul3A_1242 : vector<16xi32>
    %add3A_1244 = arith.constant 48 : i32
    %add3A_1245 = vector.broadcast %add3A_1244 : i32 to vector<16xi32>
    %add3A_1246 = arith.addi %mul3A_1243, %add3A_1245 : vector<16xi32>
    %add3A_1247 = arith.addi %add3A_1246, %iota3A : vector<16xi32>
    %lt3A_1248 = arith.cmpf olt, %scan3A_1218#2, %scan3A_1218#0 : vector<16xf32>
    %eq3A_1249 = arith.cmpf oeq, %scan3A_1218#2, %scan3A_1218#0 : vector<16xf32>
    %lt3A_1250 = arith.cmpi slt, %add3A_1240, %add3A_1226 : vector<16xi32>
    %and3A_1251 = arith.andi %eq3A_1249, %lt3A_1250 : vector<16xi1>
    %or3A_1252 = arith.ori %lt3A_1248, %and3A_1251 : vector<16xi1>
    %select_n3A_1253 = arith.select %or3A_1252, %scan3A_1218#2, %scan3A_1218#0 : vector<16xi1>, vector<16xf32>
    %select_n3A_1254 = arith.select %or3A_1252, %add3A_1240, %add3A_1226 : vector<16xi1>, vector<16xi32>
    %lt3A_1255 = arith.cmpf olt, %scan3A_1218#3, %scan3A_1218#1 : vector<16xf32>
    %eq3A_1256 = arith.cmpf oeq, %scan3A_1218#3, %scan3A_1218#1 : vector<16xf32>
    %lt3A_1257 = arith.cmpi slt, %add3A_1247, %add3A_1233 : vector<16xi32>
    %and3A_1258 = arith.andi %eq3A_1256, %lt3A_1257 : vector<16xi1>
    %or3A_1259 = arith.ori %lt3A_1255, %and3A_1258 : vector<16xi1>
    %select_n3A_1260 = arith.select %or3A_1259, %scan3A_1218#3, %scan3A_1218#1 : vector<16xi1>, vector<16xf32>
    %select_n3A_1261 = arith.select %or3A_1259, %add3A_1247, %add3A_1233 : vector<16xi1>, vector<16xi32>
    %lt3A_1262 = arith.cmpf olt, %select_n3A_1260, %select_n3A_1253 : vector<16xf32>
    %eq3A_1263 = arith.cmpf oeq, %select_n3A_1260, %select_n3A_1253 : vector<16xf32>
    %lt3A_1264 = arith.cmpi slt, %select_n3A_1261, %select_n3A_1254 : vector<16xi32>
    %and3A_1265 = arith.andi %eq3A_1263, %lt3A_1264 : vector<16xi1>
    %or3A_1266 = arith.ori %lt3A_1262, %and3A_1265 : vector<16xi1>
    %select_n3A_1267 = arith.select %or3A_1266, %select_n3A_1260, %select_n3A_1253 : vector<16xi1>, vector<16xf32>
    %select_n3A_1268 = arith.select %or3A_1266, %select_n3A_1261, %select_n3A_1254 : vector<16xi1>, vector<16xi32>
    %add3A_1269 = arith.constant 8 : i32
    %add3A_1270 = vector.broadcast %add3A_1269 : i32 to vector<16xi32>
    %add3A_1271 = arith.addi %iota3A, %add3A_1270 : vector<16xi32>
    %and3A_1272 = arith.constant 15 : i32
    %and3A_1273 = vector.broadcast %and3A_1272 : i32 to vector<16xi32>
    %and3A_1274 = arith.andi %add3A_1271, %and3A_1273 : vector<16xi32>
    %broadcast_in_dim3A_1275 = vector.shape_cast %and3A_1274 : vector<16xi32> to vector<16x1xi32>
    %gather3A_1276 = vector.shape_cast %broadcast_in_dim3A_1275 : vector<16x1xi32> to vector<16xi32>
    %gather3A_1277 = tpu.dynamic_gather %select_n3A_1267[%gather3A_1276] in [0] : vector<16xf32>, vector<16xi32> -> vector<16xf32>
    %broadcast_in_dim3A_1278 = vector.shape_cast %and3A_1274 : vector<16xi32> to vector<16x1xi32>
    %gather3A_1279 = vector.shape_cast %broadcast_in_dim3A_1278 : vector<16x1xi32> to vector<16xi32>
    %gather3A_1280 = tpu.dynamic_gather %select_n3A_1268[%gather3A_1279] in [0] : vector<16xi32>, vector<16xi32> -> vector<16xi32>
    %lt3A_1281 = arith.cmpf olt, %gather3A_1277, %select_n3A_1267 : vector<16xf32>
    %eq3A_1282 = arith.cmpf oeq, %gather3A_1277, %select_n3A_1267 : vector<16xf32>
    %lt3A_1283 = arith.cmpi slt, %gather3A_1280, %select_n3A_1268 : vector<16xi32>
    %and3A_1284 = arith.andi %eq3A_1282, %lt3A_1283 : vector<16xi1>
    %or3A_1285 = arith.ori %lt3A_1281, %and3A_1284 : vector<16xi1>
    %select_n3A_1286 = arith.select %or3A_1285, %gather3A_1277, %select_n3A_1267 : vector<16xi1>, vector<16xf32>
    %select_n3A_1287 = arith.select %or3A_1285, %gather3A_1280, %select_n3A_1268 : vector<16xi1>, vector<16xi32>
    %add3A_1288 = arith.constant 4 : i32
    %add3A_1289 = vector.broadcast %add3A_1288 : i32 to vector<16xi32>
    %add3A_1290 = arith.addi %iota3A, %add3A_1289 : vector<16xi32>
    %and3A_1291 = arith.constant 15 : i32
    %and3A_1292 = vector.broadcast %and3A_1291 : i32 to vector<16xi32>
    %and3A_1293 = arith.andi %add3A_1290, %and3A_1292 : vector<16xi32>
    %broadcast_in_dim3A_1294 = vector.shape_cast %and3A_1293 : vector<16xi32> to vector<16x1xi32>
    %gather3A_1295 = vector.shape_cast %broadcast_in_dim3A_1294 : vector<16x1xi32> to vector<16xi32>
    %gather3A_1296 = tpu.dynamic_gather %select_n3A_1286[%gather3A_1295] in [0] : vector<16xf32>, vector<16xi32> -> vector<16xf32>
    %broadcast_in_dim3A_1297 = vector.shape_cast %and3A_1293 : vector<16xi32> to vector<16x1xi32>
    %gather3A_1298 = vector.shape_cast %broadcast_in_dim3A_1297 : vector<16x1xi32> to vector<16xi32>
    %gather3A_1299 = tpu.dynamic_gather %select_n3A_1287[%gather3A_1298] in [0] : vector<16xi32>, vector<16xi32> -> vector<16xi32>
    %lt3A_1300 = arith.cmpf olt, %gather3A_1296, %select_n3A_1286 : vector<16xf32>
    %eq3A_1301 = arith.cmpf oeq, %gather3A_1296, %select_n3A_1286 : vector<16xf32>
    %lt3A_1302 = arith.cmpi slt, %gather3A_1299, %select_n3A_1287 : vector<16xi32>
    %and3A_1303 = arith.andi %eq3A_1301, %lt3A_1302 : vector<16xi1>
    %or3A_1304 = arith.ori %lt3A_1300, %and3A_1303 : vector<16xi1>
    %select_n3A_1305 = arith.select %or3A_1304, %gather3A_1296, %select_n3A_1286 : vector<16xi1>, vector<16xf32>
    %select_n3A_1306 = arith.select %or3A_1304, %gather3A_1299, %select_n3A_1287 : vector<16xi1>, vector<16xi32>
    %add3A_1307 = arith.constant 2 : i32
    %add3A_1308 = vector.broadcast %add3A_1307 : i32 to vector<16xi32>
    %add3A_1309 = arith.addi %iota3A, %add3A_1308 : vector<16xi32>
    %and3A_1310 = arith.constant 15 : i32
    %and3A_1311 = vector.broadcast %and3A_1310 : i32 to vector<16xi32>
    %and3A_1312 = arith.andi %add3A_1309, %and3A_1311 : vector<16xi32>
    %broadcast_in_dim3A_1313 = vector.shape_cast %and3A_1312 : vector<16xi32> to vector<16x1xi32>
    %gather3A_1314 = vector.shape_cast %broadcast_in_dim3A_1313 : vector<16x1xi32> to vector<16xi32>
    %gather3A_1315 = tpu.dynamic_gather %select_n3A_1305[%gather3A_1314] in [0] : vector<16xf32>, vector<16xi32> -> vector<16xf32>
    %broadcast_in_dim3A_1316 = vector.shape_cast %and3A_1312 : vector<16xi32> to vector<16x1xi32>
    %gather3A_1317 = vector.shape_cast %broadcast_in_dim3A_1316 : vector<16x1xi32> to vector<16xi32>
    %gather3A_1318 = tpu.dynamic_gather %select_n3A_1306[%gather3A_1317] in [0] : vector<16xi32>, vector<16xi32> -> vector<16xi32>
    %lt3A_1319 = arith.cmpf olt, %gather3A_1315, %select_n3A_1305 : vector<16xf32>
    %eq3A_1320 = arith.cmpf oeq, %gather3A_1315, %select_n3A_1305 : vector<16xf32>
    %lt3A_1321 = arith.cmpi slt, %gather3A_1318, %select_n3A_1306 : vector<16xi32>
    %and3A_1322 = arith.andi %eq3A_1320, %lt3A_1321 : vector<16xi1>
    %or3A_1323 = arith.ori %lt3A_1319, %and3A_1322 : vector<16xi1>
    %select_n3A_1324 = arith.select %or3A_1323, %gather3A_1315, %select_n3A_1305 : vector<16xi1>, vector<16xf32>
    %select_n3A_1325 = arith.select %or3A_1323, %gather3A_1318, %select_n3A_1306 : vector<16xi1>, vector<16xi32>
    %add3A_1326 = arith.constant 1 : i32
    %add3A_1327 = vector.broadcast %add3A_1326 : i32 to vector<16xi32>
    %add3A_1328 = arith.addi %iota3A, %add3A_1327 : vector<16xi32>
    %and3A_1329 = arith.constant 15 : i32
    %and3A_1330 = vector.broadcast %and3A_1329 : i32 to vector<16xi32>
    %and3A_1331 = arith.andi %add3A_1328, %and3A_1330 : vector<16xi32>
    %broadcast_in_dim3A_1332 = vector.shape_cast %and3A_1331 : vector<16xi32> to vector<16x1xi32>
    %gather3A_1333 = vector.shape_cast %broadcast_in_dim3A_1332 : vector<16x1xi32> to vector<16xi32>
    %gather3A_1334 = tpu.dynamic_gather %select_n3A_1324[%gather3A_1333] in [0] : vector<16xf32>, vector<16xi32> -> vector<16xf32>
    %broadcast_in_dim3A_1335 = vector.shape_cast %and3A_1331 : vector<16xi32> to vector<16x1xi32>
    %gather3A_1336 = vector.shape_cast %broadcast_in_dim3A_1335 : vector<16x1xi32> to vector<16xi32>
    %gather3A_1337 = tpu.dynamic_gather %select_n3A_1325[%gather3A_1336] in [0] : vector<16xi32>, vector<16xi32> -> vector<16xi32>
    %lt3A_1338 = arith.cmpf olt, %gather3A_1334, %select_n3A_1324 : vector<16xf32>
    %eq3A_1339 = arith.cmpf oeq, %gather3A_1334, %select_n3A_1324 : vector<16xf32>
    %lt3A_1340 = arith.cmpi slt, %gather3A_1337, %select_n3A_1325 : vector<16xi32>
    %and3A_1341 = arith.andi %eq3A_1339, %lt3A_1340 : vector<16xi1>
    %or3A_1342 = arith.ori %lt3A_1338, %and3A_1341 : vector<16xi1>
    %select_n3A_1343 = arith.select %or3A_1342, %gather3A_1334, %select_n3A_1324 : vector<16xi1>, vector<16xf32>
    %select_n3A_1344 = arith.select %or3A_1342, %gather3A_1337, %select_n3A_1325 : vector<16xi1>, vector<16xi32>
    %eq3A_1345 = arith.constant 4 : i32
    %eq3A_1346 = vector.broadcast %eq3A_1345 : i32 to vector<16xi32>
    %eq3A_1347 = arith.cmpi eq, %iota3A, %eq3A_1346 : vector<16xi32>
    %select_n3A_1348 = arith.select %eq3A_1347, %select_n3A_1344, %select_n3A_1142 : vector<16xi1>, vector<16xi32>
    %add3A_1349 = arith.constant 5 : i32
    %add3A_1350 = arith.addi %mul3A_2, %add3A_1349 : i32
    %jit3A_1351 = arith.constant 8 : i32
    %div3A_1352 = arith.divsi %add3A_1350, %jit3A_1351 : i32
    %sign3A_1353 = arith.constant 0 : i32
    %sign3A_1354 = arith.cmpi sgt, %add3A_1350, %sign3A_1353 : i32
    %sign3A_1355 = arith.extui %sign3A_1354 : i1 to i32
    %sign3A_1356 = arith.constant 0 : i32
    %sign3A_1357 = arith.cmpi slt, %add3A_1350, %sign3A_1356 : i32
    %sign3A_1358 = arith.extui %sign3A_1357 : i1 to i32
    %sign3A_1359 = arith.subi %sign3A_1355, %sign3A_1358 : i32
    %sign3A_1360 = arith.constant 0 : i32
    %sign3A_1361 = arith.cmpi sgt, %jit3A_1351, %sign3A_1360 : i32
    %sign3A_1362 = arith.extui %sign3A_1361 : i1 to i32
    %sign3A_1363 = arith.constant 0 : i32
    %sign3A_1364 = arith.cmpi slt, %jit3A_1351, %sign3A_1363 : i32
    %sign3A_1365 = arith.extui %sign3A_1364 : i1 to i32
    %sign3A_1366 = arith.subi %sign3A_1362, %sign3A_1365 : i32
    %ne3A_1367 = arith.cmpi ne, %sign3A_1359, %sign3A_1366 : i32
    %rem3A_1368 = arith.remsi %add3A_1350, %jit3A_1351 : i32
    %ne3A_1369 = arith.constant 0 : i32
    %ne3A_1370 = arith.cmpi ne, %rem3A_1368, %ne3A_1369 : i32
    %and3A_1371 = arith.andi %ne3A_1367, %ne3A_1370 : i1
    %sub3A_1372 = arith.constant 1 : i32
    %sub3A_1373 = arith.subi %div3A_1352, %sub3A_1372 : i32
    %select_n3A_1374 = arith.select %and3A_1371, %sub3A_1373, %div3A_1352 : i32
    %jit3A_1375 = arith.constant 8 : i32
    %eq3A_1376 = arith.constant 0 : i32
    %eq3A_1377 = arith.cmpi eq, %jit3A_1375, %eq3A_1376 : i32
    %jit3A_1378 = arith.constant 1 : i32
    %select_n3A_1379 = arith.select %eq3A_1377, %jit3A_1378, %jit3A_1375 : i32
    %rem3A_1380 = arith.remsi %add3A_1350, %select_n3A_1379 : i32
    %ne3A_1381 = arith.constant 0 : i32
    %ne3A_1382 = arith.cmpi ne, %rem3A_1380, %ne3A_1381 : i32
    %lt3A_1383 = arith.constant 0 : i32
    %lt3A_1384 = arith.cmpi slt, %rem3A_1380, %lt3A_1383 : i32
    %lt3A_1385 = arith.constant 0 : i32
    %lt3A_1386 = arith.cmpi slt, %select_n3A_1379, %lt3A_1385 : i32
    %ne3A_1387 = arith.xori %lt3A_1384, %lt3A_1386 : i1
    %and3A_1388 = arith.andi %ne3A_1387, %ne3A_1382 : i1
    %add3A_1389 = arith.addi %rem3A_1380, %select_n3A_1379 : i32
    %select_n3A_1390 = arith.select %and3A_1388, %add3A_1389, %rem3A_1380 : i32
    %dma_wait3A_1391 = arith.constant 5 : i32
    %dma_wait3A_1392 = arith.constant 0 : i32
    %dma_wait3A_1393 = tpu.memref_slice %arg4[%dma_wait3A_1391, %dma_wait3A_1392] : memref<6x8192xf32, #tpu.memory_space<vmem>> -> memref<1x8192xf32, #tpu.memory_space<vmem>>
    %dma_wait3A_1394 = tpu.memref_squeeze %dma_wait3A_1393 : memref<1x8192xf32, #tpu.memory_space<vmem>> -> memref<8192xf32, #tpu.memory_space<vmem>>
    %dma_wait3A_1395 = arith.constant 0 : i32
    %dma_wait3A_1396 = tpu.memref_slice %arg2[%select_n3A_1374, %select_n3A_1390, %dma_wait3A_1395] : memref<32x8x8192xf32, #tpu.memory_space<hbm>> -> memref<1x1x8192xf32, #tpu.memory_space<hbm>>
    %dma_wait3A_1397 = tpu.memref_squeeze %dma_wait3A_1396 : memref<1x1x8192xf32, #tpu.memory_space<hbm>> -> memref<8192xf32, #tpu.memory_space<hbm>>
    %dma_wait3A_1398 = arith.constant 0 : i32
    %dma_wait3A_1399 = tpu.memref_slice %arg4[%dma_wait3A_1391, %dma_wait3A_1398] : memref<6x8192xf32, #tpu.memory_space<vmem>> -> memref<1x8192xf32, #tpu.memory_space<vmem>>
    %dma_wait3A_1400 = tpu.memref_squeeze %dma_wait3A_1399 : memref<1x8192xf32, #tpu.memory_space<vmem>> -> memref<8192xf32, #tpu.memory_space<vmem>>
    %dma_wait3A_1401 = arith.constant 0 : i32
    %dma_wait3A_1402 = tpu.memref_slice %arg2[%select_n3A_1374, %select_n3A_1390, %dma_wait3A_1401] : memref<32x8x8192xf32, #tpu.memory_space<hbm>> -> memref<1x1x8192xf32, #tpu.memory_space<hbm>>
    %dma_wait3A_1403 = tpu.memref_squeeze %dma_wait3A_1402 : memref<1x1x8192xf32, #tpu.memory_space<hbm>> -> memref<8192xf32, #tpu.memory_space<hbm>>
    tpu.wait_dma2 semaphore(%arg7 : memref<!tpu.dma_semaphore, #tpu.memory_space<semaphore_mem>>) src(%dma_wait3A_1403 : memref<8192xf32, #tpu.memory_space<hbm>>) dst(%dma_wait3A_1400 : memref<8192xf32, #tpu.memory_space<vmem>>)
    %broadcast_in_dim3A_1404 = arith.constant 0x7F800000 : f32
    %broadcast_in_dim3A_1405 = vector.broadcast %broadcast_in_dim3A_1404 : f32 to vector<16xf32>
    %broadcast_in_dim3A_1406 = arith.constant 0x7F800000 : f32
    %broadcast_in_dim3A_1407 = vector.broadcast %broadcast_in_dim3A_1406 : f32 to vector<16xf32>
    %broadcast_in_dim3A_1408 = arith.constant 0x7F800000 : f32
    %broadcast_in_dim3A_1409 = vector.broadcast %broadcast_in_dim3A_1408 : f32 to vector<16xf32>
    %broadcast_in_dim3A_1410 = arith.constant 0x7F800000 : f32
    %broadcast_in_dim3A_1411 = vector.broadcast %broadcast_in_dim3A_1410 : f32 to vector<16xf32>
    %broadcast_in_dim3A_1412 = arith.constant 0 : i32
    %broadcast_in_dim3A_1413 = vector.broadcast %broadcast_in_dim3A_1412 : i32 to vector<16xi32>
    %broadcast_in_dim3A_1414 = arith.constant 0 : i32
    %broadcast_in_dim3A_1415 = vector.broadcast %broadcast_in_dim3A_1414 : i32 to vector<16xi32>
    %broadcast_in_dim3A_1416 = arith.constant 0 : i32
    %broadcast_in_dim3A_1417 = vector.broadcast %broadcast_in_dim3A_1416 : i32 to vector<16xi32>
    %broadcast_in_dim3A_1418 = arith.constant 0 : i32
    %broadcast_in_dim3A_1419 = vector.broadcast %broadcast_in_dim3A_1418 : i32 to vector<16xi32>
    %scan3A_1420 = arith.constant 0 : i32
    %scan3A_1421 = arith.constant 128 : i32
    %scan3A_1422 = arith.addi %scan3A_1420, %scan3A_1421 : i32
    %scan3A_1423 = arith.constant 4 : i32
    %scan3A_1424:8 = scf.for %scan3A_1561 = %scan3A_1420 to %scan3A_1422 step %scan3A_1423 iter_args(%scan3A_1562 = %broadcast_in_dim3A_1405, %scan3A_1563 = %broadcast_in_dim3A_1407, %scan3A_1564 = %broadcast_in_dim3A_1409, %scan3A_1565 = %broadcast_in_dim3A_1411, %scan3A_1566 = %broadcast_in_dim3A_1413, %scan3A_1567 = %broadcast_in_dim3A_1415, %scan3A_1568 = %broadcast_in_dim3A_1417, %scan3A_1569 = %broadcast_in_dim3A_1419) -> (vector<16xf32>, vector<16xf32>, vector<16xf32>, vector<16xf32>, vector<16xi32>, vector<16xi32>, vector<16xi32>, vector<16xi32>)  : i32 {
      %broadcast_in_dim3A_1570 = vector.broadcast %scan3A_1561 : i32 to vector<16xi32>
      %mul3A_1571 = arith.constant 64 : i32
      %mul3A_1572 = arith.muli %scan3A_1561, %mul3A_1571 : i32
      %add3A_1573 = arith.constant 0 : i32
      %add3A_1574 = arith.addi %mul3A_1572, %add3A_1573 : i32
      %get3A = arith.constant 5 : i32
      %get3A_1575 = arith.index_cast %get3A : i32 to index
      %get3A_1576 = arith.index_cast %add3A_1574 : i32 to index
      %get3A_1577 = tpu.vector_load %arg4[%get3A_1575, %get3A_1576] {strides = array<i32>} : memref<6x8192xf32, #tpu.memory_space<vmem>>, vector<1x16xf32>,
      %get3A_1578 = vector.shape_cast %get3A_1577 : vector<1x16xf32> to vector<16xf32>
      %lt3A_1579 = arith.cmpf olt, %get3A_1578, %scan3A_1562 : vector<16xf32>
      %min3A = arith.minimumf %get3A_1578, %scan3A_1562 : vector<16xf32>
      %select_n3A_1580 = arith.select %lt3A_1579, %broadcast_in_dim3A_1570, %scan3A_1566 : vector<16xi1>, vector<16xi32>
      %mul3A_1581 = arith.constant 64 : i32
      %mul3A_1582 = arith.muli %scan3A_1561, %mul3A_1581 : i32
      %add3A_1583 = arith.constant 16 : i32
      %add3A_1584 = arith.addi %mul3A_1582, %add3A_1583 : i32
      %get3A_1585 = arith.constant 5 : i32
      %get3A_1586 = arith.index_cast %get3A_1585 : i32 to index
      %get3A_1587 = arith.index_cast %add3A_1584 : i32 to index
      %get3A_1588 = tpu.vector_load %arg4[%get3A_1586, %get3A_1587] {strides = array<i32>} : memref<6x8192xf32, #tpu.memory_space<vmem>>, vector<1x16xf32>,
      %get3A_1589 = vector.shape_cast %get3A_1588 : vector<1x16xf32> to vector<16xf32>
      %lt3A_1590 = arith.cmpf olt, %get3A_1589, %scan3A_1563 : vector<16xf32>
      %min3A_1591 = arith.minimumf %get3A_1589, %scan3A_1563 : vector<16xf32>
      %select_n3A_1592 = arith.select %lt3A_1590, %broadcast_in_dim3A_1570, %scan3A_1567 : vector<16xi1>, vector<16xi32>
      %mul3A_1593 = arith.constant 64 : i32
      %mul3A_1594 = arith.muli %scan3A_1561, %mul3A_1593 : i32
      %add3A_1595 = arith.constant 32 : i32
      %add3A_1596 = arith.addi %mul3A_1594, %add3A_1595 : i32
      %get3A_1597 = arith.constant 5 : i32
      %get3A_1598 = arith.index_cast %get3A_1597 : i32 to index
      %get3A_1599 = arith.index_cast %add3A_1596 : i32 to index
      %get3A_1600 = tpu.vector_load %arg4[%get3A_1598, %get3A_1599] {strides = array<i32>} : memref<6x8192xf32, #tpu.memory_space<vmem>>, vector<1x16xf32>,
      %get3A_1601 = vector.shape_cast %get3A_1600 : vector<1x16xf32> to vector<16xf32>
      %lt3A_1602 = arith.cmpf olt, %get3A_1601, %scan3A_1564 : vector<16xf32>
      %min3A_1603 = arith.minimumf %get3A_1601, %scan3A_1564 : vector<16xf32>
      %select_n3A_1604 = arith.select %lt3A_1602, %broadcast_in_dim3A_1570, %scan3A_1568 : vector<16xi1>, vector<16xi32>
      %mul3A_1605 = arith.constant 64 : i32
      %mul3A_1606 = arith.muli %scan3A_1561, %mul3A_1605 : i32
      %add3A_1607 = arith.constant 48 : i32
      %add3A_1608 = arith.addi %mul3A_1606, %add3A_1607 : i32
      %get3A_1609 = arith.constant 5 : i32
      %get3A_1610 = arith.index_cast %get3A_1609 : i32 to index
      %get3A_1611 = arith.index_cast %add3A_1608 : i32 to index
      %get3A_1612 = tpu.vector_load %arg4[%get3A_1610, %get3A_1611] {strides = array<i32>} : memref<6x8192xf32, #tpu.memory_space<vmem>>, vector<1x16xf32>,
      %get3A_1613 = vector.shape_cast %get3A_1612 : vector<1x16xf32> to vector<16xf32>
      %lt3A_1614 = arith.cmpf olt, %get3A_1613, %scan3A_1565 : vector<16xf32>
      %min3A_1615 = arith.minimumf %get3A_1613, %scan3A_1565 : vector<16xf32>
      %select_n3A_1616 = arith.select %lt3A_1614, %broadcast_in_dim3A_1570, %scan3A_1569 : vector<16xi1>, vector<16xi32>
      %scan3A_1617 = arith.constant 1 : i32
      %scan3A_1618 = arith.addi %scan3A_1561, %scan3A_1617 : i32
      %broadcast_in_dim3A_1619 = vector.broadcast %scan3A_1618 : i32 to vector<16xi32>
      %mul3A_1620 = arith.constant 64 : i32
      %mul3A_1621 = arith.muli %scan3A_1618, %mul3A_1620 : i32
      %add3A_1622 = arith.constant 0 : i32
      %add3A_1623 = arith.addi %mul3A_1621, %add3A_1622 : i32
      %get3A_1624 = arith.constant 5 : i32
      %get3A_1625 = arith.index_cast %get3A_1624 : i32 to index
      %get3A_1626 = arith.index_cast %add3A_1623 : i32 to index
      %get3A_1627 = tpu.vector_load %arg4[%get3A_1625, %get3A_1626] {strides = array<i32>} : memref<6x8192xf32, #tpu.memory_space<vmem>>, vector<1x16xf32>,
      %get3A_1628 = vector.shape_cast %get3A_1627 : vector<1x16xf32> to vector<16xf32>
      %lt3A_1629 = arith.cmpf olt, %get3A_1628, %min3A : vector<16xf32>
      %min3A_1630 = arith.minimumf %get3A_1628, %min3A : vector<16xf32>
      %select_n3A_1631 = arith.select %lt3A_1629, %broadcast_in_dim3A_1619, %select_n3A_1580 : vector<16xi1>, vector<16xi32>
      %mul3A_1632 = arith.constant 64 : i32
      %mul3A_1633 = arith.muli %scan3A_1618, %mul3A_1632 : i32
      %add3A_1634 = arith.constant 16 : i32
      %add3A_1635 = arith.addi %mul3A_1633, %add3A_1634 : i32
      %get3A_1636 = arith.constant 5 : i32
      %get3A_1637 = arith.index_cast %get3A_1636 : i32 to index
      %get3A_1638 = arith.index_cast %add3A_1635 : i32 to index
      %get3A_1639 = tpu.vector_load %arg4[%get3A_1637, %get3A_1638] {strides = array<i32>} : memref<6x8192xf32, #tpu.memory_space<vmem>>, vector<1x16xf32>,
      %get3A_1640 = vector.shape_cast %get3A_1639 : vector<1x16xf32> to vector<16xf32>
      %lt3A_1641 = arith.cmpf olt, %get3A_1640, %min3A_1591 : vector<16xf32>
      %min3A_1642 = arith.minimumf %get3A_1640, %min3A_1591 : vector<16xf32>
      %select_n3A_1643 = arith.select %lt3A_1641, %broadcast_in_dim3A_1619, %select_n3A_1592 : vector<16xi1>, vector<16xi32>
      %mul3A_1644 = arith.constant 64 : i32
      %mul3A_1645 = arith.muli %scan3A_1618, %mul3A_1644 : i32
      %add3A_1646 = arith.constant 32 : i32
      %add3A_1647 = arith.addi %mul3A_1645, %add3A_1646 : i32
      %get3A_1648 = arith.constant 5 : i32
      %get3A_1649 = arith.index_cast %get3A_1648 : i32 to index
      %get3A_1650 = arith.index_cast %add3A_1647 : i32 to index
      %get3A_1651 = tpu.vector_load %arg4[%get3A_1649, %get3A_1650] {strides = array<i32>} : memref<6x8192xf32, #tpu.memory_space<vmem>>, vector<1x16xf32>,
      %get3A_1652 = vector.shape_cast %get3A_1651 : vector<1x16xf32> to vector<16xf32>
      %lt3A_1653 = arith.cmpf olt, %get3A_1652, %min3A_1603 : vector<16xf32>
      %min3A_1654 = arith.minimumf %get3A_1652, %min3A_1603 : vector<16xf32>
      %select_n3A_1655 = arith.select %lt3A_1653, %broadcast_in_dim3A_1619, %select_n3A_1604 : vector<16xi1>, vector<16xi32>
      %mul3A_1656 = arith.constant 64 : i32
      %mul3A_1657 = arith.muli %scan3A_1618, %mul3A_1656 : i32
      %add3A_1658 = arith.constant 48 : i32
      %add3A_1659 = arith.addi %mul3A_1657, %add3A_1658 : i32
      %get3A_1660 = arith.constant 5 : i32
      %get3A_1661 = arith.index_cast %get3A_1660 : i32 to index
      %get3A_1662 = arith.index_cast %add3A_1659 : i32 to index
      %get3A_1663 = tpu.vector_load %arg4[%get3A_1661, %get3A_1662] {strides = array<i32>} : memref<6x8192xf32, #tpu.memory_space<vmem>>, vector<1x16xf32>,
      %get3A_1664 = vector.shape_cast %get3A_1663 : vector<1x16xf32> to vector<16xf32>
      %lt3A_1665 = arith.cmpf olt, %get3A_1664, %min3A_1615 : vector<16xf32>
      %min3A_1666 = arith.minimumf %get3A_1664, %min3A_1615 : vector<16xf32>
      %select_n3A_1667 = arith.select %lt3A_1665, %broadcast_in_dim3A_1619, %select_n3A_1616 : vector<16xi1>, vector<16xi32>
      %scan3A_1668 = arith.constant 2 : i32
      %scan3A_1669 = arith.addi %scan3A_1561, %scan3A_1668 : i32
      %broadcast_in_dim3A_1670 = vector.broadcast %scan3A_1669 : i32 to vector<16xi32>
      %mul3A_1671 = arith.constant 64 : i32
      %mul3A_1672 = arith.muli %scan3A_1669, %mul3A_1671 : i32
      %add3A_1673 = arith.constant 0 : i32
      %add3A_1674 = arith.addi %mul3A_1672, %add3A_1673 : i32
      %get3A_1675 = arith.constant 5 : i32
      %get3A_1676 = arith.index_cast %get3A_1675 : i32 to index
      %get3A_1677 = arith.index_cast %add3A_1674 : i32 to index
      %get3A_1678 = tpu.vector_load %arg4[%get3A_1676, %get3A_1677] {strides = array<i32>} : memref<6x8192xf32, #tpu.memory_space<vmem>>, vector<1x16xf32>,
      %get3A_1679 = vector.shape_cast %get3A_1678 : vector<1x16xf32> to vector<16xf32>
      %lt3A_1680 = arith.cmpf olt, %get3A_1679, %min3A_1630 : vector<16xf32>
      %min3A_1681 = arith.minimumf %get3A_1679, %min3A_1630 : vector<16xf32>
      %select_n3A_1682 = arith.select %lt3A_1680, %broadcast_in_dim3A_1670, %select_n3A_1631 : vector<16xi1>, vector<16xi32>
      %mul3A_1683 = arith.constant 64 : i32
      %mul3A_1684 = arith.muli %scan3A_1669, %mul3A_1683 : i32
      %add3A_1685 = arith.constant 16 : i32
      %add3A_1686 = arith.addi %mul3A_1684, %add3A_1685 : i32
      %get3A_1687 = arith.constant 5 : i32
      %get3A_1688 = arith.index_cast %get3A_1687 : i32 to index
      %get3A_1689 = arith.index_cast %add3A_1686 : i32 to index
      %get3A_1690 = tpu.vector_load %arg4[%get3A_1688, %get3A_1689] {strides = array<i32>} : memref<6x8192xf32, #tpu.memory_space<vmem>>, vector<1x16xf32>,
      %get3A_1691 = vector.shape_cast %get3A_1690 : vector<1x16xf32> to vector<16xf32>
      %lt3A_1692 = arith.cmpf olt, %get3A_1691, %min3A_1642 : vector<16xf32>
      %min3A_1693 = arith.minimumf %get3A_1691, %min3A_1642 : vector<16xf32>
      %select_n3A_1694 = arith.select %lt3A_1692, %broadcast_in_dim3A_1670, %select_n3A_1643 : vector<16xi1>, vector<16xi32>
      %mul3A_1695 = arith.constant 64 : i32
      %mul3A_1696 = arith.muli %scan3A_1669, %mul3A_1695 : i32
      %add3A_1697 = arith.constant 32 : i32
      %add3A_1698 = arith.addi %mul3A_1696, %add3A_1697 : i32
      %get3A_1699 = arith.constant 5 : i32
      %get3A_1700 = arith.index_cast %get3A_1699 : i32 to index
      %get3A_1701 = arith.index_cast %add3A_1698 : i32 to index
      %get3A_1702 = tpu.vector_load %arg4[%get3A_1700, %get3A_1701] {strides = array<i32>} : memref<6x8192xf32, #tpu.memory_space<vmem>>, vector<1x16xf32>,
      %get3A_1703 = vector.shape_cast %get3A_1702 : vector<1x16xf32> to vector<16xf32>
      %lt3A_1704 = arith.cmpf olt, %get3A_1703, %min3A_1654 : vector<16xf32>
      %min3A_1705 = arith.minimumf %get3A_1703, %min3A_1654 : vector<16xf32>
      %select_n3A_1706 = arith.select %lt3A_1704, %broadcast_in_dim3A_1670, %select_n3A_1655 : vector<16xi1>, vector<16xi32>
      %mul3A_1707 = arith.constant 64 : i32
      %mul3A_1708 = arith.muli %scan3A_1669, %mul3A_1707 : i32
      %add3A_1709 = arith.constant 48 : i32
      %add3A_1710 = arith.addi %mul3A_1708, %add3A_1709 : i32
      %get3A_1711 = arith.constant 5 : i32
      %get3A_1712 = arith.index_cast %get3A_1711 : i32 to index
      %get3A_1713 = arith.index_cast %add3A_1710 : i32 to index
      %get3A_1714 = tpu.vector_load %arg4[%get3A_1712, %get3A_1713] {strides = array<i32>} : memref<6x8192xf32, #tpu.memory_space<vmem>>, vector<1x16xf32>,
      %get3A_1715 = vector.shape_cast %get3A_1714 : vector<1x16xf32> to vector<16xf32>
      %lt3A_1716 = arith.cmpf olt, %get3A_1715, %min3A_1666 : vector<16xf32>
      %min3A_1717 = arith.minimumf %get3A_1715, %min3A_1666 : vector<16xf32>
      %select_n3A_1718 = arith.select %lt3A_1716, %broadcast_in_dim3A_1670, %select_n3A_1667 : vector<16xi1>, vector<16xi32>
      %scan3A_1719 = arith.constant 3 : i32
      %scan3A_1720 = arith.addi %scan3A_1561, %scan3A_1719 : i32
      %broadcast_in_dim3A_1721 = vector.broadcast %scan3A_1720 : i32 to vector<16xi32>
      %mul3A_1722 = arith.constant 64 : i32
      %mul3A_1723 = arith.muli %scan3A_1720, %mul3A_1722 : i32
      %add3A_1724 = arith.constant 0 : i32
      %add3A_1725 = arith.addi %mul3A_1723, %add3A_1724 : i32
      %get3A_1726 = arith.constant 5 : i32
      %get3A_1727 = arith.index_cast %get3A_1726 : i32 to index
      %get3A_1728 = arith.index_cast %add3A_1725 : i32 to index
      %get3A_1729 = tpu.vector_load %arg4[%get3A_1727, %get3A_1728] {strides = array<i32>} : memref<6x8192xf32, #tpu.memory_space<vmem>>, vector<1x16xf32>,
      %get3A_1730 = vector.shape_cast %get3A_1729 : vector<1x16xf32> to vector<16xf32>
      %lt3A_1731 = arith.cmpf olt, %get3A_1730, %min3A_1681 : vector<16xf32>
      %min3A_1732 = arith.minimumf %get3A_1730, %min3A_1681 : vector<16xf32>
      %select_n3A_1733 = arith.select %lt3A_1731, %broadcast_in_dim3A_1721, %select_n3A_1682 : vector<16xi1>, vector<16xi32>
      %mul3A_1734 = arith.constant 64 : i32
      %mul3A_1735 = arith.muli %scan3A_1720, %mul3A_1734 : i32
      %add3A_1736 = arith.constant 16 : i32
      %add3A_1737 = arith.addi %mul3A_1735, %add3A_1736 : i32
      %get3A_1738 = arith.constant 5 : i32
      %get3A_1739 = arith.index_cast %get3A_1738 : i32 to index
      %get3A_1740 = arith.index_cast %add3A_1737 : i32 to index
      %get3A_1741 = tpu.vector_load %arg4[%get3A_1739, %get3A_1740] {strides = array<i32>} : memref<6x8192xf32, #tpu.memory_space<vmem>>, vector<1x16xf32>,
      %get3A_1742 = vector.shape_cast %get3A_1741 : vector<1x16xf32> to vector<16xf32>
      %lt3A_1743 = arith.cmpf olt, %get3A_1742, %min3A_1693 : vector<16xf32>
      %min3A_1744 = arith.minimumf %get3A_1742, %min3A_1693 : vector<16xf32>
      %select_n3A_1745 = arith.select %lt3A_1743, %broadcast_in_dim3A_1721, %select_n3A_1694 : vector<16xi1>, vector<16xi32>
      %mul3A_1746 = arith.constant 64 : i32
      %mul3A_1747 = arith.muli %scan3A_1720, %mul3A_1746 : i32
      %add3A_1748 = arith.constant 32 : i32
      %add3A_1749 = arith.addi %mul3A_1747, %add3A_1748 : i32
      %get3A_1750 = arith.constant 5 : i32
      %get3A_1751 = arith.index_cast %get3A_1750 : i32 to index
      %get3A_1752 = arith.index_cast %add3A_1749 : i32 to index
      %get3A_1753 = tpu.vector_load %arg4[%get3A_1751, %get3A_1752] {strides = array<i32>} : memref<6x8192xf32, #tpu.memory_space<vmem>>, vector<1x16xf32>,
      %get3A_1754 = vector.shape_cast %get3A_1753 : vector<1x16xf32> to vector<16xf32>
      %lt3A_1755 = arith.cmpf olt, %get3A_1754, %min3A_1705 : vector<16xf32>
      %min3A_1756 = arith.minimumf %get3A_1754, %min3A_1705 : vector<16xf32>
      %select_n3A_1757 = arith.select %lt3A_1755, %broadcast_in_dim3A_1721, %select_n3A_1706 : vector<16xi1>, vector<16xi32>
      %mul3A_1758 = arith.constant 64 : i32
      %mul3A_1759 = arith.muli %scan3A_1720, %mul3A_1758 : i32
      %add3A_1760 = arith.constant 48 : i32
      %add3A_1761 = arith.addi %mul3A_1759, %add3A_1760 : i32
      %get3A_1762 = arith.constant 5 : i32
      %get3A_1763 = arith.index_cast %get3A_1762 : i32 to index
      %get3A_1764 = arith.index_cast %add3A_1761 : i32 to index
      %get3A_1765 = tpu.vector_load %arg4[%get3A_1763, %get3A_1764] {strides = array<i32>} : memref<6x8192xf32, #tpu.memory_space<vmem>>, vector<1x16xf32>,
      %get3A_1766 = vector.shape_cast %get3A_1765 : vector<1x16xf32> to vector<16xf32>
      %lt3A_1767 = arith.cmpf olt, %get3A_1766, %min3A_1717 : vector<16xf32>
      %min3A_1768 = arith.minimumf %get3A_1766, %min3A_1717 : vector<16xf32>
      %select_n3A_1769 = arith.select %lt3A_1767, %broadcast_in_dim3A_1721, %select_n3A_1718 : vector<16xi1>, vector<16xi32>
      scf.yield %min3A_1732, %min3A_1744, %min3A_1756, %min3A_1768, %select_n3A_1733, %select_n3A_1745, %select_n3A_1757, %select_n3A_1769 : vector<16xf32>, vector<16xf32>, vector<16xf32>, vector<16xf32>, vector<16xi32>, vector<16xi32>, vector<16xi32>, vector<16xi32>
    }
    %scan3A_1425 = arith.constant 128 : i32
    %mul3A_1426 = arith.constant 64 : i32
    %mul3A_1427 = vector.broadcast %mul3A_1426 : i32 to vector<16xi32>
    %mul3A_1428 = arith.muli %scan3A_1424#4, %mul3A_1427 : vector<16xi32>
    %add3A_1429 = arith.constant 0 : i32
    %add3A_1430 = vector.broadcast %add3A_1429 : i32 to vector<16xi32>
    %add3A_1431 = arith.addi %mul3A_1428, %add3A_1430 : vector<16xi32>
    %add3A_1432 = arith.addi %add3A_1431, %iota3A : vector<16xi32>
    %mul3A_1433 = arith.constant 64 : i32
    %mul3A_1434 = vector.broadcast %mul3A_1433 : i32 to vector<16xi32>
    %mul3A_1435 = arith.muli %scan3A_1424#5, %mul3A_1434 : vector<16xi32>
    %add3A_1436 = arith.constant 16 : i32
    %add3A_1437 = vector.broadcast %add3A_1436 : i32 to vector<16xi32>
    %add3A_1438 = arith.addi %mul3A_1435, %add3A_1437 : vector<16xi32>
    %add3A_1439 = arith.addi %add3A_1438, %iota3A : vector<16xi32>
    %mul3A_1440 = arith.constant 64 : i32
    %mul3A_1441 = vector.broadcast %mul3A_1440 : i32 to vector<16xi32>
    %mul3A_1442 = arith.muli %scan3A_1424#6, %mul3A_1441 : vector<16xi32>
    %add3A_1443 = arith.constant 32 : i32
    %add3A_1444 = vector.broadcast %add3A_1443 : i32 to vector<16xi32>
    %add3A_1445 = arith.addi %mul3A_1442, %add3A_1444 : vector<16xi32>
    %add3A_1446 = arith.addi %add3A_1445, %iota3A : vector<16xi32>
    %mul3A_1447 = arith.constant 64 : i32
    %mul3A_1448 = vector.broadcast %mul3A_1447 : i32 to vector<16xi32>
    %mul3A_1449 = arith.muli %scan3A_1424#7, %mul3A_1448 : vector<16xi32>
    %add3A_1450 = arith.constant 48 : i32
    %add3A_1451 = vector.broadcast %add3A_1450 : i32 to vector<16xi32>
    %add3A_1452 = arith.addi %mul3A_1449, %add3A_1451 : vector<16xi32>
    %add3A_1453 = arith.addi %add3A_1452, %iota3A : vector<16xi32>
    %lt3A_1454 = arith.cmpf olt, %scan3A_1424#2, %scan3A_1424#0 : vector<16xf32>
    %eq3A_1455 = arith.cmpf oeq, %scan3A_1424#2, %scan3A_1424#0 : vector<16xf32>
    %lt3A_1456 = arith.cmpi slt, %add3A_1446, %add3A_1432 : vector<16xi32>
    %and3A_1457 = arith.andi %eq3A_1455, %lt3A_1456 : vector<16xi1>
    %or3A_1458 = arith.ori %lt3A_1454, %and3A_1457 : vector<16xi1>
    %select_n3A_1459 = arith.select %or3A_1458, %scan3A_1424#2, %scan3A_1424#0 : vector<16xi1>, vector<16xf32>
    %select_n3A_1460 = arith.select %or3A_1458, %add3A_1446, %add3A_1432 : vector<16xi1>, vector<16xi32>
    %lt3A_1461 = arith.cmpf olt, %scan3A_1424#3, %scan3A_1424#1 : vector<16xf32>
    %eq3A_1462 = arith.cmpf oeq, %scan3A_1424#3, %scan3A_1424#1 : vector<16xf32>
    %lt3A_1463 = arith.cmpi slt, %add3A_1453, %add3A_1439 : vector<16xi32>
    %and3A_1464 = arith.andi %eq3A_1462, %lt3A_1463 : vector<16xi1>
    %or3A_1465 = arith.ori %lt3A_1461, %and3A_1464 : vector<16xi1>
    %select_n3A_1466 = arith.select %or3A_1465, %scan3A_1424#3, %scan3A_1424#1 : vector<16xi1>, vector<16xf32>
    %select_n3A_1467 = arith.select %or3A_1465, %add3A_1453, %add3A_1439 : vector<16xi1>, vector<16xi32>
    %lt3A_1468 = arith.cmpf olt, %select_n3A_1466, %select_n3A_1459 : vector<16xf32>
    %eq3A_1469 = arith.cmpf oeq, %select_n3A_1466, %select_n3A_1459 : vector<16xf32>
    %lt3A_1470 = arith.cmpi slt, %select_n3A_1467, %select_n3A_1460 : vector<16xi32>
    %and3A_1471 = arith.andi %eq3A_1469, %lt3A_1470 : vector<16xi1>
    %or3A_1472 = arith.ori %lt3A_1468, %and3A_1471 : vector<16xi1>
    %select_n3A_1473 = arith.select %or3A_1472, %select_n3A_1466, %select_n3A_1459 : vector<16xi1>, vector<16xf32>
    %select_n3A_1474 = arith.select %or3A_1472, %select_n3A_1467, %select_n3A_1460 : vector<16xi1>, vector<16xi32>
    %add3A_1475 = arith.constant 8 : i32
    %add3A_1476 = vector.broadcast %add3A_1475 : i32 to vector<16xi32>
    %add3A_1477 = arith.addi %iota3A, %add3A_1476 : vector<16xi32>
    %and3A_1478 = arith.constant 15 : i32
    %and3A_1479 = vector.broadcast %and3A_1478 : i32 to vector<16xi32>
    %and3A_1480 = arith.andi %add3A_1477, %and3A_1479 : vector<16xi32>
    %broadcast_in_dim3A_1481 = vector.shape_cast %and3A_1480 : vector<16xi32> to vector<16x1xi32>
    %gather3A_1482 = vector.shape_cast %broadcast_in_dim3A_1481 : vector<16x1xi32> to vector<16xi32>
    %gather3A_1483 = tpu.dynamic_gather %select_n3A_1473[%gather3A_1482] in [0] : vector<16xf32>, vector<16xi32> -> vector<16xf32>
    %broadcast_in_dim3A_1484 = vector.shape_cast %and3A_1480 : vector<16xi32> to vector<16x1xi32>
    %gather3A_1485 = vector.shape_cast %broadcast_in_dim3A_1484 : vector<16x1xi32> to vector<16xi32>
    %gather3A_1486 = tpu.dynamic_gather %select_n3A_1474[%gather3A_1485] in [0] : vector<16xi32>, vector<16xi32> -> vector<16xi32>
    %lt3A_1487 = arith.cmpf olt, %gather3A_1483, %select_n3A_1473 : vector<16xf32>
    %eq3A_1488 = arith.cmpf oeq, %gather3A_1483, %select_n3A_1473 : vector<16xf32>
    %lt3A_1489 = arith.cmpi slt, %gather3A_1486, %select_n3A_1474 : vector<16xi32>
    %and3A_1490 = arith.andi %eq3A_1488, %lt3A_1489 : vector<16xi1>
    %or3A_1491 = arith.ori %lt3A_1487, %and3A_1490 : vector<16xi1>
    %select_n3A_1492 = arith.select %or3A_1491, %gather3A_1483, %select_n3A_1473 : vector<16xi1>, vector<16xf32>
    %select_n3A_1493 = arith.select %or3A_1491, %gather3A_1486, %select_n3A_1474 : vector<16xi1>, vector<16xi32>
    %add3A_1494 = arith.constant 4 : i32
    %add3A_1495 = vector.broadcast %add3A_1494 : i32 to vector<16xi32>
    %add3A_1496 = arith.addi %iota3A, %add3A_1495 : vector<16xi32>
    %and3A_1497 = arith.constant 15 : i32
    %and3A_1498 = vector.broadcast %and3A_1497 : i32 to vector<16xi32>
    %and3A_1499 = arith.andi %add3A_1496, %and3A_1498 : vector<16xi32>
    %broadcast_in_dim3A_1500 = vector.shape_cast %and3A_1499 : vector<16xi32> to vector<16x1xi32>
    %gather3A_1501 = vector.shape_cast %broadcast_in_dim3A_1500 : vector<16x1xi32> to vector<16xi32>
    %gather3A_1502 = tpu.dynamic_gather %select_n3A_1492[%gather3A_1501] in [0] : vector<16xf32>, vector<16xi32> -> vector<16xf32>
    %broadcast_in_dim3A_1503 = vector.shape_cast %and3A_1499 : vector<16xi32> to vector<16x1xi32>
    %gather3A_1504 = vector.shape_cast %broadcast_in_dim3A_1503 : vector<16x1xi32> to vector<16xi32>
    %gather3A_1505 = tpu.dynamic_gather %select_n3A_1493[%gather3A_1504] in [0] : vector<16xi32>, vector<16xi32> -> vector<16xi32>
    %lt3A_1506 = arith.cmpf olt, %gather3A_1502, %select_n3A_1492 : vector<16xf32>
    %eq3A_1507 = arith.cmpf oeq, %gather3A_1502, %select_n3A_1492 : vector<16xf32>
    %lt3A_1508 = arith.cmpi slt, %gather3A_1505, %select_n3A_1493 : vector<16xi32>
    %and3A_1509 = arith.andi %eq3A_1507, %lt3A_1508 : vector<16xi1>
    %or3A_1510 = arith.ori %lt3A_1506, %and3A_1509 : vector<16xi1>
    %select_n3A_1511 = arith.select %or3A_1510, %gather3A_1502, %select_n3A_1492 : vector<16xi1>, vector<16xf32>
    %select_n3A_1512 = arith.select %or3A_1510, %gather3A_1505, %select_n3A_1493 : vector<16xi1>, vector<16xi32>
    %add3A_1513 = arith.constant 2 : i32
    %add3A_1514 = vector.broadcast %add3A_1513 : i32 to vector<16xi32>
    %add3A_1515 = arith.addi %iota3A, %add3A_1514 : vector<16xi32>
    %and3A_1516 = arith.constant 15 : i32
    %and3A_1517 = vector.broadcast %and3A_1516 : i32 to vector<16xi32>
    %and3A_1518 = arith.andi %add3A_1515, %and3A_1517 : vector<16xi32>
    %broadcast_in_dim3A_1519 = vector.shape_cast %and3A_1518 : vector<16xi32> to vector<16x1xi32>
    %gather3A_1520 = vector.shape_cast %broadcast_in_dim3A_1519 : vector<16x1xi32> to vector<16xi32>
    %gather3A_1521 = tpu.dynamic_gather %select_n3A_1511[%gather3A_1520] in [0] : vector<16xf32>, vector<16xi32> -> vector<16xf32>
    %broadcast_in_dim3A_1522 = vector.shape_cast %and3A_1518 : vector<16xi32> to vector<16x1xi32>
    %gather3A_1523 = vector.shape_cast %broadcast_in_dim3A_1522 : vector<16x1xi32> to vector<16xi32>
    %gather3A_1524 = tpu.dynamic_gather %select_n3A_1512[%gather3A_1523] in [0] : vector<16xi32>, vector<16xi32> -> vector<16xi32>
    %lt3A_1525 = arith.cmpf olt, %gather3A_1521, %select_n3A_1511 : vector<16xf32>
    %eq3A_1526 = arith.cmpf oeq, %gather3A_1521, %select_n3A_1511 : vector<16xf32>
    %lt3A_1527 = arith.cmpi slt, %gather3A_1524, %select_n3A_1512 : vector<16xi32>
    %and3A_1528 = arith.andi %eq3A_1526, %lt3A_1527 : vector<16xi1>
    %or3A_1529 = arith.ori %lt3A_1525, %and3A_1528 : vector<16xi1>
    %select_n3A_1530 = arith.select %or3A_1529, %gather3A_1521, %select_n3A_1511 : vector<16xi1>, vector<16xf32>
    %select_n3A_1531 = arith.select %or3A_1529, %gather3A_1524, %select_n3A_1512 : vector<16xi1>, vector<16xi32>
    %add3A_1532 = arith.constant 1 : i32
    %add3A_1533 = vector.broadcast %add3A_1532 : i32 to vector<16xi32>
    %add3A_1534 = arith.addi %iota3A, %add3A_1533 : vector<16xi32>
    %and3A_1535 = arith.constant 15 : i32
    %and3A_1536 = vector.broadcast %and3A_1535 : i32 to vector<16xi32>
    %and3A_1537 = arith.andi %add3A_1534, %and3A_1536 : vector<16xi32>
    %broadcast_in_dim3A_1538 = vector.shape_cast %and3A_1537 : vector<16xi32> to vector<16x1xi32>
    %gather3A_1539 = vector.shape_cast %broadcast_in_dim3A_1538 : vector<16x1xi32> to vector<16xi32>
    %gather3A_1540 = tpu.dynamic_gather %select_n3A_1530[%gather3A_1539] in [0] : vector<16xf32>, vector<16xi32> -> vector<16xf32>
    %broadcast_in_dim3A_1541 = vector.shape_cast %and3A_1537 : vector<16xi32> to vector<16x1xi32>
    %gather3A_1542 = vector.shape_cast %broadcast_in_dim3A_1541 : vector<16x1xi32> to vector<16xi32>
    %gather3A_1543 = tpu.dynamic_gather %select_n3A_1531[%gather3A_1542] in [0] : vector<16xi32>, vector<16xi32> -> vector<16xi32>
    %lt3A_1544 = arith.cmpf olt, %gather3A_1540, %select_n3A_1530 : vector<16xf32>
    %eq3A_1545 = arith.cmpf oeq, %gather3A_1540, %select_n3A_1530 : vector<16xf32>
    %lt3A_1546 = arith.cmpi slt, %gather3A_1543, %select_n3A_1531 : vector<16xi32>
    %and3A_1547 = arith.andi %eq3A_1545, %lt3A_1546 : vector<16xi1>
    %or3A_1548 = arith.ori %lt3A_1544, %and3A_1547 : vector<16xi1>
    %select_n3A_1549 = arith.select %or3A_1548, %gather3A_1540, %select_n3A_1530 : vector<16xi1>, vector<16xf32>
    %select_n3A_1550 = arith.select %or3A_1548, %gather3A_1543, %select_n3A_1531 : vector<16xi1>, vector<16xi32>
    %eq3A_1551 = arith.constant 5 : i32
    %eq3A_1552 = vector.broadcast %eq3A_1551 : i32 to vector<16xi32>
    %eq3A_1553 = arith.cmpi eq, %iota3A, %eq3A_1552 : vector<16xi32>
    %select_n3A_1554 = arith.select %eq3A_1553, %select_n3A_1550, %select_n3A_1348 : vector<16xi1>, vector<16xi32>
    %swap3A = arith.constant 0 : index
    %swap3A_1555 = tpu.vector_load %arg5[%swap3A] {strides = array<i32>} : memref<16xi32, #tpu.memory_space<vmem>>, vector<16xi32>,
    %swap3A_1556 = vector.shape_cast %swap3A_1555 : vector<16xi32> to vector<16xi32>
    %swap3A_1557 = vector.shape_cast %select_n3A_1554 : vector<16xi32> to vector<16xi32>
    tpu.vector_store %arg5[%swap3A], %swap3A_1557 {strides = array<i32>} : memref<16xi32, #tpu.memory_space<vmem>>, vector<16xi32>,
    "tpu.region"() ({
      %run_scoped3A = tpu.sem_alloc : memref<!tpu.dma_semaphore, #tpu.memory_space<semaphore_mem>>
      %dma_start3A_1561 = arith.constant 0 : i32
      %dma_start3A_1562 = tpu.memref_slice %arg5[%dma_start3A_1561] : memref<16xi32, #tpu.memory_space<vmem>> -> memref<6xi32, #tpu.memory_space<vmem>>
      %dma_start3A_1563 = arith.constant 0 : i32
      %dma_start3A_1564 = tpu.memref_slice %arg6[%arg1, %dma_start3A_1563] : memref<16x6xi32, #tpu.memory_space<vmem_shared>> -> memref<1x6xi32, #tpu.memory_space<vmem_shared>>
      %dma_start3A_1565 = tpu.memref_squeeze %dma_start3A_1564 : memref<1x6xi32, #tpu.memory_space<vmem_shared>> -> memref<6xi32, #tpu.memory_space<vmem_shared>>
      %dma_start3A_1566 = arith.constant 0 : i32
      %dma_start3A_1567 = tpu.memref_slice %arg6[%arg1, %dma_start3A_1566] : memref<16x6xi32, #tpu.memory_space<vmem_shared>> -> memref<1x6xi32, #tpu.memory_space<vmem_shared>>
      %dma_start3A_1568 = tpu.memref_squeeze %dma_start3A_1567 : memref<1x6xi32, #tpu.memory_space<vmem_shared>> -> memref<6xi32, #tpu.memory_space<vmem_shared>>
      %dma_start3A_1569 = arith.constant 0 : i32
      %dma_start3A_1570 = tpu.memref_slice %arg5[%dma_start3A_1569] : memref<16xi32, #tpu.memory_space<vmem>> -> memref<6xi32, #tpu.memory_space<vmem>>
      tpu.enqueue_dma source(%dma_start3A_1570 : memref<6xi32, #tpu.memory_space<vmem>>) target(%dma_start3A_1568 : memref<6xi32, #tpu.memory_space<vmem_shared>>) target_semaphore(%run_scoped3A : memref<!tpu.dma_semaphore, #tpu.memory_space<semaphore_mem>>)
      %dma_wait3A_1571 = arith.constant 0 : i32
      %dma_wait3A_1572 = tpu.memref_slice %arg5[%dma_wait3A_1571] : memref<16xi32, #tpu.memory_space<vmem>> -> memref<6xi32, #tpu.memory_space<vmem>>
      %dma_wait3A_1573 = arith.constant 0 : i32
      %dma_wait3A_1574 = tpu.memref_slice %arg6[%arg1, %dma_wait3A_1573] : memref<16x6xi32, #tpu.memory_space<vmem_shared>> -> memref<1x6xi32, #tpu.memory_space<vmem_shared>>
      %dma_wait3A_1575 = tpu.memref_squeeze %dma_wait3A_1574 : memref<1x6xi32, #tpu.memory_space<vmem_shared>> -> memref<6xi32, #tpu.memory_space<vmem_shared>>
      %dma_wait3A_1576 = arith.constant 0 : i32
      %dma_wait3A_1577 = tpu.memref_slice %arg6[%arg1, %dma_wait3A_1576] : memref<16x6xi32, #tpu.memory_space<vmem_shared>> -> memref<1x6xi32, #tpu.memory_space<vmem_shared>>
      %dma_wait3A_1578 = tpu.memref_squeeze %dma_wait3A_1577 : memref<1x6xi32, #tpu.memory_space<vmem_shared>> -> memref<6xi32, #tpu.memory_space<vmem_shared>>
      %dma_wait3A_1579 = arith.constant 0 : i32
      %dma_wait3A_1580 = tpu.memref_slice %arg5[%dma_wait3A_1579] : memref<16xi32, #tpu.memory_space<vmem>> -> memref<6xi32, #tpu.memory_space<vmem>>
      tpu.wait_dma2 semaphore(%run_scoped3A : memref<!tpu.dma_semaphore, #tpu.memory_space<semaphore_mem>>) src(%dma_wait3A_1580 : memref<6xi32, #tpu.memory_space<vmem>>) dst(%dma_wait3A_1578 : memref<6xi32, #tpu.memory_space<vmem_shared>>)
      tpu.yield
    }) : () -> ()
    %barrier3A = arith.constant 0 : index
    tpu.barrier barrier_id(%barrier3A)
    %eq3A_1558 = arith.constant 0 : i32
    %eq3A_1559 = arith.cmpi eq, %arg1, %eq3A_1558 : i32
    %convert_element_type3A = arith.extui %eq3A_1559 : i1 to i32
    %cond3A = arith.constant 0 : i32
    %cond3A_1560 = arith.cmpi ne, %convert_element_type3A, %cond3A : i32
    scf.if %cond3A_1560 {
      %mul3A_1561 = arith.constant 16 : i32
      %mul3A_1562 = arith.muli %arg0, %mul3A_1561 : i32
      "tpu.region"() ({
        %run_scoped3A = tpu.sem_alloc : memref<!tpu.dma_semaphore, #tpu.memory_space<semaphore_mem>>
        %dma_start3A_1563 = arith.constant 0 : i32
        %dma_start3A_1564 = tpu.memref_slice %arg3[%mul3A_1562, %dma_start3A_1563] : memref<32x6xi32, #tpu.memory_space<hbm>> -> memref<16x6xi32, #tpu.memory_space<hbm>>
        tpu.enqueue_dma source(%arg6 : memref<16x6xi32, #tpu.memory_space<vmem_shared>>) target(%dma_start3A_1564 : memref<16x6xi32, #tpu.memory_space<hbm>>) target_semaphore(%run_scoped3A : memref<!tpu.dma_semaphore, #tpu.memory_space<semaphore_mem>>)
        %dma_wait3A_1565 = arith.constant 0 : i32
        %dma_wait3A_1566 = tpu.memref_slice %arg3[%mul3A_1562, %dma_wait3A_1565] : memref<32x6xi32, #tpu.memory_space<hbm>> -> memref<16x6xi32, #tpu.memory_space<hbm>>
        tpu.wait_dma2 semaphore(%run_scoped3A : memref<!tpu.dma_semaphore, #tpu.memory_space<semaphore_mem>>) src(%arg6 : memref<16x6xi32, #tpu.memory_space<vmem_shared>>) dst(%dma_wait3A_1566 : memref<16x6xi32, #tpu.memory_space<hbm>>)
        tpu.yield
      }) : () -> ()
    } else {
    }
    return
  }
}

module attributes {stable_mosaic.version = 14 : i64} {
  func.func @_tc_kernel(%arg0: i32, %arg1: memref<2x8x8192xf32, #tpu.memory_space<vmem>>, %arg2: memref<2x1x8xi32, #tpu.memory_space<vmem>>) attributes {dimension_semantics = [#tpu.dimension_semantics<arbitrary>], iteration_bounds = array<i64: 4>, scalar_prefetch = 0 : i64, scratch_operands = 0 : i64, tpu.core_type = #tpu.core_type<tc>, window_params = [{transform_indices = @transform_0, window_bounds = array<i64: 2, 8, 8192>}, {transform_indices = @transform_1, window_bounds = array<i64: 2, 1, 8>}]} {
    %get3A = arith.constant 0 : index
    %get3A_0 = arith.constant 0 : index
    %get3A_1 = arith.constant 0 : index
    %get3A_2 = vector.load %arg1[%get3A, %get3A_0, %get3A_1] : memref<2x8x8192xf32, #tpu.memory_space<vmem>>, vector<1x8x8192xf32>
    %get3A_3 = vector.shape_cast %get3A_2 : vector<1x8x8192xf32> to vector<8x8192xf32>
    %reduce_min3A = arith.constant dense<0x7F800000> : vector<8xf32>
    %reduce_min3A_4 = vector.multi_reduction <minimumf>, %get3A_3, %reduce_min3A [1] : vector<8x8192xf32> to vector<8xf32>
    %broadcast_in_dim3A = vector.shape_cast %reduce_min3A_4 : vector<8xf32> to vector<8x1xf32>
    %iota3A = tpu.iota {dimensions = array<i32: 1>} : vector<8x8192xi32>
    %eq3A = vector.broadcast %broadcast_in_dim3A : vector<8x1xf32> to vector<8x8192xf32>
    %eq3A_5 = arith.cmpf oeq, %get3A_3, %eq3A : vector<8x8192xf32>
    %jit3A = arith.constant 8192 : i32
    %broadcast_in_dim3A_6 = vector.broadcast %jit3A : i32 to vector<8x8192xi32>
    %select_n3A = arith.select %eq3A_5, %iota3A, %broadcast_in_dim3A_6 : vector<8x8192xi1>, vector<8x8192xi32>
    %reduce_min3A_7 = arith.constant dense<2147483647> : vector<8xi32>
    %reduce_min3A_8 = vector.multi_reduction <minsi>, %select_n3A, %reduce_min3A_7 [1] : vector<8x8192xi32> to vector<8xi32>
    %swap3A = arith.constant 0 : index
    %swap3A_9 = arith.constant 0 : index
    %swap3A_10 = arith.constant 0 : index
    %swap3A_11 = vector.load %arg2[%swap3A, %swap3A_9, %swap3A_10] : memref<2x1x8xi32, #tpu.memory_space<vmem>>, vector<1x1x8xi32>
    %swap3A_12 = vector.shape_cast %swap3A_11 : vector<1x1x8xi32> to vector<8xi32>
    %swap3A_13 = vector.shape_cast %reduce_min3A_8 : vector<8xi32> to vector<1x1x8xi32>
    tpu.vector_store %arg2[%swap3A, %swap3A_9, %swap3A_10], %swap3A_13 {strides = array<i32>} : memref<2x1x8xi32, #tpu.memory_space<vmem>>, vector<1x1x8xi32>,
    %get3A_14 = arith.constant 1 : index
    %get3A_15 = arith.constant 0 : index
    %get3A_16 = arith.constant 0 : index
    %get3A_17 = vector.load %arg1[%get3A_14, %get3A_15, %get3A_16] : memref<2x8x8192xf32, #tpu.memory_space<vmem>>, vector<1x8x8192xf32>
    %get3A_18 = vector.shape_cast %get3A_17 : vector<1x8x8192xf32> to vector<8x8192xf32>
    %reduce_min3A_19 = arith.constant dense<0x7F800000> : vector<8xf32>
    %reduce_min3A_20 = vector.multi_reduction <minimumf>, %get3A_18, %reduce_min3A_19 [1] : vector<8x8192xf32> to vector<8xf32>
    %broadcast_in_dim3A_21 = vector.shape_cast %reduce_min3A_20 : vector<8xf32> to vector<8x1xf32>
    %iota3A_22 = tpu.iota {dimensions = array<i32: 1>} : vector<8x8192xi32>
    %eq3A_23 = vector.broadcast %broadcast_in_dim3A_21 : vector<8x1xf32> to vector<8x8192xf32>
    %eq3A_24 = arith.cmpf oeq, %get3A_18, %eq3A_23 : vector<8x8192xf32>
    %jit3A_25 = arith.constant 8192 : i32
    %broadcast_in_dim3A_26 = vector.broadcast %jit3A_25 : i32 to vector<8x8192xi32>
    %select_n3A_27 = arith.select %eq3A_24, %iota3A_22, %broadcast_in_dim3A_26 : vector<8x8192xi1>, vector<8x8192xi32>
    %reduce_min3A_28 = arith.constant dense<2147483647> : vector<8xi32>
    %reduce_min3A_29 = vector.multi_reduction <minsi>, %select_n3A_27, %reduce_min3A_28 [1] : vector<8x8192xi32> to vector<8xi32>
    %swap3A_30 = arith.constant 1 : index
    %swap3A_31 = arith.constant 0 : index
    %swap3A_32 = arith.constant 0 : index
    %swap3A_33 = vector.load %arg2[%swap3A_30, %swap3A_31, %swap3A_32] : memref<2x1x8xi32, #tpu.memory_space<vmem>>, vector<1x1x8xi32>
    %swap3A_34 = vector.shape_cast %swap3A_33 : vector<1x1x8xi32> to vector<8xi32>
    %swap3A_35 = vector.shape_cast %reduce_min3A_29 : vector<8xi32> to vector<1x1x8xi32>
    tpu.vector_store %arg2[%swap3A_30, %swap3A_31, %swap3A_32], %swap3A_35 {strides = array<i32>} : memref<2x1x8xi32, #tpu.memory_space<vmem>>, vector<1x1x8xi32>,
    return
  }
  func.func @transform_0(%arg0: i32) -> (i32, i32, i32) {
    %add3A = arith.constant 12 : i32
    %add3A_0 = arith.addi %arg0, %add3A : i32
    %c0_i32 = arith.constant 0 : i32
    %c0_i32_1 = arith.constant 0 : i32
    %c0_i32_2 = arith.constant 0 : i32
    return %add3A_0, %c0_i32, %c0_i32_1 : i32, i32, i32
  }
  func.func @transform_1(%arg0: i32) -> (i32, i32, i32) {
    %c0_i32 = arith.constant 0 : i32
    %c0_i32_0 = arith.constant 0 : i32
    %c0_i32_1 = arith.constant 0 : i32
    return %arg0, %c0_i32, %c0_i32_0 : i32, i32, i32
  }
}

</mosaic_0001>

<sc_bundles>
// kernel: kernel.4.cloned.1.call-start
scs
__scs_entry_jumppad:
0x0: {  	(pc) =	sbr.rel $0x88, $3  }
0x1: {  	(tag) =	ssettag $0x0;
	lr =	simm.s32 $0x1  }
0x2: {  	[smem:$0x3FA0] =	sst lr;
	_ =	strace $0xD0000000  }
0x3: {  	_ = 	snop  }
0x4: {  	_ = 	snop  }
0x5: {  	_ = 	snop  }
0x6: {  	_ = 	snop  }
0x7: {  	_ = 	snop  }
__scs_overlays_trampoline_lowered:
0x8: {  	[smem:$0x3FAF] =	sst s0  }
0x9: {  	[smem:$0x3FB0] =	sst s1  }
0xa: {  	[smem:$0x3FB1] =	sst s2  }
0xb: {  	[smem:$0x3FB2] =	sst s3  }
0xc: {  	[smem:$0x3FB3] =	sst s4  }
0xd: {  	[smem:$0x3FB4] =	sst s5  }
0xe: {  	[smem:$0x3FB5] =	sst s6  }
0xf: {  	[smem:$0x3FB6] =	sst s7  }
0x10: {  	[smem:$0x3FB7] =	sst s8  }
0x11: {  	[smem:$0x3FB8] =	sst s9;
	s0 =	simm.s32 @!p0 $0x0  }
0x12: {  	s1 =	sld [smem:$0x3F9E];
	s0 =	simm.s32 @p0 $0x1  }
0x13: {  	[smem:$0x3FB9] =	sst s0;
	s0 =	simm.s32 @!p1 $0x0  }
0x14: {  	s2 =	sld [smem:$0x3F9D];
	s0 =	simm.s32 @p1 $0x1  }
0x15: {  	[smem:$0x3FBA] =	sst s0;
	s0 =	simm.s32 @!p2 $0x0  }
0x16: {  	s3 =	sld [smem:$0x3FDB];
	s0 =	simm.s32 @p2 $0x1  }
0x17: {  	s4 =	simm.s32 $0x1BF5;
	[smem:$0x3FBC] =	sst s0  }
0x18: {  	s0 =	sld [smem:$0x3F9F];
	_ =	swait.ge [sflag:s4], $0x0  }
0x19: {  	s7 =	sld [smem:$0x3FA0]  }
0x1a: {  	s8 =	sadd.s32 $0xFFFFE003, lr  }
0x1b: {  	s9 =	sadd.s32 $0xFFFFFEF7, lr;
	s5 =	simm.s32 $0xFFFFFFFF;
	p2 =	slt.u32 s8, $0xFFFFF086  }
0x1c: {  	p1 =	slt.u32 s9, $0xF7A;
	s5 =	simm.s32 @!p2 $0x0  }
0x1d: {  	s5 =	simm.s32 @p1 $0x1;
	p0 =	seq.s32 s7, s2  }
0x1e: {  	s7 =	smul.u32 @!p0 $0xF7A, s2;
	p2 =	seq.s32 @!p0 s5, $0x0  }
0x1f: {  	s9 =	smul.u32 $0xF7A, s1;
	s8 =	simm.s32 @!p0 $0x1BF5;
	p2 =	por !p2, p0  }
0x20: {  	[sflag:s8] =	ssyncset.s32 @!p0 $0xFFFFF086;
	s6 =	sadd.s32 @!p0 s3, s7;
	s7 =	simm.s32 @!p0 $0x108  }
0x21: {  	s3 =	sadd.s32 s3, s9;
	s6 =	sadd.s32 @!p0 $0x88, s6;
	s7 =	simm.s32 @p2 $0x1082  }
0x22: {  	[simem:s7], [sflag:s8] =	dma.local @!p0 [hbm:s6], $0xF7A  }
0x23: {  	s9 =	sor.u32 $0xD0000000, s2;
	s6 =	simm.s32 $0x108;
	_ =	swait.ge @!p0 [sflag:s8], $0x0  }
0x24: {  	s3 =	sadd.s32 $0x88, s3;
	s6 =	simm.s32 @!p1 $0x1082;
	[sflag:s4] =	ssyncset.s32 $0xFFFFF086  }
0x25: {  	[simem:s6], [sflag:s4] =	dma.local [hbm:s3], $0xF7A  }
0x26: {  	[smem:$0x3FA0] =	sst s1;
	(tag) =	ssettag s2;
	_ =	strace s9  }
0x27: {  	s1 =	sld [smem:$0x3FB0]  }
0x28: {  	s2 =	sld [smem:$0x3FB1]  }
0x29: {  	s4 =	sld [smem:$0x3FB3]  }
0x2a: {  	p0 =	seq.s32 s5, $0x0;
	s5 =	sld [smem:$0x3FB4]  }
0x2b: {  	s6 =	sld [smem:$0x3FB5]  }
0x2c: {  	s7 =	sld [smem:$0x3FB6]  }
0x2d: {  	s3 =	simm.s32 $0x108;
	s8 =	sld [smem:$0x3FB7]  }
0x2e: {  	s3 =	simm.s32 @!p0 $0x1082;
	s9 =	sld [smem:$0x3FB8]  }
0x2f: {  	lr =	sadd.s32 s0, s3;
	s0 =	sld [smem:$0x3FAF]  }
0x30: {  	s3 =	sld [smem:$0x3FB2]  }
0x31: {  	[smem:$0x3FBB] =	sst s10  }
0x32: {  	s10 =	sld [smem:$0x3FB9];
	_ =	sdelay $0x3  }
0x33: {  	p0 =	seq.s32 s10, $0x1;
	s10 =	sld [smem:$0x3FBB];
	_ =	sdelay $0x3  }
0x34: {  	[smem:$0x3FBB] =	sst s10  }
0x35: {  	s10 =	sld [smem:$0x3FBA];
	_ =	sdelay $0x3  }
0x36: {  	p1 =	seq.s32 s10, $0x1;
	s10 =	sld [smem:$0x3FBB];
	_ =	sdelay $0x3  }
0x37: {  	[smem:$0x3FBB] =	sst s10  }
0x38: {  	s10 =	sld [smem:$0x3FBC]  }
0x39: {  	_ = 	snop;
	(pc) =	sbr.ind lr, $3  }
0x3a: {  	_ = 	snop  }
0x3b: {  	_ = 	snop  }
0x3c: {  	p2 =	seq.s32 s10, $0x1;
	s10 =	sld [smem:$0x3FBB]  }
0x3d: {  	_ =	shalt  }
0x3e: {  	_ =	shalt  }
0x3f: {  	_ =	shalt  }
0x40: {  	_ =	shalt  }
0x41: {  	_ =	shalt  }
0x42: {  	_ =	shalt  }
0x43: {  	_ =	shalt  }
0x44: {  	_ =	shalt  }
0x45: {  	_ =	shalt  }
0x46: {  	_ =	shalt  }
0x47: {  	_ =	shalt  }
0x48: {  	_ =	shalt  }
0x49: {  	_ =	shalt  }
0x4a: {  	_ =	shalt  }
0x4b: {  	_ =	shalt  }
0x4c: {  	_ =	shalt  }
0x4d: {  	_ =	shalt  }
0x4e: {  	_ =	shalt  }
0x4f: {  	_ =	shalt  }
0x50: {  	_ =	shalt  }
0x51: {  	_ =	shalt  }
0x52: {  	_ =	shalt  }
0x53: {  	_ =	shalt  }
0x54: {  	_ =	shalt  }
0x55: {  	_ =	shalt  }
0x56: {  	_ =	shalt  }
0x57: {  	_ =	shalt  }
0x58: {  	_ =	shalt  }
0x59: {  	_ =	shalt  }
0x5a: {  	_ =	shalt  }
0x5b: {  	_ =	shalt  }
0x5c: {  	_ =	shalt  }
0x5d: {  	_ =	shalt  }
0x5e: {  	_ =	shalt  }
0x5f: {  	_ =	shalt  }
0x60: {  	_ =	shalt  }
0x61: {  	_ =	shalt  }
0x62: {  	_ =	shalt  }
0x63: {  	_ =	shalt  }
0x64: {  	_ =	shalt  }
0x65: {  	_ =	shalt  }
0x66: {  	_ =	shalt  }
0x67: {  	_ =	shalt  }
0x68: {  	_ =	shalt  }
0x69: {  	_ =	shalt  }
0x6a: {  	_ =	shalt  }
0x6b: {  	_ =	shalt  }
0x6c: {  	_ =	shalt  }
0x6d: {  	_ =	shalt  }
0x6e: {  	_ =	shalt  }
0x6f: {  	_ =	shalt  }
0x70: {  	_ =	shalt  }
0x71: {  	_ =	shalt  }
0x72: {  	_ =	shalt  }
0x73: {  	_ =	shalt  }
0x74: {  	_ =	shalt  }
0x75: {  	_ =	shalt  }
0x76: {  	_ =	shalt  }
0x77: {  	_ =	shalt  }
0x78: {  	_ =	shalt  }
0x79: {  	_ =	shalt  }
0x7a: {  	_ =	shalt  }
0x7b: {  	_ =	shalt  }
0x7c: {  	_ =	shalt  }
0x7d: {  	_ =	shalt  }
0x7e: {  	_ =	shalt  }
0x7f: {  	_ =	shalt  }
0x80: {  	_ =	shalt  }
0x81: {  	_ =	shalt  }
0x82: {  	_ =	shalt  }
0x83: {  	_ =	shalt  }
0x84: {  	_ =	shalt  }
0x85: {  	_ =	shalt  }
0x86: {  	_ =	shalt  }
0x87: {  	_ =	shalt  }
.Lfunc_end0:
.L_simem_size_0:
called_computation_lowered:
.L_overlay_start_0:
0x88: {  	s2 =	sld [smem:$0x3FD9]  }
0x89: {  	s3 =	sld [smem:$0x3FFE];
	_ =	sdelay $0x1  }
0x8a: {  	s1 =	srdreg.scid  }
0x8b: {  	s0 =	sand.u32 $0x1, s1  }
0x8c: {  	s17 =	sshll.u32 s0, $0xA;
	s2 =	sadd.s32 s3, s2  }
0x8d: {  	s2 =	sadd.s32 s2, s17  }
0x8e: {  	[smem:$0x3FC7] =	sst s2  }
0x8f: {  	_ = 	snop  }
0x90: {  	s2 =	sld [smem:$0x3FC9];
	(tm) =	ssettm $0x1  }
0x91: {  	s18 =	sld [smem:$0x3FFB];
	_ =	sdelay $0x3  }
0x92: {  	_ =	strace s18  }
0x93: {  	s3 =	sld [smem:$0x3FFC];
	_ =	sdelay $0x3  }
0x94: {  	_ =	strace s3  }
0x95: {  	s3 =	sld [smem:$0x3FFD];
	_ =	sdelay $0x3  }
0x96: {  	_ =	strace s3  }
0x97: {  	_ =	strace $0x8FFFFFFF  }
0x98: {  	s19 =	sld [smem:$0x3FDB];
	_ =	sdelay $0x1  }
0x99: {  	s4 =	simm.s32 $_scs_section_size  }
0x9a: {  	s5 =	simm.s32 $_size__tile_overlayer_lowered;
	s6 =	simm.s32 $_tile_overlayer_lowered  }
0x9b: {  	s22 =	simm.s32 $0x1BFF;
	s21 =	sshll.u32 s6, $0x1;
	s3 =	sadd.s32 s4, s19  }
0x9c: {  	s7 =	simm.s32 $0x0;
	s20 =	sshll.u32 s5, $0x1;
	s5 =	sadd.s32 s21, s3  }
0x9d: {  	[timem:s7], [sflag:s22] =	dma.local [hbm:s5], s20  }
0x9e: {  	_ =	swait.ge [sflag:s22], s20  }
0x9f: {  	s4 =	ssub.s32 $0x0, s20;
	[sflag:s22] =	ssyncset.done $0x0  }
0xa0: {  	[sflag:s22] =	ssyncadd.s32 s4;
	_ =	sdelay $0x1  }
0xa1: {  	s23 =	simm.s32 $0x1B8B  }
0xa2: {  	_ =	swait.ge [sflag:s23], $0x1  }
0xa3: {  	[sflag:s23] =	ssyncset.done $0x0  }
0xa4: {  	s25 =	simm.s32 $0x1B8E;
	s24 =	sld [smem:$0x3FFE];
	[sflag:s23] =	ssyncadd.s32 $0xFFFFFFFF  }
0xa5: {  	s26 =	simm.s32 $execute0_lowered;
	[smem:$0x3FD2] =	sst s25  }
0xa6: {  	s5 =	sshll.u32 s26, $0x1;
	_ =	strace $0x80000046;
	[dreg:$0x1] =	wrdreg $0xFFFFFFFF  }
0xa7: {  	s28 =	simm.s32 $_size_execute0_lowered;
	s3 =	sadd.s32 s3, s5;
	[dreg:$0x0] =	wrdreg $0x0  }
0xa8: {  	s5 =	sshll.u32 s28, $0x1;
	[dreg:$0x2] =	wrdreg s3  }
0xa9: {  	[dreg:$0x3] =	wrdreg s5  }
0xaa: {  	[dreg:$0x4] =	wrdreg $0xC0  }
0xab: {  	_ =	task [dreg:s7], $0x5FFFF  }
0xac: {  	[dreg:$0x1] =	wrdreg $0xFFFFFFFF  }
0xad: {  	[dreg:$0x0] =	wrdreg $0x60  }
0xae: {  	[dreg:$0x2] =	wrdreg s2  }
0xaf: {  	[dreg:$0x3] =	wrdreg s24  }
0xb0: {  	[dreg:$0x4] =	wrdreg $0x100800  }
0xb1: {  	[dreg:$0x5] =	wrdreg $0x9  }
0xb2: {  	_ =	task.clear_ibuf [dreg:s7], $0x6FFFF;
	_ =	strace $0x90000046  }
0xb3: {  	s29 =	simm.s32 $0x9;
	_ =	strace $0x80000048  }
0xb4: {  	_ =	swait.ge [sflag:s29], $0x1  }
0xb5: {  	[sflag:s29] =	ssyncadd.s32 $0xFFFFFFFF  }
0xb6: {  	_ =	strace $0x90000048  }
0xb7: {  	_ =	sfence  }
0xb8: {  	s30 =	sld [smem:$0x0];
	_ =	sdelay $0x2  }
0xb9: {  	s31 =	sshll.u32 s1, $0xD;
	s1 =	sshrl.u32 s1, $0x2  }
0xba: {  	s3 =	sand.u32 $0x4000, s31;
	s1 =	sadd.s32 s1, s30  }
0xbb: {  	s0 =	sor.u32 s3, s0;
	s1 =	sshll.u32 s1, $0x11  }
0xbc: {  	s0 =	sor.u32 s1, s0  }
0xbd: {  	s0 =	sadd.s32 $0x8F2B, s0  }
0xbe: {  	[sflag:s0] =	ssyncadd.remote.s32 $0x1  }
0xbf: {  	_ =	sfence.sel $0xFFFF  }
0xc0: {  	[dreg:$0x0] =	wrdreg $0xFFFFFFFF;
	(pc) =	sbr.abs _section_cstart, $3  }
0xc1: {  	[dreg:$0x1] =	wrdreg $0xFFFFFFFF  }
0xc2: {  	_ =	task.clear_ibuf [dreg:s7], $0x2FFFF;
	_ =	strace $0x9FFFFFFF  }
0xc3: {  	(tm) =	ssettm $0x7FFFFFFF  }
tec
execute0_lowered:
.L_overlay_start_1:
0x0: {  	(tag) =	ssettag $0x1  }
0x1: {  	s8 =	rddreg [dreg:$0x0]  }
0x2: {  	s0 =	srdreg.scid;
	s4 =	rddreg [dreg:$0x1]  }
0x3: {  	s13 =	stileid.u32;
	s1 =	rddreg [dreg:$0x2]  }
0x4: {  	s2 =	simm.s32 $0x0;
	s15 =	simm.s32 $0x0;
	s3 =	sand.u32 $0x1, s0  }
0x5: {  	[smem:$0x7FF] =	sst s2;
	s31 =	sshll.u32 s13, $0x7;
	s0 =	sshll.u32 s3, $0x4  }
0x6: {  	p0 =	sne.s32 s13, $0x0;
	s9 =	sshll.u32 s3, $0x8;
	s5 =	sor.u32 s13, s0  }
0x7: {  	s3 =	ssub.s32 $0x2, s3;
	s0 =	rddreg [dreg:$0x3];
	s6 =	smul.u32 $0xC000, s5  }
0x8: {  	_ =	strace $0x80000047;
	s19 =	sshrl.u32 s3, $0x1;
	s7 =	smul.u32 $0x300, s5  }
0x9: {  	v0 =	vimm.s32 $0x3210FEDC;
	v1 =	vimm.s32 $0xBA987654;
	s10 =	sadd.s32 s9, s4;
	s12 =	smul.u32 $0x6, s5;
	s11 =	ssub.s32 s3, s19  }
0xa: {  	v4 =	vimm.s32 $0x76543210;
	v2 =	vunpack.c.l.s4.s8 v0;
	v3 =	vunpack.c.l.s4.s8 v1;
	s13 =	simm.s32 $0x10000;
	s10 =	sadd.s32 $0x600, s10;
	s11 =	smax.u32 s11, $0x1  }
0xb: {  	v5 =	vimm.s32 $0xFEDCBA98;
	v6 =	vimm.s32 $0x10FEDCBA;
	v8 =	vimm.s32 $0x87654321;
	s17 =	sor.u32 s7, s6;
	s20 =	sadd.s32 $0x2, s12;
	s23 =	sadd.s32 $0x3, s12  }
0xc: {  	vm0 =	vcmask $0x318;
	v2 =	vunpack.c.0.s8.s32 v2;
	v3 =	vunpack.c.0.s8.s32 v3;
	s14 =	sadd.s32 $0x4, s12;
	s12 =	sadd.s32 $0x5, s12;
	s18 =	sand.u32 $0x1F0300, s17  }
0xd: {  	vm1 =	vcmask $0x718;
	vm2 =	vcmask $0xB18;
	vm3 =	vcmask $0xF18;
	s21 =	sshll.u32 s20, $0xA;
	s6 =	sshll.u32 s20, $0x4;
	s24 =	sshll.u32 s23, $0x4  }
0xe: {  	v5 =	vunpack.c.l.s4.s8 v5;
	v8 =	vunpack.c.l.s4.s8 v8;
	v7 =	vcombine.low v3, v2;
	s7 =	sshll.u32 s23, $0xA;
	s25 =	sshll.u32 s14, $0x4;
	s26 =	sshll.u32 s14, $0xA  }
0xf: {  	v2 =	vunpack.c.l.s4.s8 v6;
	v3 =	vimm.s32 $0x98765432;
	v6 =	vimm.s32 $0xFEDCBA9;
	s28 =	sshll.u32 s12, $0x4;
	s29 =	sshll.u32 s12, $0xA;
	s12 =	simm.s32 $0x1  }
0x10: {  	v0 =	vlaneseq.u32;
	v3 =	vunpack.c.l.s4.s8 v3;
	v6 =	vunpack.c.l.s4.s8 v6;
	s14 =	simm.s32 $0x2;
	s4 =	sshrl.u32 s18, $0x3;
	s22 =	sand.u32 $0x7E000, s21  }
0x11: {  	v4 =	vunpack.c.l.s4.s8 v4;
	v5 =	vunpack.c.0.s8.s32 v5;
	v8 =	vunpack.c.0.s8.s32 v8;
	s6 =	sand.u32 $0x60, s6;
	s9 =	sand.u32 $0x70, s24;
	s7 =	sand.u32 $0x7E000, s7  }
0x12: {  	v2 =	vunpack.c.0.s8.s32 v2;
	v3 =	vunpack.c.0.s8.s32 v3;
	v6 =	vunpack.c.0.s8.s32 v6;
	s30 =	sand.u32 $0x70, s28;
	s6 =	sadd.s32 s8, s6;
	s9 =	sadd.s32 s8, s9  }
0x13: {  	vm4 =	vcmask $0x1318;
	v1 =	vor.u32 $0x10, v0;
	v4 =	vunpack.c.0.s8.s32 v4;
	s5 =	sadd.s32 s22, s6;
	s6 =	sadd.s32 s7, s9;
	s7 =	sand.u32 $0x60, s25  }
0x14: {  	v5 =	vand.u32 $0xF, v5;
	s3 =	sadd.s32 s8, s4;
	s9 =	sand.u32 $0x7E000, s26;
	v9 =	vcombine.low v3, v2;
	v8 =	vcombine.low v8, v6;
	s7 =	sadd.s32 s8, s7  }
0x15: {  	v4 =	vcombine.low v5, v4;
	v5 =	vand.u32 $0xF, v7;
	v2 =	vor.u32 $0x20, v0;
	s8 =	sadd.s32 s8, s30;
	s7 =	sadd.s32 s9, s7;
	s9 =	sand.u32 $0x7E000, s29  }
0x16: {  	s4 =	sadd.s32 $0x10, s3;
	v3 =	vor.u32 $0x30, v0;
	v6 =	vand.u32 $0xF, v9;
	v7 =	vand.u32 $0xF, v8;
	s8 =	sadd.s32 s9, s8;
	s9 =	sadd.s32 s31, s1  }
.LBB2_1:
0x17: {  	s16 =	simm.s32 $0x80  }
0x18: {  	s19 =	sadd.s32 $0x0, s3;
	s17 =	simm.s32 $0x400;
	s18 =	simm.s32 $0x0  }
.LBB2_2:
0x19: {  	[tilespmem:s18], [sflag:$0x1] =	stream.linear.gather [hbm4b:s19+s2], $0x80, $0x38;
	[tilespmem:$0x10088] =	vst v63  }
0x1a: {  	s19 =	smov.u32 s16;
	s18 =	smov.u32 s17;
	p1 =	sne.s32 s16, $0x1F80  }
.Ltmp0:
0x1b: {  	s16 =	sadd.s32 $0x80, s16;
	(pc) =	sbr.rel @p1 .LBB2_2-.Ltmp0, $2  }
0x1c: {  	_ =	sdelay $0x2  }
0x1d: {  	s17 =	sadd.s32 $0x400, s17;
	s19 =	sadd.s32 s19, s3  }
0x1e: {  	[tilespmem:s18], [sflag:$0x1] =	stream.linear.gather [hbm4b:s19+s2], $0x80, $0x38;
	[tilespmem:$0x10088] =	vst v63  }
0x1f: {  	s16 =	simm.s32 $0x80  }
0x20: {  	s17 =	simm.s32 $0x80;
	s19 =	sadd.s32 $0x0, s4;
	s18 =	simm.s32 $0x480  }
.LBB2_4:
0x21: {  	[tilespmem:s16], [sflag:$0x1] =	stream.linear.gather [hbm4b:s19+s2], $0x80, $0x38;
	[tilespmem:$0x10088] =	vst v63  }
0x22: {  	s19 =	smov.u32 s17;
	s16 =	smov.u32 s18;
	p1 =	sne.s32 s17, $0x1F80  }
.Ltmp1:
0x23: {  	s17 =	sadd.s32 $0x80, s17;
	(pc) =	sbr.rel @p1 .LBB2_4-.Ltmp1, $2  }
0x24: {  	_ =	sdelay $0x2  }
0x25: {  	s18 =	sadd.s32 $0x400, s18;
	s19 =	sadd.s32 s19, s4  }
0x26: {  	[tilespmem:s16], [sflag:$0x1] =	stream.linear.gather [hbm4b:s19+s2], $0x80, $0x38;
	[tilespmem:$0x10088] =	vst v63  }
0x27: {  	s16 =	simm.s32 $0x100  }
0x28: {  	s17 =	simm.s32 $0x80;
	s19 =	sadd.s32 $0x0, s5;
	s18 =	simm.s32 $0x500  }
.LBB2_6:
0x29: {  	[tilespmem:s16], [sflag:$0x1] =	stream.linear.gather [hbm4b:s19+s2], $0x80, $0x38;
	[tilespmem:$0x10088] =	vst v63  }
0x2a: {  	s19 =	smov.u32 s17;
	s16 =	smov.u32 s18;
	p1 =	sne.s32 s17, $0x1F80  }
.Ltmp2:
0x2b: {  	s17 =	sadd.s32 $0x80, s17;
	(pc) =	sbr.rel @p1 .LBB2_6-.Ltmp2, $2  }
0x2c: {  	_ =	sdelay $0x2  }
0x2d: {  	s18 =	sadd.s32 $0x400, s18;
	s19 =	sadd.s32 s19, s5  }
0x2e: {  	[tilespmem:s16], [sflag:$0x1] =	stream.linear.gather [hbm4b:s19+s2], $0x80, $0x38;
	[tilespmem:$0x10088] =	vst v63  }
0x2f: {  	s16 =	simm.s32 $0x180  }
0x30: {  	s17 =	simm.s32 $0x80;
	s19 =	sadd.s32 $0x0, s6;
	s18 =	simm.s32 $0x580  }
.LBB2_8:
0x31: {  	[tilespmem:s16], [sflag:$0x1] =	stream.linear.gather [hbm4b:s19+s2], $0x80, $0x38;
	[tilespmem:$0x10088] =	vst v63  }
0x32: {  	s19 =	smov.u32 s17;
	s16 =	smov.u32 s18;
	p1 =	sne.s32 s17, $0x1F80  }
.Ltmp3:
0x33: {  	s17 =	sadd.s32 $0x80, s17;
	(pc) =	sbr.rel @p1 .LBB2_8-.Ltmp3, $2  }
0x34: {  	_ =	sdelay $0x2  }
0x35: {  	s18 =	sadd.s32 $0x400, s18;
	s19 =	sadd.s32 s19, s6  }
0x36: {  	[tilespmem:s16], [sflag:$0x1] =	stream.linear.gather [hbm4b:s19+s2], $0x80, $0x38;
	[tilespmem:$0x10088] =	vst v63  }
0x37: {  	s16 =	simm.s32 $0x200  }
0x38: {  	s17 =	simm.s32 $0x80;
	s19 =	sadd.s32 $0x0, s7;
	s18 =	simm.s32 $0x600  }
.LBB2_10:
0x39: {  	[tilespmem:s16], [sflag:$0x1] =	stream.linear.gather [hbm4b:s19+s2], $0x80, $0x38;
	[tilespmem:$0x10088] =	vst v63  }
0x3a: {  	s19 =	smov.u32 s17;
	s16 =	smov.u32 s18;
	p1 =	sne.s32 s17, $0x1F80  }
.Ltmp4:
0x3b: {  	s17 =	sadd.s32 $0x80, s17;
	(pc) =	sbr.rel @p1 .LBB2_10-.Ltmp4, $2  }
0x3c: {  	_ =	sdelay $0x2  }
0x3d: {  	s18 =	sadd.s32 $0x400, s18;
	s19 =	sadd.s32 s19, s7  }
0x3e: {  	[tilespmem:s16], [sflag:$0x1] =	stream.linear.gather [hbm4b:s19+s2], $0x80, $0x38;
	[tilespmem:$0x10088] =	vst v63  }
0x3f: {  	s16 =	simm.s32 $0x280  }
0x40: {  	s17 =	simm.s32 $0x80;
	s19 =	sadd.s32 $0x0, s8;
	s18 =	simm.s32 $0x680  }
.LBB2_12:
0x41: {  	[tilespmem:s16], [sflag:$0x1] =	stream.linear.gather [hbm4b:s19+s2], $0x80, $0x38;
	[tilespmem:$0x10088] =	vst v63  }
0x42: {  	s19 =	smov.u32 s17;
	s16 =	smov.u32 s18;
	p1 =	sne.s32 s17, $0x1F80  }
.Ltmp5:
0x43: {  	s17 =	sadd.s32 $0x80, s17;
	(pc) =	sbr.rel @p1 .LBB2_12-.Ltmp5, $2  }
0x44: {  	_ =	sdelay $0x2  }
0x45: {  	s18 =	sadd.s32 $0x400, s18;
	s19 =	sadd.s32 s19, s8  }
0x46: {  	[tilespmem:s16], [sflag:$0x1] =	stream.linear.gather [hbm4b:s19+s2], $0x80, $0x38;
	[tilespmem:$0x10088] =	vst v63  }
0x47: {  	_ =	swait.ge [sflag:s12], $0x2000  }
0x48: {  	[sflag:s12] =	ssyncset.done $0x0  }
0x49: {  	s20 =	simm.s32 $0x400;
	[sflag:s12] =	ssyncadd.s32 $0xFFFFE000  }
0x4a: {  	v8 =	vld [tilespmem:s20+$0x40]  }
0x4b: {  	v15 =	vld [tilespmem:s20+$0x0]  }
0x4c: {  	v13 =	vld [tilespmem:s20+$0xFFFFFC00]  }
0x4d: {  	v16 =	vld [tilespmem:s20+$0xFFFFFC30]  }
0x4e: {  	v19 =	vld [tilespmem:s20+$0xFFFFFC10]  }
0x4f: {  	v11 =	vld [tilespmem:s20+$0xFFFFFC40]  }
0x50: {  	v12 =	vld [tilespmem:s20+$0xFFFFFC20]  }
0x51: {  	v14 =	vimm.f32 $+Inf;
	v26 =	vld [tilespmem:s20+$0xFFFFFC50]  }
0x52: {  	v10 =	vimm.s32 $0x0;
	v9 =	vld [tilespmem:s20+$0xFFFFFC70];
	vm5 =	vlt.f32 v13, v14;
	v17 =	vmin.f32 v13, v14  }
0x53: {  	s16 =	simm.s32 $0x0;
	v13 =	vld [tilespmem:s20+$0x30];
	vm6 =	vlt.f32 v16, v14;
	v18 =	vmin.f32 v16, v14;
	v27 =	vmin.f32 v19, v14  }
0x54: {  	s17 =	simm.s32 $0x1;
	v20 =	vsel vm5, s16, v10;
	vm5 =	vlt.f32 v11, v17;
	v21 =	vmin.f32 v11, v17;
	v17 =	vld [tilespmem:s20+$0xFFFFFC60]  }
0x55: {  	v23 =	vmin.f32 v12, v14;
	vm7 =	vlt.f32 v19, v14;
	v22 =	vsel vm5, s17, v20;
	v20 =	vld [tilespmem:s20+$0x10]  }
0x56: {  	v16 =	vld [tilespmem:s20+$0x70];
	v11 =	vsel vm6, s16, v10;
	v25 =	vmin.f32 v26, v27;
	v24 =	vmin.f32 v15, v21  }
0x57: {  	s18 =	simm.s32 $0x2;
	vm6 =	vlt.f32 v15, v21;
	vm8 =	vlt.f32 v8, v24;
	v8 =	vmin.f32 v8, v24;
	v24 =	vld [tilespmem:s20+$0x50]  }
0x58: {  	s21 =	simm.s32 $0x3;
	vm5 =	vlt.f32 v9, v18;
	v21 =	vsel vm7, s16, v10;
	v15 =	vsel vm6, s18, v22;
	v22 =	vld [tilespmem:s20+$0x20]  }
0x59: {  	s19 =	simm.s32 $0x4;
	v19 =	vld [tilespmem:s20+$0x60];
	vm7 =	vlt.f32 v26, v27;
	s20 =	simm.s32 $0xC00;
	v15 =	vsel vm8, s21, v15;
	vm6 =	vlt.f32 v17, v23  }
.LBB2_14:
0x5a: {  	v26 =	vld [tilespmem:s20+$0x40];
	p1 =	slt.u32 s19, $0x7C;
	vm8 =	vlt.f32 v12, v14;
	v9 =	vmin.f32 v9, v18;
	vm9 =	vlt.f32 v20, v25;
	s22 =	smov.u32 s19;
	s19 =	sadd.s32 $0x4, s19  }
0x5b: {  	v12 =	vmin.f32 v17, v23;
	v14 =	vmin.f32 v20, v25;
	v27 =	vld [tilespmem:s20+$0x0];
	vm10 =	vlt.f32 v13, v9  }
0x5c: {  	v13 =	vmin.f32 v13, v9;
	v17 =	vld [tilespmem:s20+$0xFFFFFC40];
	vm11 =	vlt.f32 v24, v14;
	v24 =	vmin.f32 v24, v14  }
0x5d: {  	v10 =	vsel vm8, s16, v10;
	s16 =	smov.u32 s22;
	vm8 =	vlt.f32 v16, v13;
	v18 =	vld [tilespmem:s20+$0xFFFFFC00];
	v14 =	vmin.f32 v22, v12  }
0x5e: {  	v20 =	vsel vm7, s17, v21;
	v16 =	vmin.f32 v16, v13;
	vm7 =	vlt.f32 v22, v12;
	v9 =	vld [tilespmem:s20+$0xFFFFFC70]  }
0x5f: {  	v10 =	vsel vm6, s17, v10;
	v13 =	vsel vm9, s18, v20;
	vm6 =	vlt.f32 v19, v14;
	v21 =	vld [tilespmem:s20+$0xFFFFFC30]  }
0x60: {  	v11 =	vsel vm5, s17, v11;
	v10 =	vsel vm7, s18, v10;
	v14 =	vmin.f32 v19, v14;
	v12 =	vld [tilespmem:s20+$0xFFFFFC20]  }
0x61: {  	v11 =	vsel vm10, s18, v11;
	v22 =	vsel vm11, s21, v13;
	v10 =	vsel vm6, s21, v10;
	v19 =	vld [tilespmem:s20+$0xFFFFFC10]  }
0x62: {  	v11 =	vsel vm8, s21, v11;
	vm5 =	vlt.f32 v18, v8;
	v8 =	vmin.f32 v18, v8;
	v13 =	vld [tilespmem:s20+$0x30]  }
0x63: {  	s17 =	sadd.s32 $0x1, s16;
	v15 =	vsel vm5, s16, v15;
	vm5 =	vlt.f32 v17, v8;
	v8 =	vmin.f32 v17, v8;
	v28 =	vld [tilespmem:s20+$0xFFFFFC50]  }
0x64: {  	vm6 =	vlt.f32 v21, v16;
	v18 =	vmin.f32 v21, v16;
	v15 =	vsel vm5, s17, v15;
	v17 =	vld [tilespmem:s20+$0xFFFFFC60]  }
.Ltmp6:
0x65: {  	v21 =	vmin.f32 v27, v8;
	v11 =	vsel vm6, s16, v11;
	vm5 =	vlt.f32 v9, v18;
	v20 =	vld [tilespmem:s20+$0x10];
	(pc) =	sbr.rel @p1 .LBB2_14-.Ltmp6, $4  }
0x66: {  	v23 =	vmin.f32 v12, v14;
	vm6 =	vlt.f32 v27, v8;
	v29 =	vmin.f32 v19, v24;
	v16 =	vld [tilespmem:s20+$0x70]  }
0x67: {  	s18 =	sadd.s32 $0x2, s16;
	vm8 =	vlt.f32 v26, v21;
	v8 =	vmin.f32 v26, v21;
	vm7 =	vlt.f32 v19, v24;
	v24 =	vld [tilespmem:s20+$0x50]  }
0x68: {  	s21 =	sadd.s32 $0x3, s16;
	v15 =	vsel vm6, s18, v15;
	v21 =	vsel vm7, s16, v22;
	v25 =	vmin.f32 v28, v29;
	v22 =	vld [tilespmem:s20+$0x20]  }
0x69: {  	v15 =	vsel vm8, s21, v15;
	vm7 =	vlt.f32 v28, v29;
	vm6 =	vlt.f32 v17, v23;
	v19 =	vld [tilespmem:s20+$0x60];
	s20 =	sadd.s32 $0x800, s20  }
0x6a: {  	vm8 =	vlt.f32 v12, v14;
	v9 =	vmin.f32 v9, v18;
	vm9 =	vlt.f32 v20, v25  }
0x6b: {  	v12 =	vmin.f32 v17, v23;
	v14 =	vmin.f32 v20, v25;
	v17 =	vsel vm7, s17, v21  }
0x6c: {  	v11 =	vsel vm5, s17, v11;
	v15 =	vshll.u32 v15, $0x6;
	vm10 =	vlt.f32 v13, v9  }
0x6d: {  	v9 =	vmin.f32 v13, v9;
	v10 =	vsel vm8, s16, v10;
	v15 =	vor.u32 v0, v15  }
0x6e: {  	vm11 =	vlt.f32 v24, v14;
	v13 =	vmin.f32 v24, v14;
	vm8 =	vlt.f32 v16, v9  }
0x6f: {  	v9 =	vmin.f32 v16, v9;
	v10 =	vsel vm6, s17, v10;
	v11 =	vsel vm10, s18, v11  }
0x70: {  	v14 =	vmin.f32 v22, v12;
	vm7 =	vlt.f32 v22, v12;
	v12 =	vsel vm9, s18, v17  }
0x71: {  	v11 =	vsel vm8, s21, v11;
	vm6 =	vlt.f32 v19, v14;
	v10 =	vsel vm7, s18, v10  }
0x72: {  	v14 =	vmin.f32 v19, v14;
	v12 =	vsel vm11, s21, v12;
	v10 =	vsel vm6, s21, v10  }
0x73: {  	v11 =	vshll.u32 v11, $0x6;
	v12 =	vshll.u32 v12, $0x6;
	v10 =	vshll.u32 v10, $0x6  }
0x74: {  	v11 =	vor.u32 v3, v11;
	vm5 =	vlt.f32 v14, v8;
	v10 =	vor.u32 v2, v10  }
0x75: {  	vm6 =	veq.f32 v14, v8;
	v12 =	vor.u32 v1, v12;
	vm7 =	vlt.s32 v10, v15  }
0x76: {  	vm8 =	vlt.s32 v11, v12;
	vm6 =	vmand vm6, vm7;
	vm7 =	veq.f32 v9, v13  }
0x77: {  	vm5 =	vmor vm5, vm6;
	vm6 =	vlt.f32 v9, v13;
	vm7 =	vmand vm7, vm8  }
0x78: {  	v8 =	vsel vm5, v14, v8;
	vm6 =	vmor vm6, vm7  }
0x79: {  	v10 =	vsel vm5, v10, v15;
	v9 =	vsel vm6, v9, v13;
	v11 =	vsel vm6, v11, v12  }
0x7a: {  	vm5 =	veq.f32 v9, v8;
	vm6 =	vlt.s32 v11, v10  }
0x7b: {  	vm7 =	vlt.f32 v9, v8;
	vm5 =	vmand vm5, vm6  }
0x7c: {  	vm5 =	vmor vm7, vm5  }
0x7d: {  	v8 =	vsel vm5, v9, v8;
	v9 =	vsel vm5, v11, v10  }
0x7e: {  	v10 =	vperm.xlane v8, v4;
	v11 =	vperm.xlane v9, v4;
	_ =	sdelay $0x1  }
0x7f: {  	vm5 =	veq.f32 v10, v8;
	vm6 =	vlt.s32 v11, v9  }
0x80: {  	vm7 =	vlt.f32 v10, v8;
	vm5 =	vmand vm5, vm6  }
0x81: {  	_ =	swait.ge [sflag:s12], $0x2000;
	vm5 =	vmor vm7, vm5  }
0x82: {  	[sflag:s12] =	ssyncset.done $0x0;
	v8 =	vsel vm5, v10, v8;
	v9 =	vsel vm5, v11, v9  }
0x83: {  	s20 =	simm.s32 $0x480;
	[sflag:s12] =	ssyncadd.s32 $0xFFFFE000;
	v10 =	vperm.xlane v8, v5;
	v11 =	vperm.xlane v9, v5  }
0x84: {  	v17 =	vld [tilespmem:s20+$0xFFFFFC00]  }
0x85: {  	v20 =	vld [tilespmem:s20+$0xFFFFFC30];
	vm5 =	veq.f32 v10, v8;
	vm6 =	vlt.s32 v11, v9  }
0x86: {  	v15 =	vld [tilespmem:s20+$0xFFFFFC40];
	vm7 =	vlt.f32 v10, v8;
	vm5 =	vmand vm5, vm6  }
0x87: {  	v19 =	vld [tilespmem:s20+$0x0];
	vm5 =	vmor vm7, vm5  }
0x88: {  	v13 =	vld [tilespmem:s20+$0x40];
	v8 =	vsel vm5, v10, v8;
	v9 =	vsel vm5, v11, v9  }
0x89: {  	v18 =	vimm.f32 $+Inf;
	v16 =	vld [tilespmem:s20+$0xFFFFFC20];
	v10 =	vperm.xlane v8, v6;
	v11 =	vperm.xlane v9, v6  }
0x8a: {  	v23 =	vld [tilespmem:s20+$0xFFFFFC10];
	v21 =	vmin.f32 v17, v18;
	v22 =	vmin.f32 v20, v18;
	v14 =	vimm.s32 $0x0  }
0x8b: {  	v30 =	vld [tilespmem:s20+$0xFFFFFC50];
	v25 =	vmin.f32 v15, v21;
	vm5 =	veq.f32 v10, v8;
	vm6 =	vlt.s32 v11, v9  }
0x8c: {  	v28 =	vmin.f32 v19, v25;
	vm7 =	vlt.f32 v10, v8;
	vm5 =	vmand vm5, vm6  }
0x8d: {  	v12 =	vld [tilespmem:s20+$0xFFFFFC70];
	vm8 =	vlt.f32 v13, v28;
	v13 =	vmin.f32 v13, v28;
	vm5 =	vmor vm7, vm5  }
0x8e: {  	s16 =	simm.s32 $0x0;
	v28 =	vld [tilespmem:s20+$0x50];
	v10 =	vsel vm5, v10, v8;
	v8 =	vsel vm5, v11, v9;
	vm5 =	vlt.f32 v17, v18  }
0x8f: {  	s17 =	simm.s32 $0x1;
	v31 =	vmin.f32 v23, v18;
	v24 =	vsel vm5, s16, v14;
	vm5 =	vlt.f32 v15, v21;
	v21 =	vld [tilespmem:s20+$0xFFFFFC60]  }
0x90: {  	v27 =	vmin.f32 v16, v18;
	v29 =	vmin.f32 v30, v31;
	v26 =	vsel vm5, s17, v24;
	v24 =	vld [tilespmem:s20+$0x10]  }
0x91: {  	vm6 =	vlt.f32 v20, v18;
	vm7 =	vlt.f32 v23, v18;
	v17 =	vld [tilespmem:s20+$0x30];
	v11 =	vperm.xlane v10, v7  }
0x92: {  	s18 =	simm.s32 $0x2;
	v20 =	vld [tilespmem:s20+$0x70];
	v9 =	vperm.xlane v8, v7;
	v15 =	vsel vm6, s16, v14;
	vm6 =	vlt.f32 v19, v25  }
0x93: {  	s21 =	simm.s32 $0x3;
	v25 =	vsel vm7, s16, v14;
	vm7 =	vlt.f32 v30, v31;
	v19 =	vsel vm6, s18, v26;
	v26 =	vld [tilespmem:s20+$0x20]  }
0x94: {  	s19 =	simm.s32 $0x4;
	v23 =	vld [tilespmem:s20+$0x60];
	vm5 =	vlt.f32 v12, v22;
	s20 =	simm.s32 $0xC80;
	v19 =	vsel vm8, s21, v19;
	vm6 =	vlt.f32 v21, v27  }
.LBB2_16:
0x95: {  	v30 =	vld [tilespmem:s20+$0x40];
	p1 =	slt.u32 s19, $0x7C;
	vm8 =	vlt.f32 v16, v18;
	v12 =	vmin.f32 v12, v22;
	vm9 =	vlt.f32 v24, v29;
	s22 =	smov.u32 s19;
	s19 =	sadd.s32 $0x4, s19  }
0x96: {  	v16 =	vmin.f32 v21, v27;
	v18 =	vmin.f32 v24, v29;
	v31 =	vld [tilespmem:s20+$0x0];
	vm10 =	vlt.f32 v17, v12  }
0x97: {  	v17 =	vmin.f32 v17, v12;
	v21 =	vld [tilespmem:s20+$0xFFFFFC40];
	vm11 =	vlt.f32 v28, v18;
	v28 =	vmin.f32 v28, v18  }
0x98: {  	v14 =	vsel vm8, s16, v14;
	s16 =	smov.u32 s22;
	vm8 =	vlt.f32 v20, v17;
	v22 =	vld [tilespmem:s20+$0xFFFFFC00];
	v18 =	vmin.f32 v26, v16  }
0x99: {  	v24 =	vsel vm7, s17, v25;
	v20 =	vmin.f32 v20, v17;
	vm7 =	vlt.f32 v26, v16;
	v12 =	vld [tilespmem:s20+$0xFFFFFC70]  }
0x9a: {  	v14 =	vsel vm6, s17, v14;
	v17 =	vsel vm9, s18, v24;
	vm6 =	vlt.f32 v23, v18;
	v25 =	vld [tilespmem:s20+$0xFFFFFC30]  }
0x9b: {  	v15 =	vsel vm5, s17, v15;
	v14 =	vsel vm7, s18, v14;
	v18 =	vmin.f32 v23, v18;
	v16 =	vld [tilespmem:s20+$0xFFFFFC20]  }
0x9c: {  	v15 =	vsel vm10, s18, v15;
	v26 =	vsel vm11, s21, v17;
	v14 =	vsel vm6, s21, v14;
	v23 =	vld [tilespmem:s20+$0xFFFFFC10]  }
0x9d: {  	v15 =	vsel vm8, s21, v15;
	vm5 =	vlt.f32 v22, v13;
	v13 =	vmin.f32 v22, v13;
	v17 =	vld [tilespmem:s20+$0x30]  }
0x9e: {  	s17 =	sadd.s32 $0x1, s16;
	v19 =	vsel vm5, s16, v19;
	vm5 =	vlt.f32 v21, v13;
	v13 =	vmin.f32 v21, v13;
	v32 =	vld [tilespmem:s20+$0xFFFFFC50]  }
0x9f: {  	vm6 =	vlt.f32 v25, v20;
	v22 =	vmin.f32 v25, v20;
	v19 =	vsel vm5, s17, v19;
	v21 =	vld [tilespmem:s20+$0xFFFFFC60]  }
.Ltmp7:
0xa0: {  	v25 =	vmin.f32 v31, v13;
	v15 =	vsel vm6, s16, v15;
	vm5 =	vlt.f32 v12, v22;
	v24 =	vld [tilespmem:s20+$0x10];
	(pc) =	sbr.rel @p1 .LBB2_16-.Ltmp7, $4  }
0xa1: {  	v27 =	vmin.f32 v16, v18;
	vm6 =	vlt.f32 v31, v13;
	v33 =	vmin.f32 v23, v28;
	v20 =	vld [tilespmem:s20+$0x70]  }
0xa2: {  	s18 =	sadd.s32 $0x2, s16;
	vm8 =	vlt.f32 v30, v25;
	v13 =	vmin.f32 v30, v25;
	vm7 =	vlt.f32 v23, v28;
	v28 =	vld [tilespmem:s20+$0x50]  }
0xa3: {  	s21 =	sadd.s32 $0x3, s16;
	v19 =	vsel vm6, s18, v19;
	v25 =	vsel vm7, s16, v26;
	v29 =	vmin.f32 v32, v33;
	v26 =	vld [tilespmem:s20+$0x20]  }
0xa4: {  	v19 =	vsel vm8, s21, v19;
	vm7 =	vlt.f32 v32, v33;
	vm6 =	vlt.f32 v21, v27;
	v23 =	vld [tilespmem:s20+$0x60];
	s20 =	sadd.s32 $0x800, s20  }
0xa5: {  	vm8 =	vlt.f32 v16, v18;
	v12 =	vmin.f32 v12, v22;
	vm9 =	vlt.f32 v24, v29  }
0xa6: {  	v16 =	vmin.f32 v21, v27;
	v18 =	vmin.f32 v24, v29;
	v21 =	vsel vm7, s17, v25  }
0xa7: {  	v15 =	vsel vm5, s17, v15;
	v19 =	vshll.u32 v19, $0x6;
	vm10 =	vlt.f32 v17, v12  }
0xa8: {  	v12 =	vmin.f32 v17, v12;
	v14 =	vsel vm8, s16, v14;
	v19 =	vor.u32 v0, v19  }
0xa9: {  	vm11 =	vlt.f32 v28, v18;
	v17 =	vmin.f32 v28, v18;
	vm8 =	vlt.f32 v20, v12  }
0xaa: {  	v12 =	vmin.f32 v20, v12;
	v14 =	vsel vm6, s17, v14;
	v15 =	vsel vm10, s18, v15  }
0xab: {  	v18 =	vmin.f32 v26, v16;
	vm7 =	vlt.f32 v26, v16;
	v16 =	vsel vm9, s18, v21  }
0xac: {  	v15 =	vsel vm8, s21, v15;
	vm6 =	vlt.f32 v23, v18;
	v14 =	vsel vm7, s18, v14  }
0xad: {  	v18 =	vmin.f32 v23, v18;
	v16 =	vsel vm11, s21, v16;
	v14 =	vsel vm6, s21, v14  }
0xae: {  	v15 =	vshll.u32 v15, $0x6;
	v16 =	vshll.u32 v16, $0x6;
	v14 =	vshll.u32 v14, $0x6  }
0xaf: {  	v15 =	vor.u32 v3, v15;
	vm5 =	vlt.f32 v18, v13;
	v14 =	vor.u32 v2, v14  }
0xb0: {  	vm6 =	veq.f32 v18, v13;
	v16 =	vor.u32 v1, v16;
	vm7 =	vlt.s32 v14, v19  }
0xb1: {  	vm8 =	vlt.s32 v15, v16;
	vm6 =	vmand vm6, vm7;
	vm7 =	veq.f32 v12, v17  }
0xb2: {  	vm5 =	vmor vm5, vm6;
	vm6 =	vlt.f32 v12, v17;
	vm7 =	vmand vm7, vm8  }
0xb3: {  	v13 =	vsel vm5, v18, v13;
	vm6 =	vmor vm6, vm7  }
0xb4: {  	v14 =	vsel vm5, v14, v19;
	v12 =	vsel vm6, v12, v17;
	v15 =	vsel vm6, v15, v16  }
0xb5: {  	vm5 =	veq.f32 v12, v13;
	vm6 =	vlt.s32 v15, v14  }
0xb6: {  	vm7 =	vlt.f32 v12, v13;
	vm5 =	vmand vm5, vm6  }
0xb7: {  	vm5 =	vmor vm7, vm5  }
0xb8: {  	v12 =	vsel vm5, v12, v13;
	v13 =	vsel vm5, v15, v14  }
0xb9: {  	v14 =	vperm.xlane v12, v4;
	v15 =	vperm.xlane v13, v4;
	_ =	sdelay $0x1  }
0xba: {  	vm5 =	veq.f32 v14, v12;
	vm6 =	vlt.s32 v15, v13  }
0xbb: {  	vm7 =	vlt.f32 v14, v12;
	vm5 =	vmand vm5, vm6  }
0xbc: {  	_ =	swait.ge [sflag:s12], $0x2000;
	vm5 =	vmor vm7, vm5  }
0xbd: {  	[sflag:s12] =	ssyncset.done $0x0;
	v12 =	vsel vm5, v14, v12;
	v13 =	vsel vm5, v15, v13  }
0xbe: {  	s20 =	simm.s32 $0x500;
	[sflag:s12] =	ssyncadd.s32 $0xFFFFE000;
	v14 =	vperm.xlane v12, v5;
	v15 =	vperm.xlane v13, v5  }
0xbf: {  	v21 =	vld [tilespmem:s20+$0xFFFFFC00]  }
0xc0: {  	v24 =	vld [tilespmem:s20+$0xFFFFFC30];
	vm5 =	veq.f32 v14, v12;
	vm6 =	vlt.s32 v15, v13  }
0xc1: {  	v19 =	vld [tilespmem:s20+$0xFFFFFC40];
	vm7 =	vlt.f32 v14, v12;
	vm5 =	vmand vm5, vm6  }
0xc2: {  	v23 =	vld [tilespmem:s20+$0x0];
	vm5 =	vmor vm7, vm5  }
0xc3: {  	v17 =	vld [tilespmem:s20+$0x40];
	v12 =	vsel vm5, v14, v12;
	v13 =	vsel vm5, v15, v13  }
0xc4: {  	v22 =	vimm.f32 $+Inf;
	v20 =	vld [tilespmem:s20+$0xFFFFFC20];
	v14 =	vperm.xlane v12, v6;
	v15 =	vperm.xlane v13, v6  }
0xc5: {  	v27 =	vld [tilespmem:s20+$0xFFFFFC10];
	v25 =	vmin.f32 v21, v22;
	v26 =	vmin.f32 v24, v22;
	v18 =	vimm.s32 $0x0  }
0xc6: {  	v34 =	vld [tilespmem:s20+$0xFFFFFC50];
	v29 =	vmin.f32 v19, v25;
	vm5 =	veq.f32 v14, v12;
	vm6 =	vlt.s32 v15, v13  }
0xc7: {  	v32 =	vmin.f32 v23, v29;
	vm7 =	vlt.f32 v14, v12;
	vm5 =	vmand vm5, vm6  }
0xc8: {  	v16 =	vld [tilespmem:s20+$0xFFFFFC70];
	vm8 =	vlt.f32 v17, v32;
	v17 =	vmin.f32 v17, v32;
	vm5 =	vmor vm7, vm5  }
0xc9: {  	s16 =	simm.s32 $0x0;
	v32 =	vld [tilespmem:s20+$0x50];
	v14 =	vsel vm5, v14, v12;
	v12 =	vsel vm5, v15, v13;
	vm5 =	vlt.f32 v21, v22  }
0xca: {  	s17 =	simm.s32 $0x1;
	v35 =	vmin.f32 v27, v22;
	v28 =	vsel vm5, s16, v18;
	vm5 =	vlt.f32 v19, v25;
	v25 =	vld [tilespmem:s20+$0xFFFFFC60]  }
0xcb: {  	v31 =	vmin.f32 v20, v22;
	v33 =	vmin.f32 v34, v35;
	v30 =	vsel vm5, s17, v28;
	v28 =	vld [tilespmem:s20+$0x10]  }
0xcc: {  	vm6 =	vlt.f32 v24, v22;
	vm7 =	vlt.f32 v27, v22;
	v21 =	vld [tilespmem:s20+$0x30];
	v15 =	vperm.xlane v14, v7  }
0xcd: {  	s18 =	simm.s32 $0x2;
	v24 =	vld [tilespmem:s20+$0x70];
	v13 =	vperm.xlane v12, v7;
	v19 =	vsel vm6, s16, v18;
	vm6 =	vlt.f32 v23, v29  }
0xce: {  	s21 =	simm.s32 $0x3;
	v29 =	vsel vm7, s16, v18;
	vm7 =	vlt.f32 v34, v35;
	v23 =	vsel vm6, s18, v30;
	v30 =	vld [tilespmem:s20+$0x20]  }
0xcf: {  	s19 =	simm.s32 $0x4;
	v27 =	vld [tilespmem:s20+$0x60];
	vm5 =	vlt.f32 v16, v26;
	s20 =	simm.s32 $0xD00;
	v23 =	vsel vm8, s21, v23;
	vm6 =	vlt.f32 v25, v31  }
.LBB2_18:
0xd0: {  	v34 =	vld [tilespmem:s20+$0x40];
	p1 =	slt.u32 s19, $0x7C;
	vm8 =	vlt.f32 v20, v22;
	v16 =	vmin.f32 v16, v26;
	vm9 =	vlt.f32 v28, v33;
	s22 =	smov.u32 s19;
	s19 =	sadd.s32 $0x4, s19  }
0xd1: {  	v20 =	vmin.f32 v25, v31;
	v22 =	vmin.f32 v28, v33;
	v35 =	vld [tilespmem:s20+$0x0];
	vm10 =	vlt.f32 v21, v16  }
0xd2: {  	v21 =	vmin.f32 v21, v16;
	v25 =	vld [tilespmem:s20+$0xFFFFFC40];
	vm11 =	vlt.f32 v32, v22;
	v32 =	vmin.f32 v32, v22  }
0xd3: {  	v18 =	vsel vm8, s16, v18;
	s16 =	smov.u32 s22;
	vm8 =	vlt.f32 v24, v21;
	v26 =	vld [tilespmem:s20+$0xFFFFFC00];
	v22 =	vmin.f32 v30, v20  }
0xd4: {  	v28 =	vsel vm7, s17, v29;
	v24 =	vmin.f32 v24, v21;
	vm7 =	vlt.f32 v30, v20;
	v16 =	vld [tilespmem:s20+$0xFFFFFC70]  }
0xd5: {  	v18 =	vsel vm6, s17, v18;
	v21 =	vsel vm9, s18, v28;
	vm6 =	vlt.f32 v27, v22;
	v29 =	vld [tilespmem:s20+$0xFFFFFC30]  }
0xd6: {  	v19 =	vsel vm5, s17, v19;
	v18 =	vsel vm7, s18, v18;
	v22 =	vmin.f32 v27, v22;
	v20 =	vld [tilespmem:s20+$0xFFFFFC20]  }
0xd7: {  	v19 =	vsel vm10, s18, v19;
	v30 =	vsel vm11, s21, v21;
	v18 =	vsel vm6, s21, v18;
	v27 =	vld [tilespmem:s20+$0xFFFFFC10]  }
0xd8: {  	v19 =	vsel vm8, s21, v19;
	vm5 =	vlt.f32 v26, v17;
	v17 =	vmin.f32 v26, v17;
	v21 =	vld [tilespmem:s20+$0x30]  }
0xd9: {  	s17 =	sadd.s32 $0x1, s16;
	v23 =	vsel vm5, s16, v23;
	vm5 =	vlt.f32 v25, v17;
	v17 =	vmin.f32 v25, v17;
	v36 =	vld [tilespmem:s20+$0xFFFFFC50]  }
0xda: {  	vm6 =	vlt.f32 v29, v24;
	v26 =	vmin.f32 v29, v24;
	v23 =	vsel vm5, s17, v23;
	v25 =	vld [tilespmem:s20+$0xFFFFFC60]  }
.Ltmp8:
0xdb: {  	v29 =	vmin.f32 v35, v17;
	v19 =	vsel vm6, s16, v19;
	vm5 =	vlt.f32 v16, v26;
	v28 =	vld [tilespmem:s20+$0x10];
	(pc) =	sbr.rel @p1 .LBB2_18-.Ltmp8, $4  }
0xdc: {  	v31 =	vmin.f32 v20, v22;
	vm6 =	vlt.f32 v35, v17;
	v37 =	vmin.f32 v27, v32;
	v24 =	vld [tilespmem:s20+$0x70]  }
0xdd: {  	s18 =	sadd.s32 $0x2, s16;
	vm8 =	vlt.f32 v34, v29;
	v17 =	vmin.f32 v34, v29;
	vm7 =	vlt.f32 v27, v32;
	v32 =	vld [tilespmem:s20+$0x50]  }
0xde: {  	s21 =	sadd.s32 $0x3, s16;
	v23 =	vsel vm6, s18, v23;
	v29 =	vsel vm7, s16, v30;
	v33 =	vmin.f32 v36, v37;
	v30 =	vld [tilespmem:s20+$0x20]  }
0xdf: {  	v23 =	vsel vm8, s21, v23;
	vm7 =	vlt.f32 v36, v37;
	vm6 =	vlt.f32 v25, v31;
	v27 =	vld [tilespmem:s20+$0x60];
	s20 =	sadd.s32 $0x800, s20  }
0xe0: {  	vm8 =	vlt.f32 v20, v22;
	v16 =	vmin.f32 v16, v26;
	vm9 =	vlt.f32 v28, v33  }
0xe1: {  	v20 =	vmin.f32 v25, v31;
	v22 =	vmin.f32 v28, v33;
	v25 =	vsel vm7, s17, v29  }
0xe2: {  	v19 =	vsel vm5, s17, v19;
	v23 =	vshll.u32 v23, $0x6;
	vm10 =	vlt.f32 v21, v16  }
0xe3: {  	v16 =	vmin.f32 v21, v16;
	v18 =	vsel vm8, s16, v18;
	v23 =	vor.u32 v0, v23  }
0xe4: {  	vm11 =	vlt.f32 v32, v22;
	v21 =	vmin.f32 v32, v22;
	vm8 =	vlt.f32 v24, v16  }
0xe5: {  	v16 =	vmin.f32 v24, v16;
	v18 =	vsel vm6, s17, v18;
	v19 =	vsel vm10, s18, v19  }
0xe6: {  	v22 =	vmin.f32 v30, v20;
	vm7 =	vlt.f32 v30, v20;
	v20 =	vsel vm9, s18, v25  }
0xe7: {  	v19 =	vsel vm8, s21, v19;
	vm6 =	vlt.f32 v27, v22;
	v18 =	vsel vm7, s18, v18  }
0xe8: {  	v22 =	vmin.f32 v27, v22;
	v20 =	vsel vm11, s21, v20;
	v18 =	vsel vm6, s21, v18  }
0xe9: {  	v19 =	vshll.u32 v19, $0x6;
	v20 =	vshll.u32 v20, $0x6;
	v18 =	vshll.u32 v18, $0x6  }
0xea: {  	v19 =	vor.u32 v3, v19;
	vm5 =	vlt.f32 v22, v17;
	v18 =	vor.u32 v2, v18  }
0xeb: {  	vm6 =	veq.f32 v22, v17;
	v20 =	vor.u32 v1, v20;
	vm7 =	vlt.s32 v18, v23  }
0xec: {  	vm8 =	vlt.s32 v19, v20;
	vm6 =	vmand vm6, vm7;
	vm7 =	veq.f32 v16, v21  }
0xed: {  	vm5 =	vmor vm5, vm6;
	vm6 =	vlt.f32 v16, v21;
	vm7 =	vmand vm7, vm8  }
0xee: {  	v17 =	vsel vm5, v22, v17;
	vm6 =	vmor vm6, vm7  }
0xef: {  	v18 =	vsel vm5, v18, v23;
	v16 =	vsel vm6, v16, v21;
	v19 =	vsel vm6, v19, v20  }
0xf0: {  	vm5 =	veq.f32 v16, v17;
	vm6 =	vlt.s32 v19, v18  }
0xf1: {  	vm7 =	vlt.f32 v16, v17;
	vm5 =	vmand vm5, vm6  }
0xf2: {  	vm5 =	vmor vm7, vm5  }
0xf3: {  	v16 =	vsel vm5, v16, v17;
	v17 =	vsel vm5, v19, v18  }
0xf4: {  	v18 =	vperm.xlane v16, v4;
	v19 =	vperm.xlane v17, v4;
	_ =	sdelay $0x1  }
0xf5: {  	vm5 =	veq.f32 v18, v16;
	vm6 =	vlt.s32 v19, v17  }
0xf6: {  	_ =	swait.ge [sflag:s12], $0x2000;
	vm7 =	vlt.f32 v18, v16;
	vm5 =	vmand vm5, vm6  }
0xf7: {  	[sflag:s12] =	ssyncset.done $0x0;
	vm5 =	vmor vm7, vm5  }
0xf8: {  	s20 =	simm.s32 $0x580;
	[sflag:s12] =	ssyncadd.s32 $0xFFFFE000;
	v16 =	vsel vm5, v18, v16;
	v17 =	vsel vm5, v19, v17  }
0xf9: {  	v25 =	vld [tilespmem:s20+$0xFFFFFC00];
	v18 =	vperm.xlane v16, v5;
	v19 =	vperm.xlane v17, v5  }
0xfa: {  	v28 =	vld [tilespmem:s20+$0xFFFFFC30]  }
0xfb: {  	v31 =	vld [tilespmem:s20+$0xFFFFFC10];
	vm5 =	veq.f32 v18, v16;
	vm6 =	vlt.s32 v19, v17  }
0xfc: {  	v24 =	vld [tilespmem:s20+$0xFFFFFC20];
	vm7 =	vlt.f32 v18, v16;
	vm5 =	vmand vm5, vm6  }
0xfd: {  	v38 =	vld [tilespmem:s20+$0xFFFFFC50];
	vm5 =	vmor vm7, vm5  }
0xfe: {  	v23 =	vld [tilespmem:s20+$0xFFFFFC40];
	v16 =	vsel vm5, v18, v16;
	v17 =	vsel vm5, v19, v17  }
0xff: {  	v26 =	vimm.f32 $+Inf;
	v18 =	vperm.xlane v16, v6;
	v19 =	vperm.xlane v17, v6  }
0x100: {  	v27 =	vld [tilespmem:s20+$0x0];
	v29 =	vmin.f32 v25, v26;
	v30 =	vmin.f32 v28, v26;
	v39 =	vmin.f32 v31, v26  }
0x101: {  	v35 =	vmin.f32 v24, v26;
	v21 =	vld [tilespmem:s20+$0x40];
	vm5 =	veq.f32 v18, v16;
	vm6 =	vlt.s32 v19, v17  }
0x102: {  	v37 =	vmin.f32 v38, v39;
	vm7 =	vlt.f32 v18, v16;
	vm5 =	vmand vm5, vm6  }
0x103: {  	v32 =	vld [tilespmem:s20+$0x10];
	v22 =	vimm.s32 $0x0;
	v63 =	vmin.f32 v23, v29;
	vm5 =	vmor vm7, vm5  }
0x104: {  	s16 =	simm.s32 $0x0;
	v20 =	vld [tilespmem:s20+$0xFFFFFC70];
	v18 =	vsel vm5, v18, v16;
	v16 =	vsel vm5, v19, v17;
	vm5 =	vlt.f32 v25, v26  }
0x105: {  	v36 =	vmin.f32 v27, v63;
	v62 =	vsel vm5, s16, v22;
	vm5 =	vlt.f32 v23, v29;
	v29 =	vld [tilespmem:s20+$0xFFFFFC60]  }
0x106: {  	vm8 =	vlt.f32 v21, v36;
	v21 =	vmin.f32 v21, v36;
	v36 =	vld [tilespmem:s20+$0x50];
	vm7 =	vlt.f32 v31, v26  }
0x107: {  	s17 =	simm.s32 $0x1;
	vm6 =	vlt.f32 v28, v26;
	v25 =	vld [tilespmem:s20+$0x30];
	v33 =	vsel vm7, s16, v22;
	vm7 =	vlt.f32 v38, v39  }
0x108: {  	s18 =	simm.s32 $0x2;
	v28 =	vld [tilespmem:s20+$0x70];
	v23 =	vsel vm6, s16, v22;
	vm6 =	vlt.f32 v27, v63;
	v34 =	vsel vm5, s17, v62  }
0x109: {  	s21 =	simm.s32 $0x3;
	v19 =	vperm.xlane v18, v7;
	v17 =	vperm.xlane v16, v7;
	v27 =	vsel vm6, s18, v34;
	v34 =	vld [tilespmem:s20+$0x20]  }
0x10a: {  	s19 =	simm.s32 $0x4;
	v31 =	vld [tilespmem:s20+$0x60];
	vm5 =	vlt.f32 v20, v30;
	s20 =	simm.s32 $0xD80;
	v27 =	vsel vm8, s21, v27;
	vm6 =	vlt.f32 v29, v35  }
.LBB2_20:
0x10b: {  	v38 =	vld [tilespmem:s20+$0x40];
	p1 =	slt.u32 s19, $0x7C;
	vm8 =	vlt.f32 v24, v26;
	v20 =	vmin.f32 v20, v30;
	vm9 =	vlt.f32 v32, v37;
	s22 =	smov.u32 s19;
	s19 =	sadd.s32 $0x4, s19  }
0x10c: {  	v24 =	vmin.f32 v29, v35;
	v26 =	vmin.f32 v32, v37;
	v39 =	vld [tilespmem:s20+$0x0];
	vm10 =	vlt.f32 v25, v20  }
0x10d: {  	v25 =	vmin.f32 v25, v20;
	v29 =	vld [tilespmem:s20+$0xFFFFFC40];
	vm11 =	vlt.f32 v36, v26;
	v36 =	vmin.f32 v36, v26  }
0x10e: {  	v22 =	vsel vm8, s16, v22;
	s16 =	smov.u32 s22;
	vm8 =	vlt.f32 v28, v25;
	v30 =	vld [tilespmem:s20+$0xFFFFFC00];
	v26 =	vmin.f32 v34, v24  }
0x10f: {  	v32 =	vsel vm7, s17, v33;
	v28 =	vmin.f32 v28, v25;
	vm7 =	vlt.f32 v34, v24;
	v20 =	vld [tilespmem:s20+$0xFFFFFC70]  }
0x110: {  	v22 =	vsel vm6, s17, v22;
	v25 =	vsel vm9, s18, v32;
	vm6 =	vlt.f32 v31, v26;
	v33 =	vld [tilespmem:s20+$0xFFFFFC30]  }
0x111: {  	v23 =	vsel vm5, s17, v23;
	v22 =	vsel vm7, s18, v22;
	v26 =	vmin.f32 v31, v26;
	v24 =	vld [tilespmem:s20+$0xFFFFFC20]  }
0x112: {  	v23 =	vsel vm10, s18, v23;
	v34 =	vsel vm11, s21, v25;
	v22 =	vsel vm6, s21, v22;
	v31 =	vld [tilespmem:s20+$0xFFFFFC10]  }
0x113: {  	v23 =	vsel vm8, s21, v23;
	vm5 =	vlt.f32 v30, v21;
	v21 =	vmin.f32 v30, v21;
	v25 =	vld [tilespmem:s20+$0x30]  }
0x114: {  	s17 =	sadd.s32 $0x1, s16;
	v27 =	vsel vm5, s16, v27;
	vm5 =	vlt.f32 v29, v21;
	v21 =	vmin.f32 v29, v21;
	v40 =	vld [tilespmem:s20+$0xFFFFFC50]  }
0x115: {  	vm6 =	vlt.f32 v33, v28;
	v30 =	vmin.f32 v33, v28;
	v27 =	vsel vm5, s17, v27;
	v29 =	vld [tilespmem:s20+$0xFFFFFC60]  }
.Ltmp9:
0x116: {  	v33 =	vmin.f32 v39, v21;
	v23 =	vsel vm6, s16, v23;
	vm5 =	vlt.f32 v20, v30;
	v32 =	vld [tilespmem:s20+$0x10];
	(pc) =	sbr.rel @p1 .LBB2_20-.Ltmp9, $4  }
0x117: {  	v35 =	vmin.f32 v24, v26;
	vm6 =	vlt.f32 v39, v21;
	v41 =	vmin.f32 v31, v36;
	v28 =	vld [tilespmem:s20+$0x70]  }
0x118: {  	s18 =	sadd.s32 $0x2, s16;
	vm8 =	vlt.f32 v38, v33;
	v21 =	vmin.f32 v38, v33;
	vm7 =	vlt.f32 v31, v36;
	v36 =	vld [tilespmem:s20+$0x50]  }
0x119: {  	s21 =	sadd.s32 $0x3, s16;
	v27 =	vsel vm6, s18, v27;
	v33 =	vsel vm7, s16, v34;
	v37 =	vmin.f32 v40, v41;
	v34 =	vld [tilespmem:s20+$0x20]  }
0x11a: {  	v27 =	vsel vm8, s21, v27;
	vm7 =	vlt.f32 v40, v41;
	vm6 =	vlt.f32 v29, v35;
	v31 =	vld [tilespmem:s20+$0x60];
	s20 =	sadd.s32 $0x800, s20  }
0x11b: {  	vm8 =	vlt.f32 v24, v26;
	v20 =	vmin.f32 v20, v30;
	vm9 =	vlt.f32 v32, v37  }
0x11c: {  	v24 =	vmin.f32 v29, v35;
	v26 =	vmin.f32 v32, v37;
	v29 =	vsel vm7, s17, v33  }
0x11d: {  	v23 =	vsel vm5, s17, v23;
	v27 =	vshll.u32 v27, $0x6;
	vm10 =	vlt.f32 v25, v20  }
0x11e: {  	v20 =	vmin.f32 v25, v20;
	v22 =	vsel vm8, s16, v22;
	v27 =	vor.u32 v0, v27  }
0x11f: {  	vm11 =	vlt.f32 v36, v26;
	v25 =	vmin.f32 v36, v26;
	vm8 =	vlt.f32 v28, v20  }
0x120: {  	v20 =	vmin.f32 v28, v20;
	v22 =	vsel vm6, s17, v22;
	v23 =	vsel vm10, s18, v23  }
0x121: {  	v26 =	vmin.f32 v34, v24;
	vm7 =	vlt.f32 v34, v24;
	v24 =	vsel vm9, s18, v29  }
0x122: {  	v23 =	vsel vm8, s21, v23;
	vm6 =	vlt.f32 v31, v26;
	v22 =	vsel vm7, s18, v22  }
0x123: {  	v26 =	vmin.f32 v31, v26;
	v24 =	vsel vm11, s21, v24;
	v22 =	vsel vm6, s21, v22  }
0x124: {  	v23 =	vshll.u32 v23, $0x6;
	v24 =	vshll.u32 v24, $0x6;
	v22 =	vshll.u32 v22, $0x6  }
0x125: {  	v23 =	vor.u32 v3, v23;
	vm5 =	vlt.f32 v26, v21;
	v22 =	vor.u32 v2, v22  }
0x126: {  	vm6 =	veq.f32 v26, v21;
	v24 =	vor.u32 v1, v24;
	vm7 =	vlt.s32 v22, v27  }
0x127: {  	vm8 =	vlt.s32 v23, v24;
	vm6 =	vmand vm6, vm7;
	vm7 =	veq.f32 v20, v25  }
0x128: {  	vm5 =	vmor vm5, vm6;
	vm6 =	vlt.f32 v20, v25;
	vm7 =	vmand vm7, vm8  }
0x129: {  	v21 =	vsel vm5, v26, v21;
	vm6 =	vmor vm6, vm7  }
0x12a: {  	v22 =	vsel vm5, v22, v27;
	v20 =	vsel vm6, v20, v25;
	v23 =	vsel vm6, v23, v24  }
0x12b: {  	vm5 =	veq.f32 v20, v21;
	vm6 =	vlt.s32 v23, v22  }
0x12c: {  	vm7 =	vlt.f32 v20, v21;
	vm5 =	vmand vm5, vm6  }
0x12d: {  	vm5 =	vmor vm7, vm5  }
0x12e: {  	v20 =	vsel vm5, v20, v21;
	v21 =	vsel vm5, v23, v22  }
0x12f: {  	v22 =	vperm.xlane v20, v4;
	v23 =	vperm.xlane v21, v4  }
0x130: {  	_ =	swait.ge [sflag:s12], $0x2000  }
0x131: {  	[sflag:s12] =	ssyncset.done $0x0;
	vm5 =	veq.f32 v22, v20;
	vm6 =	vlt.s32 v23, v21  }
0x132: {  	s20 =	simm.s32 $0x600;
	[sflag:s12] =	ssyncadd.s32 $0xFFFFE000;
	vm7 =	vlt.f32 v22, v20;
	vm5 =	vmand vm5, vm6  }
0x133: {  	v29 =	vld [tilespmem:s20+$0xFFFFFC00];
	vm5 =	vmor vm7, vm5  }
0x134: {  	v59 =	vld [tilespmem:s20+$0xFFFFFC30];
	v20 =	vsel vm5, v22, v20;
	v21 =	vsel vm5, v23, v21  }
0x135: {  	v28 =	vld [tilespmem:s20+$0xFFFFFC20];
	v22 =	vperm.xlane v20, v5;
	v23 =	vperm.xlane v21, v5  }
0x136: {  	v60 =	vld [tilespmem:s20+$0xFFFFFC10]  }
0x137: {  	v42 =	vld [tilespmem:s20+$0xFFFFFC50];
	vm5 =	veq.f32 v22, v20;
	vm6 =	vlt.s32 v23, v21  }
0x138: {  	v30 =	vimm.f32 $+Inf;
	v27 =	vld [tilespmem:s20+$0xFFFFFC40];
	vm7 =	vlt.f32 v22, v20;
	vm5 =	vmand vm5, vm6  }
0x139: {  	v31 =	vld [tilespmem:s20+$0x0];
	v61 =	vmin.f32 v29, v30;
	vm5 =	vmor vm7, vm5  }
0x13a: {  	v34 =	vmin.f32 v59, v30;
	v25 =	vld [tilespmem:s20+$0x40];
	v20 =	vsel vm5, v22, v20;
	v21 =	vsel vm5, v23, v21  }
0x13b: {  	v43 =	vmin.f32 v60, v30;
	v22 =	vperm.xlane v20, v6;
	v23 =	vperm.xlane v21, v6  }
0x13c: {  	v39 =	vmin.f32 v28, v30;
	v41 =	vmin.f32 v42, v43;
	v26 =	vimm.s32 $0x0  }
0x13d: {  	v63 =	vmin.f32 v27, v61;
	vm5 =	veq.f32 v22, v20;
	vm6 =	vlt.s32 v23, v21  }
0x13e: {  	v33 =	vld [tilespmem:s20+$0xFFFFFC60];
	v40 =	vmin.f32 v31, v63;
	vm7 =	vlt.f32 v22, v20;
	vm5 =	vmand vm5, vm6  }
0x13f: {  	v36 =	vld [tilespmem:s20+$0x10];
	vm8 =	vlt.f32 v25, v40;
	v25 =	vmin.f32 v25, v40;
	vm5 =	vmor vm7, vm5  }
0x140: {  	s16 =	simm.s32 $0x0;
	v24 =	vld [tilespmem:s20+$0xFFFFFC70];
	vm6 =	vlt.f32 v59, v30;
	vm7 =	vlt.f32 v60, v30;
	v22 =	vsel vm5, v22, v20  }
0x141: {  	v32 =	vld [tilespmem:s20+$0x70];
	v20 =	vsel vm5, v23, v21;
	vm5 =	vlt.f32 v29, v30;
	v37 =	vsel vm7, s16, v26  }
0x142: {  	s17 =	simm.s32 $0x1;
	v29 =	vld [tilespmem:s20+$0x30];
	vm7 =	vlt.f32 v42, v43;
	v62 =	vsel vm5, s16, v26;
	vm5 =	vlt.f32 v27, v61  }
0x143: {  	s18 =	simm.s32 $0x2;
	v40 =	vld [tilespmem:s20+$0x50];
	v27 =	vsel vm6, s16, v26;
	vm6 =	vlt.f32 v31, v63;
	v38 =	vsel vm5, s17, v62  }
0x144: {  	s21 =	simm.s32 $0x3;
	v23 =	vperm.xlane v22, v7;
	v21 =	vperm.xlane v20, v7;
	v31 =	vsel vm6, s18, v38;
	v38 =	vld [tilespmem:s20+$0x20]  }
0x145: {  	s19 =	simm.s32 $0x4;
	v35 =	vld [tilespmem:s20+$0x60];
	vm5 =	vlt.f32 v24, v34;
	vm6 =	vlt.f32 v33, v39;
	s20 =	simm.s32 $0xE00;
	v31 =	vsel vm8, s21, v31  }
.LBB2_22:
0x146: {  	v42 =	vld [tilespmem:s20+$0x40];
	p1 =	slt.u32 s19, $0x7C;
	vm8 =	vlt.f32 v28, v30;
	v24 =	vmin.f32 v24, v34;
	vm9 =	vlt.f32 v36, v41;
	s22 =	smov.u32 s19;
	s19 =	sadd.s32 $0x4, s19  }
0x147: {  	v28 =	vmin.f32 v33, v39;
	v30 =	vmin.f32 v36, v41;
	v43 =	vld [tilespmem:s20+$0x0];
	vm10 =	vlt.f32 v29, v24  }
0x148: {  	v29 =	vmin.f32 v29, v24;
	v33 =	vld [tilespmem:s20+$0xFFFFFC40];
	vm11 =	vlt.f32 v40, v30;
	v40 =	vmin.f32 v40, v30  }
0x149: {  	v26 =	vsel vm8, s16, v26;
	s16 =	smov.u32 s22;
	vm8 =	vlt.f32 v32, v29;
	v34 =	vld [tilespmem:s20+$0xFFFFFC00];
	v30 =	vmin.f32 v38, v28  }
0x14a: {  	v36 =	vsel vm7, s17, v37;
	v32 =	vmin.f32 v32, v29;
	vm7 =	vlt.f32 v38, v28;
	v24 =	vld [tilespmem:s20+$0xFFFFFC70]  }
0x14b: {  	v26 =	vsel vm6, s17, v26;
	v29 =	vsel vm9, s18, v36;
	vm6 =	vlt.f32 v35, v30;
	v37 =	vld [tilespmem:s20+$0xFFFFFC30]  }
0x14c: {  	v27 =	vsel vm5, s17, v27;
	v26 =	vsel vm7, s18, v26;
	v30 =	vmin.f32 v35, v30;
	v28 =	vld [tilespmem:s20+$0xFFFFFC20]  }
0x14d: {  	v27 =	vsel vm10, s18, v27;
	v38 =	vsel vm11, s21, v29;
	v26 =	vsel vm6, s21, v26;
	v35 =	vld [tilespmem:s20+$0xFFFFFC10]  }
0x14e: {  	v27 =	vsel vm8, s21, v27;
	vm5 =	vlt.f32 v34, v25;
	v25 =	vmin.f32 v34, v25;
	v29 =	vld [tilespmem:s20+$0x30]  }
0x14f: {  	s17 =	sadd.s32 $0x1, s16;
	v31 =	vsel vm5, s16, v31;
	vm5 =	vlt.f32 v33, v25;
	v25 =	vmin.f32 v33, v25;
	v44 =	vld [tilespmem:s20+$0xFFFFFC50]  }
0x150: {  	vm6 =	vlt.f32 v37, v32;
	v34 =	vmin.f32 v37, v32;
	v31 =	vsel vm5, s17, v31;
	v33 =	vld [tilespmem:s20+$0xFFFFFC60]  }
.Ltmp10:
0x151: {  	v37 =	vmin.f32 v43, v25;
	v27 =	vsel vm6, s16, v27;
	vm5 =	vlt.f32 v24, v34;
	v36 =	vld [tilespmem:s20+$0x10];
	(pc) =	sbr.rel @p1 .LBB2_22-.Ltmp10, $4  }
0x152: {  	v39 =	vmin.f32 v28, v30;
	vm6 =	vlt.f32 v43, v25;
	v45 =	vmin.f32 v35, v40;
	v32 =	vld [tilespmem:s20+$0x70]  }
0x153: {  	s18 =	sadd.s32 $0x2, s16;
	vm8 =	vlt.f32 v42, v37;
	v25 =	vmin.f32 v42, v37;
	vm7 =	vlt.f32 v35, v40;
	v40 =	vld [tilespmem:s20+$0x50]  }
0x154: {  	s21 =	sadd.s32 $0x3, s16;
	v31 =	vsel vm6, s18, v31;
	v37 =	vsel vm7, s16, v38;
	v41 =	vmin.f32 v44, v45;
	v38 =	vld [tilespmem:s20+$0x20]  }
0x155: {  	v31 =	vsel vm8, s21, v31;
	vm7 =	vlt.f32 v44, v45;
	vm6 =	vlt.f32 v33, v39;
	v35 =	vld [tilespmem:s20+$0x60];
	s20 =	sadd.s32 $0x800, s20  }
0x156: {  	vm8 =	vlt.f32 v28, v30;
	v24 =	vmin.f32 v24, v34;
	vm9 =	vlt.f32 v36, v41  }
0x157: {  	v28 =	vmin.f32 v33, v39;
	v30 =	vmin.f32 v36, v41;
	v55 =	vsel vm7, s17, v37  }
0x158: {  	v27 =	vsel vm5, s17, v27;
	v31 =	vshll.u32 v31, $0x6;
	vm10 =	vlt.f32 v29, v24  }
0x159: {  	v24 =	vmin.f32 v29, v24;
	v26 =	vsel vm8, s16, v26;
	v31 =	vor.u32 v0, v31  }
0x15a: {  	vm11 =	vlt.f32 v40, v30;
	v29 =	vmin.f32 v40, v30;
	vm8 =	vlt.f32 v32, v24  }
0x15b: {  	v24 =	vmin.f32 v32, v24;
	v26 =	vsel vm6, s17, v26;
	v27 =	vsel vm10, s18, v27  }
0x15c: {  	v30 =	vmin.f32 v38, v28;
	vm7 =	vlt.f32 v38, v28;
	v28 =	vsel vm9, s18, v55  }
0x15d: {  	v27 =	vsel vm8, s21, v27;
	vm6 =	vlt.f32 v35, v30;
	v26 =	vsel vm7, s18, v26  }
0x15e: {  	v30 =	vmin.f32 v35, v30;
	v28 =	vsel vm11, s21, v28;
	v26 =	vsel vm6, s21, v26  }
0x15f: {  	v27 =	vshll.u32 v27, $0x6;
	v28 =	vshll.u32 v28, $0x6;
	v26 =	vshll.u32 v26, $0x6  }
0x160: {  	v27 =	vor.u32 v3, v27;
	vm5 =	vlt.f32 v30, v25;
	v26 =	vor.u32 v2, v26  }
0x161: {  	vm6 =	veq.f32 v30, v25;
	v28 =	vor.u32 v1, v28;
	vm7 =	vlt.s32 v26, v31  }
0x162: {  	vm8 =	vlt.s32 v27, v28;
	vm6 =	vmand vm6, vm7;
	vm7 =	veq.f32 v24, v29  }
0x163: {  	vm5 =	vmor vm5, vm6;
	vm6 =	vlt.f32 v24, v29;
	vm7 =	vmand vm7, vm8  }
0x164: {  	v25 =	vsel vm5, v30, v25;
	vm6 =	vmor vm6, vm7  }
0x165: {  	v26 =	vsel vm5, v26, v31;
	v24 =	vsel vm6, v24, v29;
	v27 =	vsel vm6, v27, v28  }
0x166: {  	vm5 =	veq.f32 v24, v25;
	vm6 =	vlt.s32 v27, v26  }
0x167: {  	vm7 =	vlt.f32 v24, v25;
	vm5 =	vmand vm5, vm6  }
0x168: {  	vm5 =	vmor vm7, vm5  }
0x169: {  	v24 =	vsel vm5, v24, v25;
	v25 =	vsel vm5, v27, v26  }
0x16a: {  	_ =	swait.ge [sflag:s12], $0x2000;
	v26 =	vperm.xlane v24, v4;
	v27 =	vperm.xlane v25, v4  }
0x16b: {  	[sflag:s12] =	ssyncset.done $0x0  }
0x16c: {  	s20 =	simm.s32 $0x680;
	[sflag:s12] =	ssyncadd.s32 $0xFFFFE000;
	vm5 =	veq.f32 v26, v24;
	vm6 =	vlt.s32 v27, v25  }
0x16d: {  	v57 =	vld [tilespmem:s20+$0xFFFFFC30];
	vm7 =	vlt.f32 v26, v24;
	vm5 =	vmand vm5, vm6  }
0x16e: {  	v60 =	vld [tilespmem:s20+$0xFFFFFC10];
	vm5 =	vmor vm7, vm5  }
0x16f: {  	v58 =	vld [tilespmem:s20+$0xFFFFFC20];
	v24 =	vsel vm5, v26, v24;
	v25 =	vsel vm5, v27, v25  }
0x170: {  	v29 =	vld [tilespmem:s20+$0xFFFFFC00];
	v26 =	vperm.xlane v24, v5;
	v27 =	vperm.xlane v25, v5  }
0x171: {  	v59 =	vimm.f32 $+Inf;
	v37 =	vimm.s32 $0x0;
	s16 =	simm.s32 $0x600;
	v56 =	vld [tilespmem:s20+$0xFFFFFC40]  }
0x172: {  	s29 =	sor.u32 $0x2C0, s16;
	v36 =	vmin.f32 v57, v59;
	v30 =	vld [tilespmem:s20+$0x0];
	vm5 =	veq.f32 v26, v24;
	vm6 =	vlt.s32 v27, v25  }
0x173: {  	v43 =	vld [tilespmem:s29+$0x0];
	v46 =	vmin.f32 v60, v59;
	vm7 =	vlt.f32 v26, v24;
	vm5 =	vmand vm5, vm6  }
0x174: {  	v39 =	vmin.f32 v58, v59;
	vm8 =	vlt.f32 v58, v59;
	vm5 =	vmor vm7, vm5  }
0x175: {  	v61 =	vmin.f32 v29, v59;
	v24 =	vsel vm5, v26, v24;
	v26 =	vsel vm5, v27, v25  }
0x176: {  	v32 =	vmin.f32 v56, v61;
	v25 =	vperm.xlane v24, v6;
	v27 =	vperm.xlane v26, v6  }
0x177: {  	v35 =	vld [tilespmem:s20+$0xFFFFFC60];
	v31 =	vimm.s32 $0x0;
	v45 =	vmin.f32 v30, v32;
	vm10 =	vlt.f32 v30, v32  }
0x178: {  	v28 =	vld [tilespmem:s20+$0xFFFFFC70];
	v30 =	vmin.f32 v43, v45;
	vm5 =	veq.f32 v25, v24;
	vm6 =	vlt.s32 v27, v26  }
0x179: {  	s17 =	simm.s32 $0x0;
	v42 =	vld [tilespmem:s20+$0xFFFFFC50];
	vm7 =	vlt.f32 v25, v24;
	vm5 =	vmand vm5, vm6;
	vm6 =	vlt.f32 v57, v59  }
0x17a: {  	s19 =	sor.u32 $0x2D0, s16;
	v40 =	vld [tilespmem:s20+$0x10];
	vm9 =	vlt.f32 v43, v45;
	vm5 =	vmor vm7, vm5;
	v63 =	vsel vm6, s17, v31  }
0x17b: {  	s31 =	sor.u32 $0x2F0, s16;
	v38 =	vld [tilespmem:s19+$0x0];
	v25 =	vsel vm5, v25, v24;
	v24 =	vsel vm5, v27, v26;
	vm5 =	vlt.f32 v29, v59  }
0x17c: {  	v33 =	vld [tilespmem:s31+$0x0];
	s18 =	simm.s32 $0x1;
	vm6 =	vlt.f32 v60, v59;
	v62 =	vsel vm5, s17, v31;
	vm5 =	vlt.f32 v56, v61  }
0x17d: {  	v41 =	vld [tilespmem:s20+$0x20];
	vm7 =	vlt.f32 v35, v39;
	v44 =	vsel vm5, s18, v62;
	vm5 =	vlt.f32 v28, v36  }
0x17e: {  	s22 =	simm.s32 $0x2;
	s30 =	sor.u32 $0x2E0, s16;
	v29 =	vld [tilespmem:s20+$0x30];
	v27 =	vperm.xlane v25, v7;
	v26 =	vperm.xlane v24, v7;
	v34 =	vsel vm5, s18, v63  }
0x17f: {  	s19 =	simm.s32 $0x4;
	s21 =	simm.s32 $0x3;
	v32 =	vld [tilespmem:s30+$0x0];
	s20 =	simm.s32 $0xE80;
	vm5 =	vlt.f32 v42, v46;
	v42 =	vmin.f32 v42, v46;
	v43 =	vsel vm10, s22, v44  }
.LBB2_24:
0x180: {  	p1 =	slt.u32 s19, $0x7C  }
0x181: {  	v44 =	vld [tilespmem:s20+$0x30];
	vm10 =	vlt.f32 v40, v42;
	v40 =	vmin.f32 v40, v42;
	v42 =	vsel vm9, s21, v43;
	s16 =	sadd.s32 $0x800, s16;
	s23 =	smov.u32 s19;
	s19 =	sadd.s32 $0x4, s19  }
0x182: {  	v31 =	vsel vm6, s17, v31;
	v28 =	vmin.f32 v28, v36;
	v43 =	vld [tilespmem:s20+$0x0];
	vm6 =	vlt.f32 v38, v40  }
0x183: {  	v35 =	vmin.f32 v35, v39;
	vm9 =	vlt.f32 v29, v28;
	v45 =	vmin.f32 v38, v40;
	v36 =	vld [tilespmem:s20+$0xFFFFFC40]  }
0x184: {  	v37 =	vsel vm8, s17, v37;
	v31 =	vsel vm5, s18, v31;
	v39 =	vmin.f32 v29, v28;
	s17 =	smov.u32 s23;
	v38 =	vld [tilespmem:s20+$0xFFFFFC00]  }
0x185: {  	v46 =	vsel vm7, s18, v37;
	v28 =	vld [tilespmem:s20+$0xFFFFFC70];
	vm5 =	vlt.f32 v41, v35;
	v35 =	vmin.f32 v41, v35  }
0x186: {  	v31 =	vsel vm10, s22, v31;
	v34 =	vsel vm9, s22, v34;
	v40 =	vld [tilespmem:s20+$0xFFFFFC30];
	v37 =	vsel vm5, s22, v46;
	v29 =	vmovc v44  }
0x187: {  	v31 =	vsel vm6, s21, v31;
	vm5 =	vlt.f32 v32, v35;
	v44 =	vmin.f32 v32, v35;
	v41 =	vld [tilespmem:s20+$0xFFFFFC20]  }
0x188: {  	s18 =	sor.u32 $0x2C0, s16;
	v37 =	vsel vm5, s21, v37;
	vm5 =	vlt.f32 v33, v39;
	v33 =	vmin.f32 v33, v39;
	v32 =	vld [tilespmem:s20+$0xFFFFFC10]  }
0x189: {  	v34 =	vsel vm5, s21, v34;
	vm6 =	vlt.f32 v38, v30;
	v30 =	vmin.f32 v38, v30;
	v46 =	vld [tilespmem:s18+$0x0]  }
0x18a: {  	s18 =	sadd.s32 $0x1, s17;
	v35 =	vsel vm6, s17, v42;
	vm5 =	vlt.f32 v36, v30;
	v30 =	vmin.f32 v36, v30;
	v42 =	vld [tilespmem:s20+$0xFFFFFC50]  }
0x18b: {  	vm6 =	vlt.f32 v40, v33;
	v36 =	vmin.f32 v40, v33;
	v47 =	vsel vm5, s18, v35;
	v35 =	vld [tilespmem:s20+$0xFFFFFC60]  }
.Ltmp11:
0x18c: {  	s21 =	sor.u32 $0x2D0, s16;
	v48 =	vmin.f32 v43, v30;
	v33 =	vsel vm6, s17, v34;
	vm5 =	vlt.f32 v28, v36;
	v40 =	vld [tilespmem:s20+$0x10];
	(pc) =	sbr.rel @p1 .LBB2_24-.Ltmp11, $4  }
0x18d: {  	vm10 =	vlt.f32 v43, v30;
	v39 =	vmin.f32 v41, v44;
	v49 =	vmin.f32 v32, v45;
	v38 =	vld [tilespmem:s21+$0x0];
	s21 =	sor.u32 $0x2E0, s16  }
0x18e: {  	vm6 =	vlt.f32 v32, v45;
	v34 =	vsel vm5, s18, v33;
	v30 =	vmin.f32 v46, v48;
	v32 =	vld [tilespmem:s21+$0x0];
	s21 =	sor.u32 $0x2F0, s16  }
0x18f: {  	s22 =	sadd.s32 $0x2, s17;
	vm9 =	vlt.f32 v46, v48;
	vm5 =	vlt.f32 v42, v49;
	v42 =	vmin.f32 v42, v49;
	v33 =	vld [tilespmem:s21+$0x0]  }
0x190: {  	vm8 =	vlt.f32 v41, v44;
	v43 =	vsel vm10, s22, v47;
	s21 =	sadd.s32 $0x3, s17;
	vm7 =	vlt.f32 v35, v39;
	v41 =	vld [tilespmem:s20+$0x20];
	s20 =	sadd.s32 $0x800, s20  }
0x191: {  	vm10 =	vlt.f32 v40, v42  }
0x192: {  	v63 =	vmin.f32 v40, v42;
	v45 =	vsel vm9, s21, v43;
	v31 =	vsel vm6, s17, v31  }
0x193: {  	v28 =	vmin.f32 v28, v36;
	v35 =	vmin.f32 v35, v39;
	v37 =	vsel vm8, s17, v37  }
0x194: {  	vm6 =	vlt.f32 v38, v63;
	vm14 =	vlt.f32 v29, v28;
	v46 =	vmin.f32 v38, v63  }
0x195: {  	v31 =	vsel vm5, s18, v31;
	v28 =	vmin.f32 v29, v28;
	v47 =	vsel vm7, s18, v37  }
0x196: {  	v49 =	vshll.u32 v45, $0x6;
	v31 =	vsel vm10, s22, v31;
	v34 =	vsel vm14, s22, v34  }
0x197: {  	vm14 =	veq.f32 v11, v10;
	v31 =	vsel vm6, s21, v31;
	vm5 =	vlt.f32 v41, v35  }
0x198: {  	v35 =	vmin.f32 v41, v35;
	v31 =	vshll.u32 v31, $0x6;
	v29 =	vsel vm5, s22, v47  }
0x199: {  	vm5 =	vlt.f32 v32, v35;
	v48 =	vmin.f32 v32, v35;
	v31 =	vor.u32 v1, v31  }
0x19a: {  	v29 =	vsel vm5, s21, v29;
	vm5 =	vlt.f32 v33, v28;
	v28 =	vmin.f32 v33, v28  }
0x19b: {  	v33 =	vor.u32 v0, v49;
	v34 =	vsel vm5, s21, v34;
	v29 =	vshll.u32 v29, $0x6  }
0x19c: {  	vm6 =	vlt.f32 v48, v30;
	v34 =	vshll.u32 v34, $0x6;
	v29 =	vor.u32 v2, v29  }
0x19d: {  	vm7 =	veq.f32 v48, v30;
	v34 =	vor.u32 v3, v34;
	vm15 =	vlt.s32 v29, v33  }
0x19e: {  	vm12 =	veq.f32 v28, v46;
	vm7 =	vmand vm7, vm15;
	vm13 =	vlt.s32 v34, v31  }
0x19f: {  	vm6 =	vmor vm6, vm7;
	vm7 =	vlt.f32 v28, v46;
	vm8 =	vmand vm12, vm13  }
0x1a0: {  	vm5 =	vlt.f32 v11, v10;
	v50 =	vsel vm6, v48, v30;
	vm7 =	vmor vm7, vm8  }
0x1a1: {  	v51 =	vsel vm6, v29, v33;
	v28 =	vsel vm7, v28, v46;
	v52 =	vsel vm7, v34, v31  }
0x1a2: {  	vm6 =	vlt.s32 v9, v8;
	vm7 =	veq.f32 v28, v50;
	vm15 =	vlt.s32 v52, v51  }
0x1a3: {  	vm6 =	vmand vm14, vm6;
	vm12 =	vlt.f32 v28, v50;
	vm7 =	vmand vm7, vm15  }
0x1a4: {  	vm5 =	vmor vm5, vm6;
	vm6 =	vmor vm12, vm7  }
0x1a5: {  	v53 =	vsel vm6, v28, v50;
	v54 =	vsel vm6, v52, v51  }
0x1a6: {  	v55 =	vperm.xlane v53, v4;
	v56 =	vperm.xlane v54, v4  }
0x1a7: {  	vm13 =	vlt.s32 v13, v12  }
0x1a8: {  	v8 =	vsel vm5, v9, v8;
	vm6 =	veq.f32 v55, v53;
	vm7 =	vlt.s32 v56, v54  }
0x1a9: {  	vm5 =	vmmov $0x1;
	vm14 =	vlt.f32 v55, v53;
	vm6 =	vmand vm6, vm7  }
0x1aa: {  	v8 =	vnsel vm5, $0x0, v8;
	vm5 =	veq.f32 v15, v14;
	vm6 =	vmor vm14, vm6  }
0x1ab: {  	vm5 =	vmand vm5, vm13;
	v9 =	vsel vm6, v55, v53;
	v10 =	vsel vm6, v56, v54  }
0x1ac: {  	vm7 =	vlt.f32 v15, v14;
	v58 =	vperm.xlane v9, v5;
	v59 =	vperm.xlane v10, v5  }
0x1ad: {  	vm15 =	vlt.s32 v17, v16;
	vm5 =	vmor vm7, vm5  }
0x1ae: {  	v57 =	vsel vm5, v13, v12;
	vm6 =	veq.f32 v58, v9;
	vm7 =	vlt.s32 v59, v10  }
0x1af: {  	vm5 =	veq.f32 v19, v18;
	vm12 =	vlt.f32 v58, v9;
	vm6 =	vmand vm6, vm7  }
0x1b0: {  	vm5 =	vmand vm5, vm15;
	vm6 =	vmor vm12, vm6  }
0x1b1: {  	vm7 =	vlt.f32 v19, v18;
	v9 =	vsel vm6, v58, v9;
	v10 =	vsel vm6, v59, v10  }
0x1b2: {  	vm5 =	vmor vm7, vm5;
	v12 =	vperm.xlane v9, v6;
	v13 =	vperm.xlane v10, v6  }
0x1b3: {  	vm13 =	vlt.s32 v21, v20;
	v8 =	vsel vm0, v8, v57;
	v60 =	vsel vm5, v17, v16  }
0x1b4: {  	vm5 =	veq.f32 v23, v22;
	vm6 =	veq.f32 v12, v9;
	vm7 =	vlt.s32 v13, v10  }
0x1b5: {  	v8 =	vsel vm1, v8, v60;
	vm14 =	vlt.f32 v12, v9;
	vm6 =	vmand vm6, vm7  }
0x1b6: {  	vm5 =	vmand vm5, vm13;
	vm7 =	vlt.f32 v23, v22;
	vm6 =	vmor vm14, vm6  }
0x1b7: {  	vm5 =	vmor vm7, vm5;
	v9 =	vsel vm6, v12, v9;
	v10 =	vsel vm6, v13, v10  }
0x1b8: {  	vm7 =	vlt.s32 v26, v24;
	v12 =	vperm.xlane v9, v7;
	v13 =	vperm.xlane v10, v7  }
0x1b9: {  	v61 =	vsel vm5, v21, v20;
	vm5 =	vlt.f32 v27, v25;
	vm6 =	veq.f32 v27, v25  }
0x1ba: {  	vm6 =	vmand vm6, vm7;
	vm7 =	veq.f32 v12, v9;
	vm15 =	vlt.s32 v13, v10  }
0x1bb: {  	vm5 =	vmor vm5, vm6;
	vm6 =	vlt.f32 v12, v9;
	vm7 =	vmand vm7, vm15  }
0x1bc: {  	v8 =	vsel vm2, v8, v61;
	v62 =	vsel vm5, v26, v24;
	vm5 =	vmor vm6, vm7  }
0x1bd: {  	v8 =	vsel vm3, v8, v62;
	v63 =	vsel vm5, v13, v10  }
0x1be: {  	v8 =	vsel vm4, v8, v63  }
0x1bf: {  	[tilespmem:$0x10000] =	vst v8  }
0x1c0: {  	[spmem:s9] =	stream.linear.scatter [tilespmem:s13], [sflag:$0x2], $0x6, $0x38;
	[tilespmem:$0x10088] =	vst v63  }
0x1c1: {  	_ =	swait.ge [sflag:s14], $0x6  }
0x1c2: {  	[sflag:s14] =	ssyncset.done $0x0  }
0x1c3: {  	s16 =	sshrl.u32 @!p0 s1, $0x3;
	s15 =	sadd.s32 $0x1, s15;
	[sflag:s14] =	ssyncadd.s32 $0xFFFFFFFA  }
0x1c4: {  	s17 =	simm.s32 @!p0 $0x1C02;
	p1 =	sne.s32 s15, s11;
	[bflag:$0x0] =	sbarrier.arrive $0xFFFF  }
0x1c5: {  	[hbm:s10], [sflag:s17] =	dma.local @!p0 [spmem:s16], $0x100  }
.Ltmp12:
0x1c6: {  	_ = 	snop;
	(pc) =	sbr.rel @p1 .LBB2_1-.Ltmp12, $4  }
0x1c7: {  	s16 =	simm.s32 @!p0 $0x2  }
0x1c8: {  	_ =	swait.ge @!p0 [sflag:s16], $0x100  }
0x1c9: {  	[sflag:s16] =	ssyncset.done @!p0 $0x0  }
0x1ca: {  	[sflag:s16] =	ssyncadd.s32 @!p0 $0xFFFFFF00  }
0x1cb: {  	_ =	sfence.sel $0x180000  }
0x1cc: {  	[bflag:$0x0] =	sbarrier.arrive $0xFFFF  }
0x1cd: {  	_ =	strace $0x90000047  }
0x1ce: {  	s0 =	sadd.s32 @!p0 $0x100000, s0;
	[bflag:$0x2] =	sbarrier.arrive $0xFFFF  }
0x1cf: {  	[sflag:s0] =	ssyncadd.tile.s32 @!p0 $0x1;
	_ =	shalt  }
.Lfunc_end2:
_tile_overlayer_lowered:
.L_overlay_start_2:
0x1d0: {  	(tag) =	ssettag $0x2  }
0x1d1: {  	s0 =	rddreg [dreg:$0x0];
	s2 =	stileid.u32  }
0x1d2: {  	s1 =	rddreg [dreg:$0x1];
	p0 =	sne.s32 s2, $0x0  }
0x1d3: {  	s3 =	rddreg [dreg:$0x2];
	[bflag:$0x3] =	sbarrier.arrive $0xFFFF;
	s2 =	simm.s32 @!p0 $0x1C02  }
0x1d4: {  	[timem:s3], [sflag:s2] =	dma.local @!p0 [hbm:s0], s1  }
0x1d5: {  	s0 =	simm.s32 @!p0 $0x2  }
0x1d6: {  	_ =	swait.ge @!p0 [sflag:s0], s1  }
0x1d7: {  	s1 =	ssub.s32 @!p0 $0x0, s1;
	[sflag:s0] =	ssyncset.done @!p0 $0x0  }
0x1d8: {  	[sflag:s0] =	ssyncadd.s32 @!p0 s1  }
0x1d9: {  	[bflag:$0x3] =	sbarrier.arrive $0xFFFF  }
0x1da: {  	_ =	shalt  }

</sc_bundles>
